<compile_context>
chip_gen: v7x
topology: tpu7x:2x2x1
jax: 0.10.2.dev20260603
libtpu: 0.0.44.dev20260713+nightly
codegen_flags: <defaults>
</compile_context>

<pallas_src>
import functools

import jax
import jax.numpy as jnp
from jax import lax
from jax.experimental import pallas as pl
from jax.experimental.pallas import tpu as pltpu
from jax.experimental.pallas import tpu_sc as plsc

_INTERP_H = 14
_INTERP_W = 14
_G = 16


def _roi_matrix(rois_ref, m, h, w, ih, iw):
    p = ih * iw
    q = h * w
    x1 = rois_ref[m, 0] * (w - 1)
    y1 = rois_ref[m, 1] * (h - 1)
    x2 = rois_ref[m, 2] * (w - 1)
    y2 = rois_ref[m, 3] * (h - 1)

    r = jax.lax.broadcasted_iota(jnp.int32, (p, 1), 0)
    i = (r // iw).astype(jnp.float32)
    j = (r % iw).astype(jnp.float32)
    ys = jnp.clip(y1 + (y2 - y1) * (i * (1.0 / (ih - 1))), 0.0, h - 1.0)
    xs = jnp.clip(x1 + (x2 - x1) * (j * (1.0 / (iw - 1))), 0.0, w - 1.0)

    c = jax.lax.broadcasted_iota(jnp.int32, (1, q), 1)
    y = (c // w).astype(jnp.float32)
    x = (c % w).astype(jnp.float32)

    ay = jnp.maximum(1.0 - jnp.abs(ys - y), 0.0)
    ax = jnp.maximum(1.0 - jnp.abs(xs - x), 0.0)
    return (ay * ax).astype(jnp.bfloat16)


_NCHUNK = 8


def _interp_kernel(idx_ref, rois_ref, need_ref, prev_ref, in_hbm, out_ref,
                   in_vmem, sems):
    g = pl.program_id(0)
    h, w = 14, 14
    n = in_vmem.shape[0]
    rows = n // _NCHUNK

    @pl.when(g == 0)
    def _stage():
        for c in range(_NCHUNK):
            sl = pl.ds(c * rows, rows)
            pltpu.make_async_copy(in_hbm.at[sl], in_vmem.at[sl],
                                  sems.at[c]).start()

    for c in range(_NCHUNK):
        @pl.when((prev_ref[g] < c) & (c <= need_ref[g]))
        def _wait(c=c):
            sl = pl.ds(c * rows, rows)
            pltpu.make_async_copy(in_hbm.at[sl], in_vmem.at[sl],
                                  sems.at[c]).wait()

    for k in range(_G):
        m = idx_ref[g * _G + k]
        mmat = _roi_matrix(rois_ref, m, h, w, _INTERP_H, _INTERP_W)
        out_ref[k] = jax.lax.dot_general(
            in_vmem[m], mmat,
            dimension_numbers=(((0,), (1,)), ((), ())),
            preferred_element_type=jnp.float32,
        )


def _make_compact_idx(n):
    @functools.partial(
        pl.kernel,
        mesh=plsc.ScalarSubcoreMesh(
            axis_name="c", num_cores=plsc.get_sparse_core_info().num_cores),
        out_type=jax.ShapeDtypeStruct((n,), jnp.int32),
        scratch_types=[
            pltpu.SMEM((n * 4,), jnp.float32),
            pltpu.SMEM((n,), jnp.int32),
            pltpu.SemaphoreType.DMA,
        ],
    )
    def _compact(rois_hbm, idx_hbm, rois_s, idx_s, sem):
        @pl.when(lax.axis_index("c") == 0)
        def _():
            pltpu.async_copy(rois_hbm, rois_s, sem).wait()

            def fill(i, carry):
                idx_s[i] = 0
                return carry

            lax.fori_loop(0, n, fill, 0)

            def body(i, count):
                keep = jnp.logical_not(
                    (rois_s[i * 4] == 0.0) & (rois_s[i * 4 + 2] == 0.0))

                @pl.when(keep)
                def _store():
                    idx_s[count] = i

                return count + keep.astype(jnp.int32)

            lax.fori_loop(0, n, body, jnp.int32(0))
            pltpu.async_copy(idx_s, idx_hbm, sem).wait()

    return _compact


def kernel(input, rois):
    n, ch, h, w = input.shape
    q = h * w
    p = _INTERP_H * _INTERP_W
    idx = _make_compact_idx(n)(rois.reshape(n * 4))
    inp_t = jnp.swapaxes(input.reshape(n, ch, q), 1, 2).astype(jnp.bfloat16)

    rows_per_chunk = n // _NCHUNK
    bmax = jnp.max(idx.reshape(n // _G, _G), axis=1)
    need = (jax.lax.cummax(bmax) // rows_per_chunk).astype(jnp.int32)
    prev = jnp.concatenate([jnp.full((1,), -1, jnp.int32), need[:-1]])

    grid_spec = pltpu.PrefetchScalarGridSpec(
        num_scalar_prefetch=4,
        grid=(n // _G,),
        in_specs=[pl.BlockSpec(memory_space=pltpu.MemorySpace.HBM)],
        out_specs=pl.BlockSpec((_G, ch, p),
                               lambda g, idx_ref, rois_ref, need_ref, prev_ref:
                               (g, 0, 0)),
        scratch_shapes=[
            pltpu.MemorySpace.VMEM((n, q, ch), jnp.bfloat16),
            pltpu.SemaphoreType.DMA((_NCHUNK,)),
        ],
    )
    out = pl.pallas_call(
        _interp_kernel,
        grid_spec=grid_spec,
        out_shape=jax.ShapeDtypeStruct((n, ch, p), jnp.float32),
        compiler_params=pltpu.CompilerParams(vmem_limit_bytes=100 * 1024 * 1024),
    )(idx, rois, need, prev, inp_t)
    return out.reshape(n, ch, _INTERP_H, _INTERP_W)

# --- scband reference (transcript-rebuilt; emitter-appended) ---
"""Pipeline reference for scband-ro-iinterp-15547781612121 (READ-ONLY COPY).

The authoritative reference and input builder live on the scoring server;
editing this copy changes nothing except your own understanding.
"""

import jax, jax.numpy as jnp
import numpy as np

INTERP_H = 14
INTERP_W = 14
PAD_INPUT = 0


def setup_inputs(seed: int = 0) -> dict:
    key = jax.random.key(seed)
    k1, k2 = jax.random.split(key)
    inp = jax.random.normal(k1, (512, 256, 14, 14), dtype=jnp.float32)
    rois = jax.random.uniform(k2, (512, 4), dtype=jnp.float32)
    return {"input": inp, "rois": rois}


def _bilinear_roi(inp, rois, ih, iw):
    # Crop-and-resize each ROI (normalized x1,y1,x2,y2 coords) to (ih, iw) via
    # bilinear interpolation -- faithful RoIInterpFunction semantics.
    N, C, H, W = inp.shape
    x1 = rois[:, 0] * (W - 1)
    y1 = rois[:, 1] * (H - 1)
    x2 = rois[:, 2] * (W - 1)
    y2 = rois[:, 3] * (H - 1)
    ty = jnp.linspace(0.0, 1.0, ih, dtype=inp.dtype)
    tx = jnp.linspace(0.0, 1.0, iw, dtype=inp.dtype)
    ys = jnp.clip(y1[:, None] + (y2 - y1)[:, None] * ty[None, :], 0.0, H - 1)  # [N, ih]
    xs = jnp.clip(x1[:, None] + (x2 - x1)[:, None] * tx[None, :], 0.0, W - 1)  # [N, iw]
    y0 = jnp.clip(jnp.floor(ys), 0, H - 2).astype(jnp.int32)
    x0 = jnp.clip(jnp.floor(xs), 0, W - 2).astype(jnp.int32)
    wy = (ys - y0.astype(inp.dtype))[:, :, None, None]  # [N, ih, 1, 1]
    wx = (xs - x0.astype(inp.dtype))[:, None, :, None]  # [N, 1, iw, 1]
    inp_t = jnp.transpose(inp, (0, 2, 3, 1))  # [N, H, W, C]
    n_idx = jnp.arange(N)[:, None, None]
    y0b = y0[:, :, None]  # [N, ih, 1]
    x0b = x0[:, None, :]  # [N, 1, iw]
    v00 = inp_t[n_idx, y0b, x0b]          # [N, ih, iw, C]
    v01 = inp_t[n_idx, y0b, x0b + 1]
    v10 = inp_t[n_idx, y0b + 1, x0b]
    v11 = inp_t[n_idx, y0b + 1, x0b + 1]
    top = v00 * (1.0 - wx) + v01 * wx
    bot = v10 * (1.0 - wx) + v11 * wx
    out = top * (1.0 - wy) + bot * wy     # [N, ih, iw, C]
    return jnp.transpose(out, (0, 3, 1, 2))  # [N, C, ih, iw]


def reference(input, rois):
    # Filter ROIs where rois[i,0]==0 and rois[i,2]==0 (as in the torch forward)
    mask = ~((rois[:, 0] == 0) & (rois[:, 2] == 0))
    idx = jnp.nonzero(mask, size=rois.shape[0], fill_value=0)[0]
    input_s = jnp.take(input, idx, axis=0)
    rois_s = jnp.take(rois, idx, axis=0)
    # pad_input replication: torch code builds pad_input copies (min 1)
    reps = max(PAD_INPUT, 1)
    input_s = jnp.concatenate([input_s] * reps, axis=0)
    rois_s = jnp.concatenate([rois_s] * reps, axis=0)
    return _bilinear_roi(input_s, rois_s, INTERP_H, INTERP_W)

if __name__ == "__main__":
    import jax
    _d = setup_inputs()
    print(jax.jit(kernel)(*tuple(_d.values())))

</pallas_src>

<mosaic_0001>
#map = affine_map<(d0) -> (0)>
module attributes {stable_mosaic.version = 14 : i64} {
  func.func @_compact(%arg0: i32, %arg1: memref<2048xf32, #tpu.memory_space<hbm>>, %arg2: memref<512xi32, #tpu.memory_space<hbm>>, %arg3: memref<2048xf32, #tpu.memory_space<smem>>, %arg4: memref<512xi32, #tpu.memory_space<smem>>, %arg5: memref<!tpu.dma_semaphore, #tpu.memory_space<semaphore_mem>>) attributes {dimension_semantics = [#tpu.dimension_semantics<core_parallel>], iteration_bounds = array<i64: 2>, scalar_prefetch = 0 : i64, scratch_operands = 3 : i64, tpu.core_type = #tpu.core_type<sc_scalar_subcore>, window_params = [{transform_indices = #map}, {transform_indices = #map}]} {
    %eq3A = arith.constant 0 : i32
    %eq3A_0 = arith.cmpi eq, %arg0, %eq3A : i32
    %convert_element_type3A = arith.extui %eq3A_0 : i1 to i32
    %cond3A = arith.constant 0 : i32
    %cond3A_1 = arith.cmpi ne, %convert_element_type3A, %cond3A : i32
    scf.if %cond3A_1 {
      tpu.enqueue_dma source(%arg1 : memref<2048xf32, #tpu.memory_space<hbm>>) target(%arg3 : memref<2048xf32, #tpu.memory_space<smem>>) target_semaphore(%arg5 : memref<!tpu.dma_semaphore, #tpu.memory_space<semaphore_mem>>)
      tpu.wait_dma2 semaphore(%arg5 : memref<!tpu.dma_semaphore, #tpu.memory_space<semaphore_mem>>) src(%arg1 : memref<2048xf32, #tpu.memory_space<hbm>>) dst(%arg3 : memref<2048xf32, #tpu.memory_space<smem>>)
      %scan3A = arith.constant 0 : i32
      %scan3A_2 = arith.constant 0 : i32
      %scan3A_3 = arith.constant 512 : i32
      %scan3A_4 = arith.addi %scan3A_2, %scan3A_3 : i32
      %scan3A_5 = arith.constant 1 : i32
      scf.for %scan3A_14 = %scan3A_2 to %scan3A_4 step %scan3A_5  : i32 {
        %swap3A = arith.constant 0 : i32
        %swap3A_15 = arith.index_cast %scan3A_14 : i32 to index
        %swap3A_16 = memref.load %arg4[%swap3A_15] : memref<512xi32, #tpu.memory_space<smem>>
        memref.store %swap3A, %arg4[%swap3A_15] : memref<512xi32, #tpu.memory_space<smem>>
      }
      %scan3A_6 = arith.constant 512 : i32
      %scan3A_7 = arith.constant 0 : i32
      %scan3A_8 = arith.constant 0 : i32
      %scan3A_9 = arith.constant 512 : i32
      %scan3A_10 = arith.addi %scan3A_8, %scan3A_9 : i32
      %scan3A_11 = arith.constant 1 : i32
      %scan3A_12 = scf.for %scan3A_14 = %scan3A_8 to %scan3A_10 step %scan3A_11 iter_args(%scan3A_15 = %scan3A_7) -> (i32)  : i32 {
        %mul3A = arith.constant 4 : i32
        %mul3A_16 = arith.muli %scan3A_14, %mul3A : i32
        %get3A = arith.index_cast %mul3A_16 : i32 to index
        %get3A_17 = memref.load %arg3[%get3A] : memref<2048xf32, #tpu.memory_space<smem>>
        %eq3A_18 = arith.constant 0.000000e+00 : f32
        %eq3A_19 = arith.cmpf oeq, %get3A_17, %eq3A_18 : f32
        %mul3A_20 = arith.constant 4 : i32
        %mul3A_21 = arith.muli %scan3A_14, %mul3A_20 : i32
        %add3A = arith.constant 2 : i32
        %add3A_22 = arith.addi %mul3A_21, %add3A : i32
        %get3A_23 = arith.index_cast %add3A_22 : i32 to index
        %get3A_24 = memref.load %arg3[%get3A_23] : memref<2048xf32, #tpu.memory_space<smem>>
        %eq3A_25 = arith.constant 0.000000e+00 : f32
        %eq3A_26 = arith.cmpf oeq, %get3A_24, %eq3A_25 : f32
        %and3A = arith.andi %eq3A_19, %eq3A_26 : i1
        %not3A = arith.constant true
        %not3A_27 = arith.xori %and3A, %not3A : i1
        %convert_element_type3A_28 = arith.extui %not3A_27 : i1 to i32
        %cond3A_29 = arith.constant 0 : i32
        %cond3A_30 = arith.cmpi ne, %convert_element_type3A_28, %cond3A_29 : i32
        scf.if %cond3A_30 {
          %swap3A = arith.index_cast %scan3A_15 : i32 to index
          %swap3A_33 = memref.load %arg4[%swap3A] : memref<512xi32, #tpu.memory_space<smem>>
          memref.store %scan3A_14, %arg4[%swap3A] : memref<512xi32, #tpu.memory_space<smem>>
        } else {
        }
        %convert_element_type3A_31 = arith.extui %not3A_27 : i1 to i32
        %add3A_32 = arith.addi %scan3A_15, %convert_element_type3A_31 : i32
        scf.yield %add3A_32 : i32
      }
      %scan3A_13 = arith.constant 512 : i32
      tpu.enqueue_dma source(%arg4 : memref<512xi32, #tpu.memory_space<smem>>) target(%arg2 : memref<512xi32, #tpu.memory_space<hbm>>) target_semaphore(%arg5 : memref<!tpu.dma_semaphore, #tpu.memory_space<semaphore_mem>>)
      tpu.wait_dma2 semaphore(%arg5 : memref<!tpu.dma_semaphore, #tpu.memory_space<semaphore_mem>>) src(%arg4 : memref<512xi32, #tpu.memory_space<smem>>) dst(%arg2 : memref<512xi32, #tpu.memory_space<hbm>>)
    } else {
    }
    return
  }
}

module attributes {stable_mosaic.version = 14 : i64} {
  func.func @_interp_kernel(%arg0: i32, %arg1: memref<512xi32, #tpu.memory_space<smem>>, %arg2: memref<512x4xf32, #tpu.memory_space<smem>>, %arg3: memref<32xi32, #tpu.memory_space<smem>>, %arg4: memref<32xi32, #tpu.memory_space<smem>>, %arg5: memref<512x196x256xbf16, #tpu.memory_space<hbm>>, %arg6: memref<16x256x196xf32, #tpu.memory_space<vmem>>, %arg7: memref<512x196x256xbf16, #tpu.memory_space<vmem>>, %arg8: memref<8x!tpu.dma_semaphore, #tpu.memory_space<semaphore_mem>>) attributes {dimension_semantics = [#tpu.dimension_semantics<arbitrary>], iteration_bounds = array<i64: 32>, scalar_prefetch = 4 : i64, scratch_operands = 2 : i64, tpu.core_type = #tpu.core_type<tc>, window_params = [{}, {transform_indices = @transform_1, window_bounds = array<i64: 16, 256, 196>}]} {
    %eq3A = arith.constant 0 : i32
    %eq3A_0 = arith.cmpi eq, %arg0, %eq3A : i32
    %convert_element_type3A = arith.extui %eq3A_0 : i1 to i32
    %cond3A = arith.constant 0 : i32
    %cond3A_1 = arith.cmpi ne, %convert_element_type3A, %cond3A : i32
    scf.if %cond3A_1 {
      %dma_start3A = arith.constant 0 : i32
      %dma_start3A_3295 = tpu.memref_slice %arg8[%dma_start3A] : memref<8x!tpu.dma_semaphore, #tpu.memory_space<semaphore_mem>> -> memref<1x!tpu.dma_semaphore, #tpu.memory_space<semaphore_mem>>
      %dma_start3A_3296 = tpu.memref_squeeze %dma_start3A_3295 : memref<1x!tpu.dma_semaphore, #tpu.memory_space<semaphore_mem>> -> memref<!tpu.dma_semaphore, #tpu.memory_space<semaphore_mem>>
      %dma_start3A_3297 = arith.constant 0 : i32
      %dma_start3A_3298 = arith.constant 0 : i32
      %dma_start3A_3299 = arith.constant 0 : i32
      %dma_start3A_3300 = tpu.memref_slice %arg7[%dma_start3A_3297, %dma_start3A_3298, %dma_start3A_3299] : memref<512x196x256xbf16, #tpu.memory_space<vmem>> -> memref<64x196x256xbf16, #tpu.memory_space<vmem>>
      %dma_start3A_3301 = arith.constant 0 : i32
      %dma_start3A_3302 = arith.constant 0 : i32
      %dma_start3A_3303 = arith.constant 0 : i32
      %dma_start3A_3304 = tpu.memref_slice %arg5[%dma_start3A_3301, %dma_start3A_3302, %dma_start3A_3303] : memref<512x196x256xbf16, #tpu.memory_space<hbm>> -> memref<64x196x256xbf16, #tpu.memory_space<hbm>>
      tpu.enqueue_dma source(%dma_start3A_3304 : memref<64x196x256xbf16, #tpu.memory_space<hbm>>) target(%dma_start3A_3300 : memref<64x196x256xbf16, #tpu.memory_space<vmem>>) target_semaphore(%dma_start3A_3296 : memref<!tpu.dma_semaphore, #tpu.memory_space<semaphore_mem>>)
      %dma_start3A_3305 = arith.constant 1 : i32
      %dma_start3A_3306 = tpu.memref_slice %arg8[%dma_start3A_3305] : memref<8x!tpu.dma_semaphore, #tpu.memory_space<semaphore_mem>> -> memref<1x!tpu.dma_semaphore, #tpu.memory_space<semaphore_mem>>
      %dma_start3A_3307 = tpu.memref_squeeze %dma_start3A_3306 : memref<1x!tpu.dma_semaphore, #tpu.memory_space<semaphore_mem>> -> memref<!tpu.dma_semaphore, #tpu.memory_space<semaphore_mem>>
      %dma_start3A_3308 = arith.constant 64 : i32
      %dma_start3A_3309 = arith.constant 0 : i32
      %dma_start3A_3310 = arith.constant 0 : i32
      %dma_start3A_3311 = tpu.memref_slice %arg7[%dma_start3A_3308, %dma_start3A_3309, %dma_start3A_3310] : memref<512x196x256xbf16, #tpu.memory_space<vmem>> -> memref<64x196x256xbf16, #tpu.memory_space<vmem>>
      %dma_start3A_3312 = arith.constant 64 : i32
      %dma_start3A_3313 = arith.constant 0 : i32
      %dma_start3A_3314 = arith.constant 0 : i32
      %dma_start3A_3315 = tpu.memref_slice %arg5[%dma_start3A_3312, %dma_start3A_3313, %dma_start3A_3314] : memref<512x196x256xbf16, #tpu.memory_space<hbm>> -> memref<64x196x256xbf16, #tpu.memory_space<hbm>>
      tpu.enqueue_dma source(%dma_start3A_3315 : memref<64x196x256xbf16, #tpu.memory_space<hbm>>) target(%dma_start3A_3311 : memref<64x196x256xbf16, #tpu.memory_space<vmem>>) target_semaphore(%dma_start3A_3307 : memref<!tpu.dma_semaphore, #tpu.memory_space<semaphore_mem>>)
      %dma_start3A_3316 = arith.constant 2 : i32
      %dma_start3A_3317 = tpu.memref_slice %arg8[%dma_start3A_3316] : memref<8x!tpu.dma_semaphore, #tpu.memory_space<semaphore_mem>> -> memref<1x!tpu.dma_semaphore, #tpu.memory_space<semaphore_mem>>
      %dma_start3A_3318 = tpu.memref_squeeze %dma_start3A_3317 : memref<1x!tpu.dma_semaphore, #tpu.memory_space<semaphore_mem>> -> memref<!tpu.dma_semaphore, #tpu.memory_space<semaphore_mem>>
      %dma_start3A_3319 = arith.constant 128 : i32
      %dma_start3A_3320 = arith.constant 0 : i32
      %dma_start3A_3321 = arith.constant 0 : i32
      %dma_start3A_3322 = tpu.memref_slice %arg7[%dma_start3A_3319, %dma_start3A_3320, %dma_start3A_3321] : memref<512x196x256xbf16, #tpu.memory_space<vmem>> -> memref<64x196x256xbf16, #tpu.memory_space<vmem>>
      %dma_start3A_3323 = arith.constant 128 : i32
      %dma_start3A_3324 = arith.constant 0 : i32
      %dma_start3A_3325 = arith.constant 0 : i32
      %dma_start3A_3326 = tpu.memref_slice %arg5[%dma_start3A_3323, %dma_start3A_3324, %dma_start3A_3325] : memref<512x196x256xbf16, #tpu.memory_space<hbm>> -> memref<64x196x256xbf16, #tpu.memory_space<hbm>>
      tpu.enqueue_dma source(%dma_start3A_3326 : memref<64x196x256xbf16, #tpu.memory_space<hbm>>) target(%dma_start3A_3322 : memref<64x196x256xbf16, #tpu.memory_space<vmem>>) target_semaphore(%dma_start3A_3318 : memref<!tpu.dma_semaphore, #tpu.memory_space<semaphore_mem>>)
      %dma_start3A_3327 = arith.constant 3 : i32
      %dma_start3A_3328 = tpu.memref_slice %arg8[%dma_start3A_3327] : memref<8x!tpu.dma_semaphore, #tpu.memory_space<semaphore_mem>> -> memref<1x!tpu.dma_semaphore, #tpu.memory_space<semaphore_mem>>
      %dma_start3A_3329 = tpu.memref_squeeze %dma_start3A_3328 : memref<1x!tpu.dma_semaphore, #tpu.memory_space<semaphore_mem>> -> memref<!tpu.dma_semaphore, #tpu.memory_space<semaphore_mem>>
      %dma_start3A_3330 = arith.constant 192 : i32
      %dma_start3A_3331 = arith.constant 0 : i32
      %dma_start3A_3332 = arith.constant 0 : i32
      %dma_start3A_3333 = tpu.memref_slice %arg7[%dma_start3A_3330, %dma_start3A_3331, %dma_start3A_3332] : memref<512x196x256xbf16, #tpu.memory_space<vmem>> -> memref<64x196x256xbf16, #tpu.memory_space<vmem>>
      %dma_start3A_3334 = arith.constant 192 : i32
      %dma_start3A_3335 = arith.constant 0 : i32
      %dma_start3A_3336 = arith.constant 0 : i32
      %dma_start3A_3337 = tpu.memref_slice %arg5[%dma_start3A_3334, %dma_start3A_3335, %dma_start3A_3336] : memref<512x196x256xbf16, #tpu.memory_space<hbm>> -> memref<64x196x256xbf16, #tpu.memory_space<hbm>>
      tpu.enqueue_dma source(%dma_start3A_3337 : memref<64x196x256xbf16, #tpu.memory_space<hbm>>) target(%dma_start3A_3333 : memref<64x196x256xbf16, #tpu.memory_space<vmem>>) target_semaphore(%dma_start3A_3329 : memref<!tpu.dma_semaphore, #tpu.memory_space<semaphore_mem>>)
      %dma_start3A_3338 = arith.constant 4 : i32
      %dma_start3A_3339 = tpu.memref_slice %arg8[%dma_start3A_3338] : memref<8x!tpu.dma_semaphore, #tpu.memory_space<semaphore_mem>> -> memref<1x!tpu.dma_semaphore, #tpu.memory_space<semaphore_mem>>
      %dma_start3A_3340 = tpu.memref_squeeze %dma_start3A_3339 : memref<1x!tpu.dma_semaphore, #tpu.memory_space<semaphore_mem>> -> memref<!tpu.dma_semaphore, #tpu.memory_space<semaphore_mem>>
      %dma_start3A_3341 = arith.constant 256 : i32
      %dma_start3A_3342 = arith.constant 0 : i32
      %dma_start3A_3343 = arith.constant 0 : i32
      %dma_start3A_3344 = tpu.memref_slice %arg7[%dma_start3A_3341, %dma_start3A_3342, %dma_start3A_3343] : memref<512x196x256xbf16, #tpu.memory_space<vmem>> -> memref<64x196x256xbf16, #tpu.memory_space<vmem>>
      %dma_start3A_3345 = arith.constant 256 : i32
      %dma_start3A_3346 = arith.constant 0 : i32
      %dma_start3A_3347 = arith.constant 0 : i32
      %dma_start3A_3348 = tpu.memref_slice %arg5[%dma_start3A_3345, %dma_start3A_3346, %dma_start3A_3347] : memref<512x196x256xbf16, #tpu.memory_space<hbm>> -> memref<64x196x256xbf16, #tpu.memory_space<hbm>>
      tpu.enqueue_dma source(%dma_start3A_3348 : memref<64x196x256xbf16, #tpu.memory_space<hbm>>) target(%dma_start3A_3344 : memref<64x196x256xbf16, #tpu.memory_space<vmem>>) target_semaphore(%dma_start3A_3340 : memref<!tpu.dma_semaphore, #tpu.memory_space<semaphore_mem>>)
      %dma_start3A_3349 = arith.constant 5 : i32
      %dma_start3A_3350 = tpu.memref_slice %arg8[%dma_start3A_3349] : memref<8x!tpu.dma_semaphore, #tpu.memory_space<semaphore_mem>> -> memref<1x!tpu.dma_semaphore, #tpu.memory_space<semaphore_mem>>
      %dma_start3A_3351 = tpu.memref_squeeze %dma_start3A_3350 : memref<1x!tpu.dma_semaphore, #tpu.memory_space<semaphore_mem>> -> memref<!tpu.dma_semaphore, #tpu.memory_space<semaphore_mem>>
      %dma_start3A_3352 = arith.constant 320 : i32
      %dma_start3A_3353 = arith.constant 0 : i32
      %dma_start3A_3354 = arith.constant 0 : i32
      %dma_start3A_3355 = tpu.memref_slice %arg7[%dma_start3A_3352, %dma_start3A_3353, %dma_start3A_3354] : memref<512x196x256xbf16, #tpu.memory_space<vmem>> -> memref<64x196x256xbf16, #tpu.memory_space<vmem>>
      %dma_start3A_3356 = arith.constant 320 : i32
      %dma_start3A_3357 = arith.constant 0 : i32
      %dma_start3A_3358 = arith.constant 0 : i32
      %dma_start3A_3359 = tpu.memref_slice %arg5[%dma_start3A_3356, %dma_start3A_3357, %dma_start3A_3358] : memref<512x196x256xbf16, #tpu.memory_space<hbm>> -> memref<64x196x256xbf16, #tpu.memory_space<hbm>>
      tpu.enqueue_dma source(%dma_start3A_3359 : memref<64x196x256xbf16, #tpu.memory_space<hbm>>) target(%dma_start3A_3355 : memref<64x196x256xbf16, #tpu.memory_space<vmem>>) target_semaphore(%dma_start3A_3351 : memref<!tpu.dma_semaphore, #tpu.memory_space<semaphore_mem>>)
      %dma_start3A_3360 = arith.constant 6 : i32
      %dma_start3A_3361 = tpu.memref_slice %arg8[%dma_start3A_3360] : memref<8x!tpu.dma_semaphore, #tpu.memory_space<semaphore_mem>> -> memref<1x!tpu.dma_semaphore, #tpu.memory_space<semaphore_mem>>
      %dma_start3A_3362 = tpu.memref_squeeze %dma_start3A_3361 : memref<1x!tpu.dma_semaphore, #tpu.memory_space<semaphore_mem>> -> memref<!tpu.dma_semaphore, #tpu.memory_space<semaphore_mem>>
      %dma_start3A_3363 = arith.constant 384 : i32
      %dma_start3A_3364 = arith.constant 0 : i32
      %dma_start3A_3365 = arith.constant 0 : i32
      %dma_start3A_3366 = tpu.memref_slice %arg7[%dma_start3A_3363, %dma_start3A_3364, %dma_start3A_3365] : memref<512x196x256xbf16, #tpu.memory_space<vmem>> -> memref<64x196x256xbf16, #tpu.memory_space<vmem>>
      %dma_start3A_3367 = arith.constant 384 : i32
      %dma_start3A_3368 = arith.constant 0 : i32
      %dma_start3A_3369 = arith.constant 0 : i32
      %dma_start3A_3370 = tpu.memref_slice %arg5[%dma_start3A_3367, %dma_start3A_3368, %dma_start3A_3369] : memref<512x196x256xbf16, #tpu.memory_space<hbm>> -> memref<64x196x256xbf16, #tpu.memory_space<hbm>>
      tpu.enqueue_dma source(%dma_start3A_3370 : memref<64x196x256xbf16, #tpu.memory_space<hbm>>) target(%dma_start3A_3366 : memref<64x196x256xbf16, #tpu.memory_space<vmem>>) target_semaphore(%dma_start3A_3362 : memref<!tpu.dma_semaphore, #tpu.memory_space<semaphore_mem>>)
      %dma_start3A_3371 = arith.constant 7 : i32
      %dma_start3A_3372 = tpu.memref_slice %arg8[%dma_start3A_3371] : memref<8x!tpu.dma_semaphore, #tpu.memory_space<semaphore_mem>> -> memref<1x!tpu.dma_semaphore, #tpu.memory_space<semaphore_mem>>
      %dma_start3A_3373 = tpu.memref_squeeze %dma_start3A_3372 : memref<1x!tpu.dma_semaphore, #tpu.memory_space<semaphore_mem>> -> memref<!tpu.dma_semaphore, #tpu.memory_space<semaphore_mem>>
      %dma_start3A_3374 = arith.constant 448 : i32
      %dma_start3A_3375 = arith.constant 0 : i32
      %dma_start3A_3376 = arith.constant 0 : i32
      %dma_start3A_3377 = tpu.memref_slice %arg7[%dma_start3A_3374, %dma_start3A_3375, %dma_start3A_3376] : memref<512x196x256xbf16, #tpu.memory_space<vmem>> -> memref<64x196x256xbf16, #tpu.memory_space<vmem>>
      %dma_start3A_3378 = arith.constant 448 : i32
      %dma_start3A_3379 = arith.constant 0 : i32
      %dma_start3A_3380 = arith.constant 0 : i32
      %dma_start3A_3381 = tpu.memref_slice %arg5[%dma_start3A_3378, %dma_start3A_3379, %dma_start3A_3380] : memref<512x196x256xbf16, #tpu.memory_space<hbm>> -> memref<64x196x256xbf16, #tpu.memory_space<hbm>>
      tpu.enqueue_dma source(%dma_start3A_3381 : memref<64x196x256xbf16, #tpu.memory_space<hbm>>) target(%dma_start3A_3377 : memref<64x196x256xbf16, #tpu.memory_space<vmem>>) target_semaphore(%dma_start3A_3373 : memref<!tpu.dma_semaphore, #tpu.memory_space<semaphore_mem>>)
    } else {
    }
    %get3A = arith.index_cast %arg0 : i32 to index
    %get3A_2 = memref.load %arg4[%get3A] : memref<32xi32, #tpu.memory_space<smem>>
    %lt3A = arith.constant 0 : i32
    %lt3A_3 = arith.cmpi slt, %get3A_2, %lt3A : i32
    %get3A_4 = arith.index_cast %arg0 : i32 to index
    %get3A_5 = memref.load %arg3[%get3A_4] : memref<32xi32, #tpu.memory_space<smem>>
    %ge3A = arith.constant 0 : i32
    %ge3A_6 = arith.cmpi sge, %get3A_5, %ge3A : i32
    %and3A = arith.andi %lt3A_3, %ge3A_6 : i1
    %convert_element_type3A_7 = arith.extui %and3A : i1 to i32
    %cond3A_8 = arith.constant 0 : i32
    %cond3A_9 = arith.cmpi ne, %convert_element_type3A_7, %cond3A_8 : i32
    scf.if %cond3A_9 {
      %dma_wait3A = arith.constant 0 : i32
      %dma_wait3A_3295 = tpu.memref_slice %arg8[%dma_wait3A] : memref<8x!tpu.dma_semaphore, #tpu.memory_space<semaphore_mem>> -> memref<1x!tpu.dma_semaphore, #tpu.memory_space<semaphore_mem>>
      %dma_wait3A_3296 = tpu.memref_squeeze %dma_wait3A_3295 : memref<1x!tpu.dma_semaphore, #tpu.memory_space<semaphore_mem>> -> memref<!tpu.dma_semaphore, #tpu.memory_space<semaphore_mem>>
      %dma_wait3A_3297 = arith.constant 0 : i32
      %dma_wait3A_3298 = arith.constant 0 : i32
      %dma_wait3A_3299 = arith.constant 0 : i32
      %dma_wait3A_3300 = tpu.memref_slice %arg7[%dma_wait3A_3297, %dma_wait3A_3298, %dma_wait3A_3299] : memref<512x196x256xbf16, #tpu.memory_space<vmem>> -> memref<64x196x256xbf16, #tpu.memory_space<vmem>>
      %dma_wait3A_3301 = arith.constant 0 : i32
      %dma_wait3A_3302 = arith.constant 0 : i32
      %dma_wait3A_3303 = arith.constant 0 : i32
      %dma_wait3A_3304 = tpu.memref_slice %arg5[%dma_wait3A_3301, %dma_wait3A_3302, %dma_wait3A_3303] : memref<512x196x256xbf16, #tpu.memory_space<hbm>> -> memref<64x196x256xbf16, #tpu.memory_space<hbm>>
      tpu.wait_dma2 semaphore(%dma_wait3A_3296 : memref<!tpu.dma_semaphore, #tpu.memory_space<semaphore_mem>>) src(%dma_wait3A_3304 : memref<64x196x256xbf16, #tpu.memory_space<hbm>>) dst(%dma_wait3A_3300 : memref<64x196x256xbf16, #tpu.memory_space<vmem>>)
    } else {
    }
    %get3A_10 = arith.index_cast %arg0 : i32 to index
    %get3A_11 = memref.load %arg4[%get3A_10] : memref<32xi32, #tpu.memory_space<smem>>
    %lt3A_12 = arith.constant 1 : i32
    %lt3A_13 = arith.cmpi slt, %get3A_11, %lt3A_12 : i32
    %get3A_14 = arith.index_cast %arg0 : i32 to index
    %get3A_15 = memref.load %arg3[%get3A_14] : memref<32xi32, #tpu.memory_space<smem>>
    %ge3A_16 = arith.constant 1 : i32
    %ge3A_17 = arith.cmpi sge, %get3A_15, %ge3A_16 : i32
    %and3A_18 = arith.andi %lt3A_13, %ge3A_17 : i1
    %convert_element_type3A_19 = arith.extui %and3A_18 : i1 to i32
    %cond3A_20 = arith.constant 0 : i32
    %cond3A_21 = arith.cmpi ne, %convert_element_type3A_19, %cond3A_20 : i32
    scf.if %cond3A_21 {
      %dma_wait3A = arith.constant 1 : i32
      %dma_wait3A_3295 = tpu.memref_slice %arg8[%dma_wait3A] : memref<8x!tpu.dma_semaphore, #tpu.memory_space<semaphore_mem>> -> memref<1x!tpu.dma_semaphore, #tpu.memory_space<semaphore_mem>>
      %dma_wait3A_3296 = tpu.memref_squeeze %dma_wait3A_3295 : memref<1x!tpu.dma_semaphore, #tpu.memory_space<semaphore_mem>> -> memref<!tpu.dma_semaphore, #tpu.memory_space<semaphore_mem>>
      %dma_wait3A_3297 = arith.constant 64 : i32
      %dma_wait3A_3298 = arith.constant 0 : i32
      %dma_wait3A_3299 = arith.constant 0 : i32
      %dma_wait3A_3300 = tpu.memref_slice %arg7[%dma_wait3A_3297, %dma_wait3A_3298, %dma_wait3A_3299] : memref<512x196x256xbf16, #tpu.memory_space<vmem>> -> memref<64x196x256xbf16, #tpu.memory_space<vmem>>
      %dma_wait3A_3301 = arith.constant 64 : i32
      %dma_wait3A_3302 = arith.constant 0 : i32
      %dma_wait3A_3303 = arith.constant 0 : i32
      %dma_wait3A_3304 = tpu.memref_slice %arg5[%dma_wait3A_3301, %dma_wait3A_3302, %dma_wait3A_3303] : memref<512x196x256xbf16, #tpu.memory_space<hbm>> -> memref<64x196x256xbf16, #tpu.memory_space<hbm>>
      tpu.wait_dma2 semaphore(%dma_wait3A_3296 : memref<!tpu.dma_semaphore, #tpu.memory_space<semaphore_mem>>) src(%dma_wait3A_3304 : memref<64x196x256xbf16, #tpu.memory_space<hbm>>) dst(%dma_wait3A_3300 : memref<64x196x256xbf16, #tpu.memory_space<vmem>>)
    } else {
    }
    %get3A_22 = arith.index_cast %arg0 : i32 to index
    %get3A_23 = memref.load %arg4[%get3A_22] : memref<32xi32, #tpu.memory_space<smem>>
    %lt3A_24 = arith.constant 2 : i32
    %lt3A_25 = arith.cmpi slt, %get3A_23, %lt3A_24 : i32
    %get3A_26 = arith.index_cast %arg0 : i32 to index
    %get3A_27 = memref.load %arg3[%get3A_26] : memref<32xi32, #tpu.memory_space<smem>>
    %ge3A_28 = arith.constant 2 : i32
    %ge3A_29 = arith.cmpi sge, %get3A_27, %ge3A_28 : i32
    %and3A_30 = arith.andi %lt3A_25, %ge3A_29 : i1
    %convert_element_type3A_31 = arith.extui %and3A_30 : i1 to i32
    %cond3A_32 = arith.constant 0 : i32
    %cond3A_33 = arith.cmpi ne, %convert_element_type3A_31, %cond3A_32 : i32
    scf.if %cond3A_33 {
      %dma_wait3A = arith.constant 2 : i32
      %dma_wait3A_3295 = tpu.memref_slice %arg8[%dma_wait3A] : memref<8x!tpu.dma_semaphore, #tpu.memory_space<semaphore_mem>> -> memref<1x!tpu.dma_semaphore, #tpu.memory_space<semaphore_mem>>
      %dma_wait3A_3296 = tpu.memref_squeeze %dma_wait3A_3295 : memref<1x!tpu.dma_semaphore, #tpu.memory_space<semaphore_mem>> -> memref<!tpu.dma_semaphore, #tpu.memory_space<semaphore_mem>>
      %dma_wait3A_3297 = arith.constant 128 : i32
      %dma_wait3A_3298 = arith.constant 0 : i32
      %dma_wait3A_3299 = arith.constant 0 : i32
      %dma_wait3A_3300 = tpu.memref_slice %arg7[%dma_wait3A_3297, %dma_wait3A_3298, %dma_wait3A_3299] : memref<512x196x256xbf16, #tpu.memory_space<vmem>> -> memref<64x196x256xbf16, #tpu.memory_space<vmem>>
      %dma_wait3A_3301 = arith.constant 128 : i32
      %dma_wait3A_3302 = arith.constant 0 : i32
      %dma_wait3A_3303 = arith.constant 0 : i32
      %dma_wait3A_3304 = tpu.memref_slice %arg5[%dma_wait3A_3301, %dma_wait3A_3302, %dma_wait3A_3303] : memref<512x196x256xbf16, #tpu.memory_space<hbm>> -> memref<64x196x256xbf16, #tpu.memory_space<hbm>>
      tpu.wait_dma2 semaphore(%dma_wait3A_3296 : memref<!tpu.dma_semaphore, #tpu.memory_space<semaphore_mem>>) src(%dma_wait3A_3304 : memref<64x196x256xbf16, #tpu.memory_space<hbm>>) dst(%dma_wait3A_3300 : memref<64x196x256xbf16, #tpu.memory_space<vmem>>)
    } else {
    }
    %get3A_34 = arith.index_cast %arg0 : i32 to index
    %get3A_35 = memref.load %arg4[%get3A_34] : memref<32xi32, #tpu.memory_space<smem>>
    %lt3A_36 = arith.constant 3 : i32
    %lt3A_37 = arith.cmpi slt, %get3A_35, %lt3A_36 : i32
    %get3A_38 = arith.index_cast %arg0 : i32 to index
    %get3A_39 = memref.load %arg3[%get3A_38] : memref<32xi32, #tpu.memory_space<smem>>
    %ge3A_40 = arith.constant 3 : i32
    %ge3A_41 = arith.cmpi sge, %get3A_39, %ge3A_40 : i32
    %and3A_42 = arith.andi %lt3A_37, %ge3A_41 : i1
    %convert_element_type3A_43 = arith.extui %and3A_42 : i1 to i32
    %cond3A_44 = arith.constant 0 : i32
    %cond3A_45 = arith.cmpi ne, %convert_element_type3A_43, %cond3A_44 : i32
    scf.if %cond3A_45 {
      %dma_wait3A = arith.constant 3 : i32
      %dma_wait3A_3295 = tpu.memref_slice %arg8[%dma_wait3A] : memref<8x!tpu.dma_semaphore, #tpu.memory_space<semaphore_mem>> -> memref<1x!tpu.dma_semaphore, #tpu.memory_space<semaphore_mem>>
      %dma_wait3A_3296 = tpu.memref_squeeze %dma_wait3A_3295 : memref<1x!tpu.dma_semaphore, #tpu.memory_space<semaphore_mem>> -> memref<!tpu.dma_semaphore, #tpu.memory_space<semaphore_mem>>
      %dma_wait3A_3297 = arith.constant 192 : i32
      %dma_wait3A_3298 = arith.constant 0 : i32
      %dma_wait3A_3299 = arith.constant 0 : i32
      %dma_wait3A_3300 = tpu.memref_slice %arg7[%dma_wait3A_3297, %dma_wait3A_3298, %dma_wait3A_3299] : memref<512x196x256xbf16, #tpu.memory_space<vmem>> -> memref<64x196x256xbf16, #tpu.memory_space<vmem>>
      %dma_wait3A_3301 = arith.constant 192 : i32
      %dma_wait3A_3302 = arith.constant 0 : i32
      %dma_wait3A_3303 = arith.constant 0 : i32
      %dma_wait3A_3304 = tpu.memref_slice %arg5[%dma_wait3A_3301, %dma_wait3A_3302, %dma_wait3A_3303] : memref<512x196x256xbf16, #tpu.memory_space<hbm>> -> memref<64x196x256xbf16, #tpu.memory_space<hbm>>
      tpu.wait_dma2 semaphore(%dma_wait3A_3296 : memref<!tpu.dma_semaphore, #tpu.memory_space<semaphore_mem>>) src(%dma_wait3A_3304 : memref<64x196x256xbf16, #tpu.memory_space<hbm>>) dst(%dma_wait3A_3300 : memref<64x196x256xbf16, #tpu.memory_space<vmem>>)
    } else {
    }
    %get3A_46 = arith.index_cast %arg0 : i32 to index
    %get3A_47 = memref.load %arg4[%get3A_46] : memref<32xi32, #tpu.memory_space<smem>>
    %lt3A_48 = arith.constant 4 : i32
    %lt3A_49 = arith.cmpi slt, %get3A_47, %lt3A_48 : i32
    %get3A_50 = arith.index_cast %arg0 : i32 to index
    %get3A_51 = memref.load %arg3[%get3A_50] : memref<32xi32, #tpu.memory_space<smem>>
    %ge3A_52 = arith.constant 4 : i32
    %ge3A_53 = arith.cmpi sge, %get3A_51, %ge3A_52 : i32
    %and3A_54 = arith.andi %lt3A_49, %ge3A_53 : i1
    %convert_element_type3A_55 = arith.extui %and3A_54 : i1 to i32
    %cond3A_56 = arith.constant 0 : i32
    %cond3A_57 = arith.cmpi ne, %convert_element_type3A_55, %cond3A_56 : i32
    scf.if %cond3A_57 {
      %dma_wait3A = arith.constant 4 : i32
      %dma_wait3A_3295 = tpu.memref_slice %arg8[%dma_wait3A] : memref<8x!tpu.dma_semaphore, #tpu.memory_space<semaphore_mem>> -> memref<1x!tpu.dma_semaphore, #tpu.memory_space<semaphore_mem>>
      %dma_wait3A_3296 = tpu.memref_squeeze %dma_wait3A_3295 : memref<1x!tpu.dma_semaphore, #tpu.memory_space<semaphore_mem>> -> memref<!tpu.dma_semaphore, #tpu.memory_space<semaphore_mem>>
      %dma_wait3A_3297 = arith.constant 256 : i32
      %dma_wait3A_3298 = arith.constant 0 : i32
      %dma_wait3A_3299 = arith.constant 0 : i32
      %dma_wait3A_3300 = tpu.memref_slice %arg7[%dma_wait3A_3297, %dma_wait3A_3298, %dma_wait3A_3299] : memref<512x196x256xbf16, #tpu.memory_space<vmem>> -> memref<64x196x256xbf16, #tpu.memory_space<vmem>>
      %dma_wait3A_3301 = arith.constant 256 : i32
      %dma_wait3A_3302 = arith.constant 0 : i32
      %dma_wait3A_3303 = arith.constant 0 : i32
      %dma_wait3A_3304 = tpu.memref_slice %arg5[%dma_wait3A_3301, %dma_wait3A_3302, %dma_wait3A_3303] : memref<512x196x256xbf16, #tpu.memory_space<hbm>> -> memref<64x196x256xbf16, #tpu.memory_space<hbm>>
      tpu.wait_dma2 semaphore(%dma_wait3A_3296 : memref<!tpu.dma_semaphore, #tpu.memory_space<semaphore_mem>>) src(%dma_wait3A_3304 : memref<64x196x256xbf16, #tpu.memory_space<hbm>>) dst(%dma_wait3A_3300 : memref<64x196x256xbf16, #tpu.memory_space<vmem>>)
    } else {
    }
    %get3A_58 = arith.index_cast %arg0 : i32 to index
    %get3A_59 = memref.load %arg4[%get3A_58] : memref<32xi32, #tpu.memory_space<smem>>
    %lt3A_60 = arith.constant 5 : i32
    %lt3A_61 = arith.cmpi slt, %get3A_59, %lt3A_60 : i32
    %get3A_62 = arith.index_cast %arg0 : i32 to index
    %get3A_63 = memref.load %arg3[%get3A_62] : memref<32xi32, #tpu.memory_space<smem>>
    %ge3A_64 = arith.constant 5 : i32
    %ge3A_65 = arith.cmpi sge, %get3A_63, %ge3A_64 : i32
    %and3A_66 = arith.andi %lt3A_61, %ge3A_65 : i1
    %convert_element_type3A_67 = arith.extui %and3A_66 : i1 to i32
    %cond3A_68 = arith.constant 0 : i32
    %cond3A_69 = arith.cmpi ne, %convert_element_type3A_67, %cond3A_68 : i32
    scf.if %cond3A_69 {
      %dma_wait3A = arith.constant 5 : i32
      %dma_wait3A_3295 = tpu.memref_slice %arg8[%dma_wait3A] : memref<8x!tpu.dma_semaphore, #tpu.memory_space<semaphore_mem>> -> memref<1x!tpu.dma_semaphore, #tpu.memory_space<semaphore_mem>>
      %dma_wait3A_3296 = tpu.memref_squeeze %dma_wait3A_3295 : memref<1x!tpu.dma_semaphore, #tpu.memory_space<semaphore_mem>> -> memref<!tpu.dma_semaphore, #tpu.memory_space<semaphore_mem>>
      %dma_wait3A_3297 = arith.constant 320 : i32
      %dma_wait3A_3298 = arith.constant 0 : i32
      %dma_wait3A_3299 = arith.constant 0 : i32
      %dma_wait3A_3300 = tpu.memref_slice %arg7[%dma_wait3A_3297, %dma_wait3A_3298, %dma_wait3A_3299] : memref<512x196x256xbf16, #tpu.memory_space<vmem>> -> memref<64x196x256xbf16, #tpu.memory_space<vmem>>
      %dma_wait3A_3301 = arith.constant 320 : i32
      %dma_wait3A_3302 = arith.constant 0 : i32
      %dma_wait3A_3303 = arith.constant 0 : i32
      %dma_wait3A_3304 = tpu.memref_slice %arg5[%dma_wait3A_3301, %dma_wait3A_3302, %dma_wait3A_3303] : memref<512x196x256xbf16, #tpu.memory_space<hbm>> -> memref<64x196x256xbf16, #tpu.memory_space<hbm>>
      tpu.wait_dma2 semaphore(%dma_wait3A_3296 : memref<!tpu.dma_semaphore, #tpu.memory_space<semaphore_mem>>) src(%dma_wait3A_3304 : memref<64x196x256xbf16, #tpu.memory_space<hbm>>) dst(%dma_wait3A_3300 : memref<64x196x256xbf16, #tpu.memory_space<vmem>>)
    } else {
    }
    %get3A_70 = arith.index_cast %arg0 : i32 to index
    %get3A_71 = memref.load %arg4[%get3A_70] : memref<32xi32, #tpu.memory_space<smem>>
    %lt3A_72 = arith.constant 6 : i32
    %lt3A_73 = arith.cmpi slt, %get3A_71, %lt3A_72 : i32
    %get3A_74 = arith.index_cast %arg0 : i32 to index
    %get3A_75 = memref.load %arg3[%get3A_74] : memref<32xi32, #tpu.memory_space<smem>>
    %ge3A_76 = arith.constant 6 : i32
    %ge3A_77 = arith.cmpi sge, %get3A_75, %ge3A_76 : i32
    %and3A_78 = arith.andi %lt3A_73, %ge3A_77 : i1
    %convert_element_type3A_79 = arith.extui %and3A_78 : i1 to i32
    %cond3A_80 = arith.constant 0 : i32
    %cond3A_81 = arith.cmpi ne, %convert_element_type3A_79, %cond3A_80 : i32
    scf.if %cond3A_81 {
      %dma_wait3A = arith.constant 6 : i32
      %dma_wait3A_3295 = tpu.memref_slice %arg8[%dma_wait3A] : memref<8x!tpu.dma_semaphore, #tpu.memory_space<semaphore_mem>> -> memref<1x!tpu.dma_semaphore, #tpu.memory_space<semaphore_mem>>
      %dma_wait3A_3296 = tpu.memref_squeeze %dma_wait3A_3295 : memref<1x!tpu.dma_semaphore, #tpu.memory_space<semaphore_mem>> -> memref<!tpu.dma_semaphore, #tpu.memory_space<semaphore_mem>>
      %dma_wait3A_3297 = arith.constant 384 : i32
      %dma_wait3A_3298 = arith.constant 0 : i32
      %dma_wait3A_3299 = arith.constant 0 : i32
      %dma_wait3A_3300 = tpu.memref_slice %arg7[%dma_wait3A_3297, %dma_wait3A_3298, %dma_wait3A_3299] : memref<512x196x256xbf16, #tpu.memory_space<vmem>> -> memref<64x196x256xbf16, #tpu.memory_space<vmem>>
      %dma_wait3A_3301 = arith.constant 384 : i32
      %dma_wait3A_3302 = arith.constant 0 : i32
      %dma_wait3A_3303 = arith.constant 0 : i32
      %dma_wait3A_3304 = tpu.memref_slice %arg5[%dma_wait3A_3301, %dma_wait3A_3302, %dma_wait3A_3303] : memref<512x196x256xbf16, #tpu.memory_space<hbm>> -> memref<64x196x256xbf16, #tpu.memory_space<hbm>>
      tpu.wait_dma2 semaphore(%dma_wait3A_3296 : memref<!tpu.dma_semaphore, #tpu.memory_space<semaphore_mem>>) src(%dma_wait3A_3304 : memref<64x196x256xbf16, #tpu.memory_space<hbm>>) dst(%dma_wait3A_3300 : memref<64x196x256xbf16, #tpu.memory_space<vmem>>)
    } else {
    }
    %get3A_82 = arith.index_cast %arg0 : i32 to index
    %get3A_83 = memref.load %arg4[%get3A_82] : memref<32xi32, #tpu.memory_space<smem>>
    %lt3A_84 = arith.constant 7 : i32
    %lt3A_85 = arith.cmpi slt, %get3A_83, %lt3A_84 : i32
    %get3A_86 = arith.index_cast %arg0 : i32 to index
    %get3A_87 = memref.load %arg3[%get3A_86] : memref<32xi32, #tpu.memory_space<smem>>
    %ge3A_88 = arith.constant 7 : i32
    %ge3A_89 = arith.cmpi sge, %get3A_87, %ge3A_88 : i32
    %and3A_90 = arith.andi %lt3A_85, %ge3A_89 : i1
    %convert_element_type3A_91 = arith.extui %and3A_90 : i1 to i32
    %cond3A_92 = arith.constant 0 : i32
    %cond3A_93 = arith.cmpi ne, %convert_element_type3A_91, %cond3A_92 : i32
    scf.if %cond3A_93 {
      %dma_wait3A = arith.constant 7 : i32
      %dma_wait3A_3295 = tpu.memref_slice %arg8[%dma_wait3A] : memref<8x!tpu.dma_semaphore, #tpu.memory_space<semaphore_mem>> -> memref<1x!tpu.dma_semaphore, #tpu.memory_space<semaphore_mem>>
      %dma_wait3A_3296 = tpu.memref_squeeze %dma_wait3A_3295 : memref<1x!tpu.dma_semaphore, #tpu.memory_space<semaphore_mem>> -> memref<!tpu.dma_semaphore, #tpu.memory_space<semaphore_mem>>
      %dma_wait3A_3297 = arith.constant 448 : i32
      %dma_wait3A_3298 = arith.constant 0 : i32
      %dma_wait3A_3299 = arith.constant 0 : i32
      %dma_wait3A_3300 = tpu.memref_slice %arg7[%dma_wait3A_3297, %dma_wait3A_3298, %dma_wait3A_3299] : memref<512x196x256xbf16, #tpu.memory_space<vmem>> -> memref<64x196x256xbf16, #tpu.memory_space<vmem>>
      %dma_wait3A_3301 = arith.constant 448 : i32
      %dma_wait3A_3302 = arith.constant 0 : i32
      %dma_wait3A_3303 = arith.constant 0 : i32
      %dma_wait3A_3304 = tpu.memref_slice %arg5[%dma_wait3A_3301, %dma_wait3A_3302, %dma_wait3A_3303] : memref<512x196x256xbf16, #tpu.memory_space<hbm>> -> memref<64x196x256xbf16, #tpu.memory_space<hbm>>
      tpu.wait_dma2 semaphore(%dma_wait3A_3296 : memref<!tpu.dma_semaphore, #tpu.memory_space<semaphore_mem>>) src(%dma_wait3A_3304 : memref<64x196x256xbf16, #tpu.memory_space<hbm>>) dst(%dma_wait3A_3300 : memref<64x196x256xbf16, #tpu.memory_space<vmem>>)
    } else {
    }
    %mul3A = arith.constant 16 : i32
    %mul3A_94 = arith.muli %arg0, %mul3A : i32
    %add3A = arith.constant 0 : i32
    %add3A_95 = arith.addi %mul3A_94, %add3A : i32
    %get3A_96 = arith.index_cast %add3A_95 : i32 to index
    %get3A_97 = memref.load %arg1[%get3A_96] : memref<512xi32, #tpu.memory_space<smem>>
    %get3A_98 = arith.index_cast %get3A_97 : i32 to index
    %get3A_99 = arith.constant 0 : index
    %get3A_100 = memref.load %arg2[%get3A_98, %get3A_99] : memref<512x4xf32, #tpu.memory_space<smem>>
    %mul3A_101 = arith.constant 1.300000e+01 : f32
    %mul3A_102 = arith.mulf %get3A_100, %mul3A_101 : f32
    %get3A_103 = arith.index_cast %get3A_97 : i32 to index
    %get3A_104 = arith.constant 1 : index
    %get3A_105 = memref.load %arg2[%get3A_103, %get3A_104] : memref<512x4xf32, #tpu.memory_space<smem>>
    %mul3A_106 = arith.constant 1.300000e+01 : f32
    %mul3A_107 = arith.mulf %get3A_105, %mul3A_106 : f32
    %get3A_108 = arith.index_cast %get3A_97 : i32 to index
    %get3A_109 = arith.constant 2 : index
    %get3A_110 = memref.load %arg2[%get3A_108, %get3A_109] : memref<512x4xf32, #tpu.memory_space<smem>>
    %mul3A_111 = arith.constant 1.300000e+01 : f32
    %mul3A_112 = arith.mulf %get3A_110, %mul3A_111 : f32
    %get3A_113 = arith.index_cast %get3A_97 : i32 to index
    %get3A_114 = arith.constant 3 : index
    %get3A_115 = memref.load %arg2[%get3A_113, %get3A_114] : memref<512x4xf32, #tpu.memory_space<smem>>
    %mul3A_116 = arith.constant 1.300000e+01 : f32
    %mul3A_117 = arith.mulf %get3A_115, %mul3A_116 : f32
    %iota3A = tpu.iota {dimensions = array<i32: 0>} : vector<196x1xi32>
    %jit3A = arith.constant 14 : i32
    %div3A = vector.broadcast %jit3A : i32 to vector<196x1xi32>
    %div3A_118 = arith.divsi %iota3A, %div3A : vector<196x1xi32>
    %sign3A = arith.constant 0 : i32
    %sign3A_119 = vector.broadcast %sign3A : i32 to vector<196x1xi32>
    %sign3A_120 = arith.cmpi sgt, %iota3A, %sign3A_119 : vector<196x1xi32>
    %sign3A_121 = arith.extui %sign3A_120 : vector<196x1xi1> to vector<196x1xi32>
    %sign3A_122 = arith.constant 0 : i32
    %sign3A_123 = vector.broadcast %sign3A_122 : i32 to vector<196x1xi32>
    %sign3A_124 = arith.cmpi slt, %iota3A, %sign3A_123 : vector<196x1xi32>
    %sign3A_125 = arith.extui %sign3A_124 : vector<196x1xi1> to vector<196x1xi32>
    %sign3A_126 = arith.subi %sign3A_121, %sign3A_125 : vector<196x1xi32>
    %sign3A_127 = arith.constant 0 : i32
    %sign3A_128 = arith.cmpi sgt, %jit3A, %sign3A_127 : i32
    %sign3A_129 = arith.extui %sign3A_128 : i1 to i32
    %sign3A_130 = arith.constant 0 : i32
    %sign3A_131 = arith.cmpi slt, %jit3A, %sign3A_130 : i32
    %sign3A_132 = arith.extui %sign3A_131 : i1 to i32
    %sign3A_133 = arith.subi %sign3A_129, %sign3A_132 : i32
    %ne3A = vector.broadcast %sign3A_133 : i32 to vector<196x1xi32>
    %ne3A_134 = arith.cmpi ne, %sign3A_126, %ne3A : vector<196x1xi32>
    %rem3A = vector.broadcast %jit3A : i32 to vector<196x1xi32>
    %rem3A_135 = arith.remsi %iota3A, %rem3A : vector<196x1xi32>
    %ne3A_136 = arith.constant 0 : i32
    %ne3A_137 = vector.broadcast %ne3A_136 : i32 to vector<196x1xi32>
    %ne3A_138 = arith.cmpi ne, %rem3A_135, %ne3A_137 : vector<196x1xi32>
    %and3A_139 = arith.andi %ne3A_134, %ne3A_138 : vector<196x1xi1>
    %sub3A = arith.constant 1 : i32
    %sub3A_140 = vector.broadcast %sub3A : i32 to vector<196x1xi32>
    %sub3A_141 = arith.subi %div3A_118, %sub3A_140 : vector<196x1xi32>
    %select_n3A = arith.select %and3A_139, %sub3A_141, %div3A_118 : vector<196x1xi1>, vector<196x1xi32>
    %convert_element_type3A_142 = arith.sitofp %select_n3A : vector<196x1xi32> to vector<196x1xf32>
    %jit3A_143 = arith.constant 14 : i32
    %eq3A_144 = arith.constant 0 : i32
    %eq3A_145 = arith.cmpi eq, %jit3A_143, %eq3A_144 : i32
    %jit3A_146 = arith.constant 1 : i32
    %select_n3A_147 = arith.select %eq3A_145, %jit3A_146, %jit3A_143 : i32
    %rem3A_148 = vector.broadcast %select_n3A_147 : i32 to vector<196x1xi32>
    %rem3A_149 = arith.remsi %iota3A, %rem3A_148 : vector<196x1xi32>
    %ne3A_150 = arith.constant 0 : i32
    %ne3A_151 = vector.broadcast %ne3A_150 : i32 to vector<196x1xi32>
    %ne3A_152 = arith.cmpi ne, %rem3A_149, %ne3A_151 : vector<196x1xi32>
    %lt3A_153 = arith.constant 0 : i32
    %lt3A_154 = vector.broadcast %lt3A_153 : i32 to vector<196x1xi32>
    %lt3A_155 = arith.cmpi slt, %rem3A_149, %lt3A_154 : vector<196x1xi32>
    %lt3A_156 = arith.constant 0 : i32
    %lt3A_157 = arith.cmpi slt, %select_n3A_147, %lt3A_156 : i32
    %ne3A_158 = vector.broadcast %lt3A_157 : i1 to vector<196x1xi1>
    %ne3A_159 = vector.broadcast %ne3A_158 : vector<196x1xi1> to vector<196x1xi1>
    %ne3A_160 = arith.xori %lt3A_155, %ne3A_159 : vector<196x1xi1>
    %and3A_161 = arith.andi %ne3A_160, %ne3A_152 : vector<196x1xi1>
    %add3A_162 = vector.broadcast %select_n3A_147 : i32 to vector<196x1xi32>
    %add3A_163 = arith.addi %rem3A_149, %add3A_162 : vector<196x1xi32>
    %select_n3A_164 = arith.select %and3A_161, %add3A_163, %rem3A_149 : vector<196x1xi1>, vector<196x1xi32>
    %convert_element_type3A_165 = arith.sitofp %select_n3A_164 : vector<196x1xi32> to vector<196x1xf32>
    %sub3A_166 = arith.subf %mul3A_117, %mul3A_107 : f32
    %mul3A_167 = arith.constant 0.0769230798 : f32
    %mul3A_168 = vector.broadcast %mul3A_167 : f32 to vector<196x1xf32>
    %mul3A_169 = arith.mulf %convert_element_type3A_142, %mul3A_168 : vector<196x1xf32>
    %mul3A_170 = vector.broadcast %sub3A_166 : f32 to vector<196x1xf32>
    %mul3A_171 = arith.mulf %mul3A_170, %mul3A_169 : vector<196x1xf32>
    %add3A_172 = vector.broadcast %mul3A_107 : f32 to vector<196x1xf32>
    %add3A_173 = arith.addf %add3A_172, %mul3A_171 : vector<196x1xf32>
    %jit3A_174 = arith.constant 0.000000e+00 : f32
    %jit3A_175 = arith.constant 1.300000e+01 : f32
    %max3A = vector.broadcast %jit3A_174 : f32 to vector<196x1xf32>
    %max3A_176 = arith.maximumf %max3A, %add3A_173 : vector<196x1xf32>
    %min3A = vector.broadcast %jit3A_175 : f32 to vector<196x1xf32>
    %min3A_177 = arith.minimumf %min3A, %max3A_176 : vector<196x1xf32>
    %sub3A_178 = arith.subf %mul3A_112, %mul3A_102 : f32
    %mul3A_179 = arith.constant 0.0769230798 : f32
    %mul3A_180 = vector.broadcast %mul3A_179 : f32 to vector<196x1xf32>
    %mul3A_181 = arith.mulf %convert_element_type3A_165, %mul3A_180 : vector<196x1xf32>
    %mul3A_182 = vector.broadcast %sub3A_178 : f32 to vector<196x1xf32>
    %mul3A_183 = arith.mulf %mul3A_182, %mul3A_181 : vector<196x1xf32>
    %add3A_184 = vector.broadcast %mul3A_102 : f32 to vector<196x1xf32>
    %add3A_185 = arith.addf %add3A_184, %mul3A_183 : vector<196x1xf32>
    %jit3A_186 = arith.constant 0.000000e+00 : f32
    %jit3A_187 = arith.constant 1.300000e+01 : f32
    %max3A_188 = vector.broadcast %jit3A_186 : f32 to vector<196x1xf32>
    %max3A_189 = arith.maximumf %max3A_188, %add3A_185 : vector<196x1xf32>
    %min3A_190 = vector.broadcast %jit3A_187 : f32 to vector<196x1xf32>
    %min3A_191 = arith.minimumf %min3A_190, %max3A_189 : vector<196x1xf32>
    %iota3A_192 = tpu.iota {dimensions = array<i32: 1>} : vector<1x196xi32>
    %jit3A_193 = arith.constant 14 : i32
    %div3A_194 = vector.broadcast %jit3A_193 : i32 to vector<1x196xi32>
    %div3A_195 = arith.divsi %iota3A_192, %div3A_194 : vector<1x196xi32>
    %sign3A_196 = arith.constant 0 : i32
    %sign3A_197 = vector.broadcast %sign3A_196 : i32 to vector<1x196xi32>
    %sign3A_198 = arith.cmpi sgt, %iota3A_192, %sign3A_197 : vector<1x196xi32>
    %sign3A_199 = arith.extui %sign3A_198 : vector<1x196xi1> to vector<1x196xi32>
    %sign3A_200 = arith.constant 0 : i32
    %sign3A_201 = vector.broadcast %sign3A_200 : i32 to vector<1x196xi32>
    %sign3A_202 = arith.cmpi slt, %iota3A_192, %sign3A_201 : vector<1x196xi32>
    %sign3A_203 = arith.extui %sign3A_202 : vector<1x196xi1> to vector<1x196xi32>
    %sign3A_204 = arith.subi %sign3A_199, %sign3A_203 : vector<1x196xi32>
    %sign3A_205 = arith.constant 0 : i32
    %sign3A_206 = arith.cmpi sgt, %jit3A_193, %sign3A_205 : i32
    %sign3A_207 = arith.extui %sign3A_206 : i1 to i32
    %sign3A_208 = arith.constant 0 : i32
    %sign3A_209 = arith.cmpi slt, %jit3A_193, %sign3A_208 : i32
    %sign3A_210 = arith.extui %sign3A_209 : i1 to i32
    %sign3A_211 = arith.subi %sign3A_207, %sign3A_210 : i32
    %ne3A_212 = vector.broadcast %sign3A_211 : i32 to vector<1x196xi32>
    %ne3A_213 = arith.cmpi ne, %sign3A_204, %ne3A_212 : vector<1x196xi32>
    %rem3A_214 = vector.broadcast %jit3A_193 : i32 to vector<1x196xi32>
    %rem3A_215 = arith.remsi %iota3A_192, %rem3A_214 : vector<1x196xi32>
    %ne3A_216 = arith.constant 0 : i32
    %ne3A_217 = vector.broadcast %ne3A_216 : i32 to vector<1x196xi32>
    %ne3A_218 = arith.cmpi ne, %rem3A_215, %ne3A_217 : vector<1x196xi32>
    %and3A_219 = arith.andi %ne3A_213, %ne3A_218 : vector<1x196xi1>
    %sub3A_220 = arith.constant 1 : i32
    %sub3A_221 = vector.broadcast %sub3A_220 : i32 to vector<1x196xi32>
    %sub3A_222 = arith.subi %div3A_195, %sub3A_221 : vector<1x196xi32>
    %select_n3A_223 = arith.select %and3A_219, %sub3A_222, %div3A_195 : vector<1x196xi1>, vector<1x196xi32>
    %convert_element_type3A_224 = arith.sitofp %select_n3A_223 : vector<1x196xi32> to vector<1x196xf32>
    %jit3A_225 = arith.constant 14 : i32
    %eq3A_226 = arith.constant 0 : i32
    %eq3A_227 = arith.cmpi eq, %jit3A_225, %eq3A_226 : i32
    %jit3A_228 = arith.constant 1 : i32
    %select_n3A_229 = arith.select %eq3A_227, %jit3A_228, %jit3A_225 : i32
    %rem3A_230 = vector.broadcast %select_n3A_229 : i32 to vector<1x196xi32>
    %rem3A_231 = arith.remsi %iota3A_192, %rem3A_230 : vector<1x196xi32>
    %ne3A_232 = arith.constant 0 : i32
    %ne3A_233 = vector.broadcast %ne3A_232 : i32 to vector<1x196xi32>
    %ne3A_234 = arith.cmpi ne, %rem3A_231, %ne3A_233 : vector<1x196xi32>
    %lt3A_235 = arith.constant 0 : i32
    %lt3A_236 = vector.broadcast %lt3A_235 : i32 to vector<1x196xi32>
    %lt3A_237 = arith.cmpi slt, %rem3A_231, %lt3A_236 : vector<1x196xi32>
    %lt3A_238 = arith.constant 0 : i32
    %lt3A_239 = arith.cmpi slt, %select_n3A_229, %lt3A_238 : i32
    %ne3A_240 = vector.broadcast %lt3A_239 : i1 to vector<1x196xi1>
    %ne3A_241 = vector.broadcast %ne3A_240 : vector<1x196xi1> to vector<1x196xi1>
    %ne3A_242 = arith.xori %lt3A_237, %ne3A_241 : vector<1x196xi1>
    %and3A_243 = arith.andi %ne3A_242, %ne3A_234 : vector<1x196xi1>
    %add3A_244 = vector.broadcast %select_n3A_229 : i32 to vector<1x196xi32>
    %add3A_245 = arith.addi %rem3A_231, %add3A_244 : vector<1x196xi32>
    %select_n3A_246 = arith.select %and3A_243, %add3A_245, %rem3A_231 : vector<1x196xi1>, vector<1x196xi32>
    %convert_element_type3A_247 = arith.sitofp %select_n3A_246 : vector<1x196xi32> to vector<1x196xf32>
    %sub3A_248 = vector.broadcast %min3A_177 : vector<196x1xf32> to vector<196x196xf32>
    %sub3A_249 = vector.broadcast %convert_element_type3A_224 : vector<1x196xf32> to vector<196x196xf32>
    %sub3A_250 = arith.subf %sub3A_248, %sub3A_249 : vector<196x196xf32>
    %abs3A = math.absf %sub3A_250 : vector<196x196xf32>
    %sub3A_251 = arith.constant 1.000000e+00 : f32
    %sub3A_252 = vector.broadcast %sub3A_251 : f32 to vector<196x196xf32>
    %sub3A_253 = arith.subf %sub3A_252, %abs3A : vector<196x196xf32>
    %max3A_254 = arith.constant 0.000000e+00 : f32
    %max3A_255 = vector.broadcast %max3A_254 : f32 to vector<196x196xf32>
    %max3A_256 = arith.maximumf %sub3A_253, %max3A_255 : vector<196x196xf32>
    %sub3A_257 = vector.broadcast %min3A_191 : vector<196x1xf32> to vector<196x196xf32>
    %sub3A_258 = vector.broadcast %convert_element_type3A_247 : vector<1x196xf32> to vector<196x196xf32>
    %sub3A_259 = arith.subf %sub3A_257, %sub3A_258 : vector<196x196xf32>
    %abs3A_260 = math.absf %sub3A_259 : vector<196x196xf32>
    %sub3A_261 = arith.constant 1.000000e+00 : f32
    %sub3A_262 = vector.broadcast %sub3A_261 : f32 to vector<196x196xf32>
    %sub3A_263 = arith.subf %sub3A_262, %abs3A_260 : vector<196x196xf32>
    %max3A_264 = arith.constant 0.000000e+00 : f32
    %max3A_265 = vector.broadcast %max3A_264 : f32 to vector<196x196xf32>
    %max3A_266 = arith.maximumf %sub3A_263, %max3A_265 : vector<196x196xf32>
    %mul3A_267 = arith.mulf %max3A_256, %max3A_266 : vector<196x196xf32>
    %convert_element_type3A_268 = arith.truncf %mul3A_267 : vector<196x196xf32> to vector<196x196xbf16>
    %get3A_269 = arith.index_cast %get3A_97 : i32 to index
    %get3A_270 = arith.constant 0 : index
    %get3A_271 = arith.constant 0 : index
    %get3A_272 = vector.load %arg7[%get3A_269, %get3A_270, %get3A_271] : memref<512x196x256xbf16, #tpu.memory_space<vmem>>, vector<1x196x256xbf16>
    %get3A_273 = vector.shape_cast %get3A_272 : vector<1x196x256xbf16> to vector<196x256xbf16>
    %dot_general3A = arith.constant dense<0.000000e+00> : vector<256x196xf32>
    %dot_general3A_274 = tpu.matmul %get3A_273, %convert_element_type3A_268, %dot_general3A {dimension_numbers = #tpu.dot_dimension_numbers<[0], [1], [1], [0], [0, 1, 1, 0], [], []>, transpose_lhs_hint = false} : vector<196x256xbf16>, vector<196x196xbf16>, vector<256x196xf32> -> vector<256x196xf32>
    %swap3A = arith.constant 0 : index
    %swap3A_275 = arith.constant 0 : index
    %swap3A_276 = arith.constant 0 : index
    %swap3A_277 = vector.load %arg6[%swap3A, %swap3A_275, %swap3A_276] : memref<16x256x196xf32, #tpu.memory_space<vmem>>, vector<1x256x196xf32>
    %swap3A_278 = vector.shape_cast %swap3A_277 : vector<1x256x196xf32> to vector<256x196xf32>
    %swap3A_279 = vector.shape_cast %dot_general3A_274 : vector<256x196xf32> to vector<1x256x196xf32>
    tpu.vector_store %arg6[%swap3A, %swap3A_275, %swap3A_276], %swap3A_279 {strides = array<i32>} : memref<16x256x196xf32, #tpu.memory_space<vmem>>, vector<1x256x196xf32>,
    %mul3A_280 = arith.constant 16 : i32
    %mul3A_281 = arith.muli %arg0, %mul3A_280 : i32
    %add3A_282 = arith.constant 1 : i32
    %add3A_283 = arith.addi %mul3A_281, %add3A_282 : i32
    %get3A_284 = arith.index_cast %add3A_283 : i32 to index
    %get3A_285 = memref.load %arg1[%get3A_284] : memref<512xi32, #tpu.memory_space<smem>>
    %get3A_286 = arith.index_cast %get3A_285 : i32 to index
    %get3A_287 = arith.constant 0 : index
    %get3A_288 = memref.load %arg2[%get3A_286, %get3A_287] : memref<512x4xf32, #tpu.memory_space<smem>>
    %mul3A_289 = arith.constant 1.300000e+01 : f32
    %mul3A_290 = arith.mulf %get3A_288, %mul3A_289 : f32
    %get3A_291 = arith.index_cast %get3A_285 : i32 to index
    %get3A_292 = arith.constant 1 : index
    %get3A_293 = memref.load %arg2[%get3A_291, %get3A_292] : memref<512x4xf32, #tpu.memory_space<smem>>
    %mul3A_294 = arith.constant 1.300000e+01 : f32
    %mul3A_295 = arith.mulf %get3A_293, %mul3A_294 : f32
    %get3A_296 = arith.index_cast %get3A_285 : i32 to index
    %get3A_297 = arith.constant 2 : index
    %get3A_298 = memref.load %arg2[%get3A_296, %get3A_297] : memref<512x4xf32, #tpu.memory_space<smem>>
    %mul3A_299 = arith.constant 1.300000e+01 : f32
    %mul3A_300 = arith.mulf %get3A_298, %mul3A_299 : f32
    %get3A_301 = arith.index_cast %get3A_285 : i32 to index
    %get3A_302 = arith.constant 3 : index
    %get3A_303 = memref.load %arg2[%get3A_301, %get3A_302] : memref<512x4xf32, #tpu.memory_space<smem>>
    %mul3A_304 = arith.constant 1.300000e+01 : f32
    %mul3A_305 = arith.mulf %get3A_303, %mul3A_304 : f32
    %iota3A_306 = tpu.iota {dimensions = array<i32: 0>} : vector<196x1xi32>
    %jit3A_307 = arith.constant 14 : i32
    %div3A_308 = vector.broadcast %jit3A_307 : i32 to vector<196x1xi32>
    %div3A_309 = arith.divsi %iota3A_306, %div3A_308 : vector<196x1xi32>
    %sign3A_310 = arith.constant 0 : i32
    %sign3A_311 = vector.broadcast %sign3A_310 : i32 to vector<196x1xi32>
    %sign3A_312 = arith.cmpi sgt, %iota3A_306, %sign3A_311 : vector<196x1xi32>
    %sign3A_313 = arith.extui %sign3A_312 : vector<196x1xi1> to vector<196x1xi32>
    %sign3A_314 = arith.constant 0 : i32
    %sign3A_315 = vector.broadcast %sign3A_314 : i32 to vector<196x1xi32>
    %sign3A_316 = arith.cmpi slt, %iota3A_306, %sign3A_315 : vector<196x1xi32>
    %sign3A_317 = arith.extui %sign3A_316 : vector<196x1xi1> to vector<196x1xi32>
    %sign3A_318 = arith.subi %sign3A_313, %sign3A_317 : vector<196x1xi32>
    %sign3A_319 = arith.constant 0 : i32
    %sign3A_320 = arith.cmpi sgt, %jit3A_307, %sign3A_319 : i32
    %sign3A_321 = arith.extui %sign3A_320 : i1 to i32
    %sign3A_322 = arith.constant 0 : i32
    %sign3A_323 = arith.cmpi slt, %jit3A_307, %sign3A_322 : i32
    %sign3A_324 = arith.extui %sign3A_323 : i1 to i32
    %sign3A_325 = arith.subi %sign3A_321, %sign3A_324 : i32
    %ne3A_326 = vector.broadcast %sign3A_325 : i32 to vector<196x1xi32>
    %ne3A_327 = arith.cmpi ne, %sign3A_318, %ne3A_326 : vector<196x1xi32>
    %rem3A_328 = vector.broadcast %jit3A_307 : i32 to vector<196x1xi32>
    %rem3A_329 = arith.remsi %iota3A_306, %rem3A_328 : vector<196x1xi32>
    %ne3A_330 = arith.constant 0 : i32
    %ne3A_331 = vector.broadcast %ne3A_330 : i32 to vector<196x1xi32>
    %ne3A_332 = arith.cmpi ne, %rem3A_329, %ne3A_331 : vector<196x1xi32>
    %and3A_333 = arith.andi %ne3A_327, %ne3A_332 : vector<196x1xi1>
    %sub3A_334 = arith.constant 1 : i32
    %sub3A_335 = vector.broadcast %sub3A_334 : i32 to vector<196x1xi32>
    %sub3A_336 = arith.subi %div3A_309, %sub3A_335 : vector<196x1xi32>
    %select_n3A_337 = arith.select %and3A_333, %sub3A_336, %div3A_309 : vector<196x1xi1>, vector<196x1xi32>
    %convert_element_type3A_338 = arith.sitofp %select_n3A_337 : vector<196x1xi32> to vector<196x1xf32>
    %jit3A_339 = arith.constant 14 : i32
    %eq3A_340 = arith.constant 0 : i32
    %eq3A_341 = arith.cmpi eq, %jit3A_339, %eq3A_340 : i32
    %jit3A_342 = arith.constant 1 : i32
    %select_n3A_343 = arith.select %eq3A_341, %jit3A_342, %jit3A_339 : i32
    %rem3A_344 = vector.broadcast %select_n3A_343 : i32 to vector<196x1xi32>
    %rem3A_345 = arith.remsi %iota3A_306, %rem3A_344 : vector<196x1xi32>
    %ne3A_346 = arith.constant 0 : i32
    %ne3A_347 = vector.broadcast %ne3A_346 : i32 to vector<196x1xi32>
    %ne3A_348 = arith.cmpi ne, %rem3A_345, %ne3A_347 : vector<196x1xi32>
    %lt3A_349 = arith.constant 0 : i32
    %lt3A_350 = vector.broadcast %lt3A_349 : i32 to vector<196x1xi32>
    %lt3A_351 = arith.cmpi slt, %rem3A_345, %lt3A_350 : vector<196x1xi32>
    %lt3A_352 = arith.constant 0 : i32
    %lt3A_353 = arith.cmpi slt, %select_n3A_343, %lt3A_352 : i32
    %ne3A_354 = vector.broadcast %lt3A_353 : i1 to vector<196x1xi1>
    %ne3A_355 = vector.broadcast %ne3A_354 : vector<196x1xi1> to vector<196x1xi1>
    %ne3A_356 = arith.xori %lt3A_351, %ne3A_355 : vector<196x1xi1>
    %and3A_357 = arith.andi %ne3A_356, %ne3A_348 : vector<196x1xi1>
    %add3A_358 = vector.broadcast %select_n3A_343 : i32 to vector<196x1xi32>
    %add3A_359 = arith.addi %rem3A_345, %add3A_358 : vector<196x1xi32>
    %select_n3A_360 = arith.select %and3A_357, %add3A_359, %rem3A_345 : vector<196x1xi1>, vector<196x1xi32>
    %convert_element_type3A_361 = arith.sitofp %select_n3A_360 : vector<196x1xi32> to vector<196x1xf32>
    %sub3A_362 = arith.subf %mul3A_305, %mul3A_295 : f32
    %mul3A_363 = arith.constant 0.0769230798 : f32
    %mul3A_364 = vector.broadcast %mul3A_363 : f32 to vector<196x1xf32>
    %mul3A_365 = arith.mulf %convert_element_type3A_338, %mul3A_364 : vector<196x1xf32>
    %mul3A_366 = vector.broadcast %sub3A_362 : f32 to vector<196x1xf32>
    %mul3A_367 = arith.mulf %mul3A_366, %mul3A_365 : vector<196x1xf32>
    %add3A_368 = vector.broadcast %mul3A_295 : f32 to vector<196x1xf32>
    %add3A_369 = arith.addf %add3A_368, %mul3A_367 : vector<196x1xf32>
    %jit3A_370 = arith.constant 0.000000e+00 : f32
    %jit3A_371 = arith.constant 1.300000e+01 : f32
    %max3A_372 = vector.broadcast %jit3A_370 : f32 to vector<196x1xf32>
    %max3A_373 = arith.maximumf %max3A_372, %add3A_369 : vector<196x1xf32>
    %min3A_374 = vector.broadcast %jit3A_371 : f32 to vector<196x1xf32>
    %min3A_375 = arith.minimumf %min3A_374, %max3A_373 : vector<196x1xf32>
    %sub3A_376 = arith.subf %mul3A_300, %mul3A_290 : f32
    %mul3A_377 = arith.constant 0.0769230798 : f32
    %mul3A_378 = vector.broadcast %mul3A_377 : f32 to vector<196x1xf32>
    %mul3A_379 = arith.mulf %convert_element_type3A_361, %mul3A_378 : vector<196x1xf32>
    %mul3A_380 = vector.broadcast %sub3A_376 : f32 to vector<196x1xf32>
    %mul3A_381 = arith.mulf %mul3A_380, %mul3A_379 : vector<196x1xf32>
    %add3A_382 = vector.broadcast %mul3A_290 : f32 to vector<196x1xf32>
    %add3A_383 = arith.addf %add3A_382, %mul3A_381 : vector<196x1xf32>
    %jit3A_384 = arith.constant 0.000000e+00 : f32
    %jit3A_385 = arith.constant 1.300000e+01 : f32
    %max3A_386 = vector.broadcast %jit3A_384 : f32 to vector<196x1xf32>
    %max3A_387 = arith.maximumf %max3A_386, %add3A_383 : vector<196x1xf32>
    %min3A_388 = vector.broadcast %jit3A_385 : f32 to vector<196x1xf32>
    %min3A_389 = arith.minimumf %min3A_388, %max3A_387 : vector<196x1xf32>
    %iota3A_390 = tpu.iota {dimensions = array<i32: 1>} : vector<1x196xi32>
    %jit3A_391 = arith.constant 14 : i32
    %div3A_392 = vector.broadcast %jit3A_391 : i32 to vector<1x196xi32>
    %div3A_393 = arith.divsi %iota3A_390, %div3A_392 : vector<1x196xi32>
    %sign3A_394 = arith.constant 0 : i32
    %sign3A_395 = vector.broadcast %sign3A_394 : i32 to vector<1x196xi32>
    %sign3A_396 = arith.cmpi sgt, %iota3A_390, %sign3A_395 : vector<1x196xi32>
    %sign3A_397 = arith.extui %sign3A_396 : vector<1x196xi1> to vector<1x196xi32>
    %sign3A_398 = arith.constant 0 : i32
    %sign3A_399 = vector.broadcast %sign3A_398 : i32 to vector<1x196xi32>
    %sign3A_400 = arith.cmpi slt, %iota3A_390, %sign3A_399 : vector<1x196xi32>
    %sign3A_401 = arith.extui %sign3A_400 : vector<1x196xi1> to vector<1x196xi32>
    %sign3A_402 = arith.subi %sign3A_397, %sign3A_401 : vector<1x196xi32>
    %sign3A_403 = arith.constant 0 : i32
    %sign3A_404 = arith.cmpi sgt, %jit3A_391, %sign3A_403 : i32
    %sign3A_405 = arith.extui %sign3A_404 : i1 to i32
    %sign3A_406 = arith.constant 0 : i32
    %sign3A_407 = arith.cmpi slt, %jit3A_391, %sign3A_406 : i32
    %sign3A_408 = arith.extui %sign3A_407 : i1 to i32
    %sign3A_409 = arith.subi %sign3A_405, %sign3A_408 : i32
    %ne3A_410 = vector.broadcast %sign3A_409 : i32 to vector<1x196xi32>
    %ne3A_411 = arith.cmpi ne, %sign3A_402, %ne3A_410 : vector<1x196xi32>
    %rem3A_412 = vector.broadcast %jit3A_391 : i32 to vector<1x196xi32>
    %rem3A_413 = arith.remsi %iota3A_390, %rem3A_412 : vector<1x196xi32>
    %ne3A_414 = arith.constant 0 : i32
    %ne3A_415 = vector.broadcast %ne3A_414 : i32 to vector<1x196xi32>
    %ne3A_416 = arith.cmpi ne, %rem3A_413, %ne3A_415 : vector<1x196xi32>
    %and3A_417 = arith.andi %ne3A_411, %ne3A_416 : vector<1x196xi1>
    %sub3A_418 = arith.constant 1 : i32
    %sub3A_419 = vector.broadcast %sub3A_418 : i32 to vector<1x196xi32>
    %sub3A_420 = arith.subi %div3A_393, %sub3A_419 : vector<1x196xi32>
    %select_n3A_421 = arith.select %and3A_417, %sub3A_420, %div3A_393 : vector<1x196xi1>, vector<1x196xi32>
    %convert_element_type3A_422 = arith.sitofp %select_n3A_421 : vector<1x196xi32> to vector<1x196xf32>
    %jit3A_423 = arith.constant 14 : i32
    %eq3A_424 = arith.constant 0 : i32
    %eq3A_425 = arith.cmpi eq, %jit3A_423, %eq3A_424 : i32
    %jit3A_426 = arith.constant 1 : i32
    %select_n3A_427 = arith.select %eq3A_425, %jit3A_426, %jit3A_423 : i32
    %rem3A_428 = vector.broadcast %select_n3A_427 : i32 to vector<1x196xi32>
    %rem3A_429 = arith.remsi %iota3A_390, %rem3A_428 : vector<1x196xi32>
    %ne3A_430 = arith.constant 0 : i32
    %ne3A_431 = vector.broadcast %ne3A_430 : i32 to vector<1x196xi32>
    %ne3A_432 = arith.cmpi ne, %rem3A_429, %ne3A_431 : vector<1x196xi32>
    %lt3A_433 = arith.constant 0 : i32
    %lt3A_434 = vector.broadcast %lt3A_433 : i32 to vector<1x196xi32>
    %lt3A_435 = arith.cmpi slt, %rem3A_429, %lt3A_434 : vector<1x196xi32>
    %lt3A_436 = arith.constant 0 : i32
    %lt3A_437 = arith.cmpi slt, %select_n3A_427, %lt3A_436 : i32
    %ne3A_438 = vector.broadcast %lt3A_437 : i1 to vector<1x196xi1>
    %ne3A_439 = vector.broadcast %ne3A_438 : vector<1x196xi1> to vector<1x196xi1>
    %ne3A_440 = arith.xori %lt3A_435, %ne3A_439 : vector<1x196xi1>
    %and3A_441 = arith.andi %ne3A_440, %ne3A_432 : vector<1x196xi1>
    %add3A_442 = vector.broadcast %select_n3A_427 : i32 to vector<1x196xi32>
    %add3A_443 = arith.addi %rem3A_429, %add3A_442 : vector<1x196xi32>
    %select_n3A_444 = arith.select %and3A_441, %add3A_443, %rem3A_429 : vector<1x196xi1>, vector<1x196xi32>
    %convert_element_type3A_445 = arith.sitofp %select_n3A_444 : vector<1x196xi32> to vector<1x196xf32>
    %sub3A_446 = vector.broadcast %min3A_375 : vector<196x1xf32> to vector<196x196xf32>
    %sub3A_447 = vector.broadcast %convert_element_type3A_422 : vector<1x196xf32> to vector<196x196xf32>
    %sub3A_448 = arith.subf %sub3A_446, %sub3A_447 : vector<196x196xf32>
    %abs3A_449 = math.absf %sub3A_448 : vector<196x196xf32>
    %sub3A_450 = arith.constant 1.000000e+00 : f32
    %sub3A_451 = vector.broadcast %sub3A_450 : f32 to vector<196x196xf32>
    %sub3A_452 = arith.subf %sub3A_451, %abs3A_449 : vector<196x196xf32>
    %max3A_453 = arith.constant 0.000000e+00 : f32
    %max3A_454 = vector.broadcast %max3A_453 : f32 to vector<196x196xf32>
    %max3A_455 = arith.maximumf %sub3A_452, %max3A_454 : vector<196x196xf32>
    %sub3A_456 = vector.broadcast %min3A_389 : vector<196x1xf32> to vector<196x196xf32>
    %sub3A_457 = vector.broadcast %convert_element_type3A_445 : vector<1x196xf32> to vector<196x196xf32>
    %sub3A_458 = arith.subf %sub3A_456, %sub3A_457 : vector<196x196xf32>
    %abs3A_459 = math.absf %sub3A_458 : vector<196x196xf32>
    %sub3A_460 = arith.constant 1.000000e+00 : f32
    %sub3A_461 = vector.broadcast %sub3A_460 : f32 to vector<196x196xf32>
    %sub3A_462 = arith.subf %sub3A_461, %abs3A_459 : vector<196x196xf32>
    %max3A_463 = arith.constant 0.000000e+00 : f32
    %max3A_464 = vector.broadcast %max3A_463 : f32 to vector<196x196xf32>
    %max3A_465 = arith.maximumf %sub3A_462, %max3A_464 : vector<196x196xf32>
    %mul3A_466 = arith.mulf %max3A_455, %max3A_465 : vector<196x196xf32>
    %convert_element_type3A_467 = arith.truncf %mul3A_466 : vector<196x196xf32> to vector<196x196xbf16>
    %get3A_468 = arith.index_cast %get3A_285 : i32 to index
    %get3A_469 = arith.constant 0 : index
    %get3A_470 = arith.constant 0 : index
    %get3A_471 = vector.load %arg7[%get3A_468, %get3A_469, %get3A_470] : memref<512x196x256xbf16, #tpu.memory_space<vmem>>, vector<1x196x256xbf16>
    %get3A_472 = vector.shape_cast %get3A_471 : vector<1x196x256xbf16> to vector<196x256xbf16>
    %dot_general3A_473 = arith.constant dense<0.000000e+00> : vector<256x196xf32>
    %dot_general3A_474 = tpu.matmul %get3A_472, %convert_element_type3A_467, %dot_general3A_473 {dimension_numbers = #tpu.dot_dimension_numbers<[0], [1], [1], [0], [0, 1, 1, 0], [], []>, transpose_lhs_hint = false} : vector<196x256xbf16>, vector<196x196xbf16>, vector<256x196xf32> -> vector<256x196xf32>
    %swap3A_475 = arith.constant 1 : index
    %swap3A_476 = arith.constant 0 : index
    %swap3A_477 = arith.constant 0 : index
    %swap3A_478 = vector.load %arg6[%swap3A_475, %swap3A_476, %swap3A_477] : memref<16x256x196xf32, #tpu.memory_space<vmem>>, vector<1x256x196xf32>
    %swap3A_479 = vector.shape_cast %swap3A_478 : vector<1x256x196xf32> to vector<256x196xf32>
    %swap3A_480 = vector.shape_cast %dot_general3A_474 : vector<256x196xf32> to vector<1x256x196xf32>
    tpu.vector_store %arg6[%swap3A_475, %swap3A_476, %swap3A_477], %swap3A_480 {strides = array<i32>} : memref<16x256x196xf32, #tpu.memory_space<vmem>>, vector<1x256x196xf32>,
    %mul3A_481 = arith.constant 16 : i32
    %mul3A_482 = arith.muli %arg0, %mul3A_481 : i32
    %add3A_483 = arith.constant 2 : i32
    %add3A_484 = arith.addi %mul3A_482, %add3A_483 : i32
    %get3A_485 = arith.index_cast %add3A_484 : i32 to index
    %get3A_486 = memref.load %arg1[%get3A_485] : memref<512xi32, #tpu.memory_space<smem>>
    %get3A_487 = arith.index_cast %get3A_486 : i32 to index
    %get3A_488 = arith.constant 0 : index
    %get3A_489 = memref.load %arg2[%get3A_487, %get3A_488] : memref<512x4xf32, #tpu.memory_space<smem>>
    %mul3A_490 = arith.constant 1.300000e+01 : f32
    %mul3A_491 = arith.mulf %get3A_489, %mul3A_490 : f32
    %get3A_492 = arith.index_cast %get3A_486 : i32 to index
    %get3A_493 = arith.constant 1 : index
    %get3A_494 = memref.load %arg2[%get3A_492, %get3A_493] : memref<512x4xf32, #tpu.memory_space<smem>>
    %mul3A_495 = arith.constant 1.300000e+01 : f32
    %mul3A_496 = arith.mulf %get3A_494, %mul3A_495 : f32
    %get3A_497 = arith.index_cast %get3A_486 : i32 to index
    %get3A_498 = arith.constant 2 : index
    %get3A_499 = memref.load %arg2[%get3A_497, %get3A_498] : memref<512x4xf32, #tpu.memory_space<smem>>
    %mul3A_500 = arith.constant 1.300000e+01 : f32
    %mul3A_501 = arith.mulf %get3A_499, %mul3A_500 : f32
    %get3A_502 = arith.index_cast %get3A_486 : i32 to index
    %get3A_503 = arith.constant 3 : index
    %get3A_504 = memref.load %arg2[%get3A_502, %get3A_503] : memref<512x4xf32, #tpu.memory_space<smem>>
    %mul3A_505 = arith.constant 1.300000e+01 : f32
    %mul3A_506 = arith.mulf %get3A_504, %mul3A_505 : f32
    %iota3A_507 = tpu.iota {dimensions = array<i32: 0>} : vector<196x1xi32>
    %jit3A_508 = arith.constant 14 : i32
    %div3A_509 = vector.broadcast %jit3A_508 : i32 to vector<196x1xi32>
    %div3A_510 = arith.divsi %iota3A_507, %div3A_509 : vector<196x1xi32>
    %sign3A_511 = arith.constant 0 : i32
    %sign3A_512 = vector.broadcast %sign3A_511 : i32 to vector<196x1xi32>
    %sign3A_513 = arith.cmpi sgt, %iota3A_507, %sign3A_512 : vector<196x1xi32>
    %sign3A_514 = arith.extui %sign3A_513 : vector<196x1xi1> to vector<196x1xi32>
    %sign3A_515 = arith.constant 0 : i32
    %sign3A_516 = vector.broadcast %sign3A_515 : i32 to vector<196x1xi32>
    %sign3A_517 = arith.cmpi slt, %iota3A_507, %sign3A_516 : vector<196x1xi32>
    %sign3A_518 = arith.extui %sign3A_517 : vector<196x1xi1> to vector<196x1xi32>
    %sign3A_519 = arith.subi %sign3A_514, %sign3A_518 : vector<196x1xi32>
    %sign3A_520 = arith.constant 0 : i32
    %sign3A_521 = arith.cmpi sgt, %jit3A_508, %sign3A_520 : i32
    %sign3A_522 = arith.extui %sign3A_521 : i1 to i32
    %sign3A_523 = arith.constant 0 : i32
    %sign3A_524 = arith.cmpi slt, %jit3A_508, %sign3A_523 : i32
    %sign3A_525 = arith.extui %sign3A_524 : i1 to i32
    %sign3A_526 = arith.subi %sign3A_522, %sign3A_525 : i32
    %ne3A_527 = vector.broadcast %sign3A_526 : i32 to vector<196x1xi32>
    %ne3A_528 = arith.cmpi ne, %sign3A_519, %ne3A_527 : vector<196x1xi32>
    %rem3A_529 = vector.broadcast %jit3A_508 : i32 to vector<196x1xi32>
    %rem3A_530 = arith.remsi %iota3A_507, %rem3A_529 : vector<196x1xi32>
    %ne3A_531 = arith.constant 0 : i32
    %ne3A_532 = vector.broadcast %ne3A_531 : i32 to vector<196x1xi32>
    %ne3A_533 = arith.cmpi ne, %rem3A_530, %ne3A_532 : vector<196x1xi32>
    %and3A_534 = arith.andi %ne3A_528, %ne3A_533 : vector<196x1xi1>
    %sub3A_535 = arith.constant 1 : i32
    %sub3A_536 = vector.broadcast %sub3A_535 : i32 to vector<196x1xi32>
    %sub3A_537 = arith.subi %div3A_510, %sub3A_536 : vector<196x1xi32>
    %select_n3A_538 = arith.select %and3A_534, %sub3A_537, %div3A_510 : vector<196x1xi1>, vector<196x1xi32>
    %convert_element_type3A_539 = arith.sitofp %select_n3A_538 : vector<196x1xi32> to vector<196x1xf32>
    %jit3A_540 = arith.constant 14 : i32
    %eq3A_541 = arith.constant 0 : i32
    %eq3A_542 = arith.cmpi eq, %jit3A_540, %eq3A_541 : i32
    %jit3A_543 = arith.constant 1 : i32
    %select_n3A_544 = arith.select %eq3A_542, %jit3A_543, %jit3A_540 : i32
    %rem3A_545 = vector.broadcast %select_n3A_544 : i32 to vector<196x1xi32>
    %rem3A_546 = arith.remsi %iota3A_507, %rem3A_545 : vector<196x1xi32>
    %ne3A_547 = arith.constant 0 : i32
    %ne3A_548 = vector.broadcast %ne3A_547 : i32 to vector<196x1xi32>
    %ne3A_549 = arith.cmpi ne, %rem3A_546, %ne3A_548 : vector<196x1xi32>
    %lt3A_550 = arith.constant 0 : i32
    %lt3A_551 = vector.broadcast %lt3A_550 : i32 to vector<196x1xi32>
    %lt3A_552 = arith.cmpi slt, %rem3A_546, %lt3A_551 : vector<196x1xi32>
    %lt3A_553 = arith.constant 0 : i32
    %lt3A_554 = arith.cmpi slt, %select_n3A_544, %lt3A_553 : i32
    %ne3A_555 = vector.broadcast %lt3A_554 : i1 to vector<196x1xi1>
    %ne3A_556 = vector.broadcast %ne3A_555 : vector<196x1xi1> to vector<196x1xi1>
    %ne3A_557 = arith.xori %lt3A_552, %ne3A_556 : vector<196x1xi1>
    %and3A_558 = arith.andi %ne3A_557, %ne3A_549 : vector<196x1xi1>
    %add3A_559 = vector.broadcast %select_n3A_544 : i32 to vector<196x1xi32>
    %add3A_560 = arith.addi %rem3A_546, %add3A_559 : vector<196x1xi32>
    %select_n3A_561 = arith.select %and3A_558, %add3A_560, %rem3A_546 : vector<196x1xi1>, vector<196x1xi32>
    %convert_element_type3A_562 = arith.sitofp %select_n3A_561 : vector<196x1xi32> to vector<196x1xf32>
    %sub3A_563 = arith.subf %mul3A_506, %mul3A_496 : f32
    %mul3A_564 = arith.constant 0.0769230798 : f32
    %mul3A_565 = vector.broadcast %mul3A_564 : f32 to vector<196x1xf32>
    %mul3A_566 = arith.mulf %convert_element_type3A_539, %mul3A_565 : vector<196x1xf32>
    %mul3A_567 = vector.broadcast %sub3A_563 : f32 to vector<196x1xf32>
    %mul3A_568 = arith.mulf %mul3A_567, %mul3A_566 : vector<196x1xf32>
    %add3A_569 = vector.broadcast %mul3A_496 : f32 to vector<196x1xf32>
    %add3A_570 = arith.addf %add3A_569, %mul3A_568 : vector<196x1xf32>
    %jit3A_571 = arith.constant 0.000000e+00 : f32
    %jit3A_572 = arith.constant 1.300000e+01 : f32
    %max3A_573 = vector.broadcast %jit3A_571 : f32 to vector<196x1xf32>
    %max3A_574 = arith.maximumf %max3A_573, %add3A_570 : vector<196x1xf32>
    %min3A_575 = vector.broadcast %jit3A_572 : f32 to vector<196x1xf32>
    %min3A_576 = arith.minimumf %min3A_575, %max3A_574 : vector<196x1xf32>
    %sub3A_577 = arith.subf %mul3A_501, %mul3A_491 : f32
    %mul3A_578 = arith.constant 0.0769230798 : f32
    %mul3A_579 = vector.broadcast %mul3A_578 : f32 to vector<196x1xf32>
    %mul3A_580 = arith.mulf %convert_element_type3A_562, %mul3A_579 : vector<196x1xf32>
    %mul3A_581 = vector.broadcast %sub3A_577 : f32 to vector<196x1xf32>
    %mul3A_582 = arith.mulf %mul3A_581, %mul3A_580 : vector<196x1xf32>
    %add3A_583 = vector.broadcast %mul3A_491 : f32 to vector<196x1xf32>
    %add3A_584 = arith.addf %add3A_583, %mul3A_582 : vector<196x1xf32>
    %jit3A_585 = arith.constant 0.000000e+00 : f32
    %jit3A_586 = arith.constant 1.300000e+01 : f32
    %max3A_587 = vector.broadcast %jit3A_585 : f32 to vector<196x1xf32>
    %max3A_588 = arith.maximumf %max3A_587, %add3A_584 : vector<196x1xf32>
    %min3A_589 = vector.broadcast %jit3A_586 : f32 to vector<196x1xf32>
    %min3A_590 = arith.minimumf %min3A_589, %max3A_588 : vector<196x1xf32>
    %iota3A_591 = tpu.iota {dimensions = array<i32: 1>} : vector<1x196xi32>
    %jit3A_592 = arith.constant 14 : i32
    %div3A_593 = vector.broadcast %jit3A_592 : i32 to vector<1x196xi32>
    %div3A_594 = arith.divsi %iota3A_591, %div3A_593 : vector<1x196xi32>
    %sign3A_595 = arith.constant 0 : i32
    %sign3A_596 = vector.broadcast %sign3A_595 : i32 to vector<1x196xi32>
    %sign3A_597 = arith.cmpi sgt, %iota3A_591, %sign3A_596 : vector<1x196xi32>
    %sign3A_598 = arith.extui %sign3A_597 : vector<1x196xi1> to vector<1x196xi32>
    %sign3A_599 = arith.constant 0 : i32
    %sign3A_600 = vector.broadcast %sign3A_599 : i32 to vector<1x196xi32>
    %sign3A_601 = arith.cmpi slt, %iota3A_591, %sign3A_600 : vector<1x196xi32>
    %sign3A_602 = arith.extui %sign3A_601 : vector<1x196xi1> to vector<1x196xi32>
    %sign3A_603 = arith.subi %sign3A_598, %sign3A_602 : vector<1x196xi32>
    %sign3A_604 = arith.constant 0 : i32
    %sign3A_605 = arith.cmpi sgt, %jit3A_592, %sign3A_604 : i32
    %sign3A_606 = arith.extui %sign3A_605 : i1 to i32
    %sign3A_607 = arith.constant 0 : i32
    %sign3A_608 = arith.cmpi slt, %jit3A_592, %sign3A_607 : i32
    %sign3A_609 = arith.extui %sign3A_608 : i1 to i32
    %sign3A_610 = arith.subi %sign3A_606, %sign3A_609 : i32
    %ne3A_611 = vector.broadcast %sign3A_610 : i32 to vector<1x196xi32>
    %ne3A_612 = arith.cmpi ne, %sign3A_603, %ne3A_611 : vector<1x196xi32>
    %rem3A_613 = vector.broadcast %jit3A_592 : i32 to vector<1x196xi32>
    %rem3A_614 = arith.remsi %iota3A_591, %rem3A_613 : vector<1x196xi32>
    %ne3A_615 = arith.constant 0 : i32
    %ne3A_616 = vector.broadcast %ne3A_615 : i32 to vector<1x196xi32>
    %ne3A_617 = arith.cmpi ne, %rem3A_614, %ne3A_616 : vector<1x196xi32>
    %and3A_618 = arith.andi %ne3A_612, %ne3A_617 : vector<1x196xi1>
    %sub3A_619 = arith.constant 1 : i32
    %sub3A_620 = vector.broadcast %sub3A_619 : i32 to vector<1x196xi32>
    %sub3A_621 = arith.subi %div3A_594, %sub3A_620 : vector<1x196xi32>
    %select_n3A_622 = arith.select %and3A_618, %sub3A_621, %div3A_594 : vector<1x196xi1>, vector<1x196xi32>
    %convert_element_type3A_623 = arith.sitofp %select_n3A_622 : vector<1x196xi32> to vector<1x196xf32>
    %jit3A_624 = arith.constant 14 : i32
    %eq3A_625 = arith.constant 0 : i32
    %eq3A_626 = arith.cmpi eq, %jit3A_624, %eq3A_625 : i32
    %jit3A_627 = arith.constant 1 : i32
    %select_n3A_628 = arith.select %eq3A_626, %jit3A_627, %jit3A_624 : i32
    %rem3A_629 = vector.broadcast %select_n3A_628 : i32 to vector<1x196xi32>
    %rem3A_630 = arith.remsi %iota3A_591, %rem3A_629 : vector<1x196xi32>
    %ne3A_631 = arith.constant 0 : i32
    %ne3A_632 = vector.broadcast %ne3A_631 : i32 to vector<1x196xi32>
    %ne3A_633 = arith.cmpi ne, %rem3A_630, %ne3A_632 : vector<1x196xi32>
    %lt3A_634 = arith.constant 0 : i32
    %lt3A_635 = vector.broadcast %lt3A_634 : i32 to vector<1x196xi32>
    %lt3A_636 = arith.cmpi slt, %rem3A_630, %lt3A_635 : vector<1x196xi32>
    %lt3A_637 = arith.constant 0 : i32
    %lt3A_638 = arith.cmpi slt, %select_n3A_628, %lt3A_637 : i32
    %ne3A_639 = vector.broadcast %lt3A_638 : i1 to vector<1x196xi1>
    %ne3A_640 = vector.broadcast %ne3A_639 : vector<1x196xi1> to vector<1x196xi1>
    %ne3A_641 = arith.xori %lt3A_636, %ne3A_640 : vector<1x196xi1>
    %and3A_642 = arith.andi %ne3A_641, %ne3A_633 : vector<1x196xi1>
    %add3A_643 = vector.broadcast %select_n3A_628 : i32 to vector<1x196xi32>
    %add3A_644 = arith.addi %rem3A_630, %add3A_643 : vector<1x196xi32>
    %select_n3A_645 = arith.select %and3A_642, %add3A_644, %rem3A_630 : vector<1x196xi1>, vector<1x196xi32>
    %convert_element_type3A_646 = arith.sitofp %select_n3A_645 : vector<1x196xi32> to vector<1x196xf32>
    %sub3A_647 = vector.broadcast %min3A_576 : vector<196x1xf32> to vector<196x196xf32>
    %sub3A_648 = vector.broadcast %convert_element_type3A_623 : vector<1x196xf32> to vector<196x196xf32>
    %sub3A_649 = arith.subf %sub3A_647, %sub3A_648 : vector<196x196xf32>
    %abs3A_650 = math.absf %sub3A_649 : vector<196x196xf32>
    %sub3A_651 = arith.constant 1.000000e+00 : f32
    %sub3A_652 = vector.broadcast %sub3A_651 : f32 to vector<196x196xf32>
    %sub3A_653 = arith.subf %sub3A_652, %abs3A_650 : vector<196x196xf32>
    %max3A_654 = arith.constant 0.000000e+00 : f32
    %max3A_655 = vector.broadcast %max3A_654 : f32 to vector<196x196xf32>
    %max3A_656 = arith.maximumf %sub3A_653, %max3A_655 : vector<196x196xf32>
    %sub3A_657 = vector.broadcast %min3A_590 : vector<196x1xf32> to vector<196x196xf32>
    %sub3A_658 = vector.broadcast %convert_element_type3A_646 : vector<1x196xf32> to vector<196x196xf32>
    %sub3A_659 = arith.subf %sub3A_657, %sub3A_658 : vector<196x196xf32>
    %abs3A_660 = math.absf %sub3A_659 : vector<196x196xf32>
    %sub3A_661 = arith.constant 1.000000e+00 : f32
    %sub3A_662 = vector.broadcast %sub3A_661 : f32 to vector<196x196xf32>
    %sub3A_663 = arith.subf %sub3A_662, %abs3A_660 : vector<196x196xf32>
    %max3A_664 = arith.constant 0.000000e+00 : f32
    %max3A_665 = vector.broadcast %max3A_664 : f32 to vector<196x196xf32>
    %max3A_666 = arith.maximumf %sub3A_663, %max3A_665 : vector<196x196xf32>
    %mul3A_667 = arith.mulf %max3A_656, %max3A_666 : vector<196x196xf32>
    %convert_element_type3A_668 = arith.truncf %mul3A_667 : vector<196x196xf32> to vector<196x196xbf16>
    %get3A_669 = arith.index_cast %get3A_486 : i32 to index
    %get3A_670 = arith.constant 0 : index
    %get3A_671 = arith.constant 0 : index
    %get3A_672 = vector.load %arg7[%get3A_669, %get3A_670, %get3A_671] : memref<512x196x256xbf16, #tpu.memory_space<vmem>>, vector<1x196x256xbf16>
    %get3A_673 = vector.shape_cast %get3A_672 : vector<1x196x256xbf16> to vector<196x256xbf16>
    %dot_general3A_674 = arith.constant dense<0.000000e+00> : vector<256x196xf32>
    %dot_general3A_675 = tpu.matmul %get3A_673, %convert_element_type3A_668, %dot_general3A_674 {dimension_numbers = #tpu.dot_dimension_numbers<[0], [1], [1], [0], [0, 1, 1, 0], [], []>, transpose_lhs_hint = false} : vector<196x256xbf16>, vector<196x196xbf16>, vector<256x196xf32> -> vector<256x196xf32>
    %swap3A_676 = arith.constant 2 : index
    %swap3A_677 = arith.constant 0 : index
    %swap3A_678 = arith.constant 0 : index
    %swap3A_679 = vector.load %arg6[%swap3A_676, %swap3A_677, %swap3A_678] : memref<16x256x196xf32, #tpu.memory_space<vmem>>, vector<1x256x196xf32>
    %swap3A_680 = vector.shape_cast %swap3A_679 : vector<1x256x196xf32> to vector<256x196xf32>
    %swap3A_681 = vector.shape_cast %dot_general3A_675 : vector<256x196xf32> to vector<1x256x196xf32>
    tpu.vector_store %arg6[%swap3A_676, %swap3A_677, %swap3A_678], %swap3A_681 {strides = array<i32>} : memref<16x256x196xf32, #tpu.memory_space<vmem>>, vector<1x256x196xf32>,
    %mul3A_682 = arith.constant 16 : i32
    %mul3A_683 = arith.muli %arg0, %mul3A_682 : i32
    %add3A_684 = arith.constant 3 : i32
    %add3A_685 = arith.addi %mul3A_683, %add3A_684 : i32
    %get3A_686 = arith.index_cast %add3A_685 : i32 to index
    %get3A_687 = memref.load %arg1[%get3A_686] : memref<512xi32, #tpu.memory_space<smem>>
    %get3A_688 = arith.index_cast %get3A_687 : i32 to index
    %get3A_689 = arith.constant 0 : index
    %get3A_690 = memref.load %arg2[%get3A_688, %get3A_689] : memref<512x4xf32, #tpu.memory_space<smem>>
    %mul3A_691 = arith.constant 1.300000e+01 : f32
    %mul3A_692 = arith.mulf %get3A_690, %mul3A_691 : f32
    %get3A_693 = arith.index_cast %get3A_687 : i32 to index
    %get3A_694 = arith.constant 1 : index
    %get3A_695 = memref.load %arg2[%get3A_693, %get3A_694] : memref<512x4xf32, #tpu.memory_space<smem>>
    %mul3A_696 = arith.constant 1.300000e+01 : f32
    %mul3A_697 = arith.mulf %get3A_695, %mul3A_696 : f32
    %get3A_698 = arith.index_cast %get3A_687 : i32 to index
    %get3A_699 = arith.constant 2 : index
    %get3A_700 = memref.load %arg2[%get3A_698, %get3A_699] : memref<512x4xf32, #tpu.memory_space<smem>>
    %mul3A_701 = arith.constant 1.300000e+01 : f32
    %mul3A_702 = arith.mulf %get3A_700, %mul3A_701 : f32
    %get3A_703 = arith.index_cast %get3A_687 : i32 to index
    %get3A_704 = arith.constant 3 : index
    %get3A_705 = memref.load %arg2[%get3A_703, %get3A_704] : memref<512x4xf32, #tpu.memory_space<smem>>
    %mul3A_706 = arith.constant 1.300000e+01 : f32
    %mul3A_707 = arith.mulf %get3A_705, %mul3A_706 : f32
    %iota3A_708 = tpu.iota {dimensions = array<i32: 0>} : vector<196x1xi32>
    %jit3A_709 = arith.constant 14 : i32
    %div3A_710 = vector.broadcast %jit3A_709 : i32 to vector<196x1xi32>
    %div3A_711 = arith.divsi %iota3A_708, %div3A_710 : vector<196x1xi32>
    %sign3A_712 = arith.constant 0 : i32
    %sign3A_713 = vector.broadcast %sign3A_712 : i32 to vector<196x1xi32>
    %sign3A_714 = arith.cmpi sgt, %iota3A_708, %sign3A_713 : vector<196x1xi32>
    %sign3A_715 = arith.extui %sign3A_714 : vector<196x1xi1> to vector<196x1xi32>
    %sign3A_716 = arith.constant 0 : i32
    %sign3A_717 = vector.broadcast %sign3A_716 : i32 to vector<196x1xi32>
    %sign3A_718 = arith.cmpi slt, %iota3A_708, %sign3A_717 : vector<196x1xi32>
    %sign3A_719 = arith.extui %sign3A_718 : vector<196x1xi1> to vector<196x1xi32>
    %sign3A_720 = arith.subi %sign3A_715, %sign3A_719 : vector<196x1xi32>
    %sign3A_721 = arith.constant 0 : i32
    %sign3A_722 = arith.cmpi sgt, %jit3A_709, %sign3A_721 : i32
    %sign3A_723 = arith.extui %sign3A_722 : i1 to i32
    %sign3A_724 = arith.constant 0 : i32
    %sign3A_725 = arith.cmpi slt, %jit3A_709, %sign3A_724 : i32
    %sign3A_726 = arith.extui %sign3A_725 : i1 to i32
    %sign3A_727 = arith.subi %sign3A_723, %sign3A_726 : i32
    %ne3A_728 = vector.broadcast %sign3A_727 : i32 to vector<196x1xi32>
    %ne3A_729 = arith.cmpi ne, %sign3A_720, %ne3A_728 : vector<196x1xi32>
    %rem3A_730 = vector.broadcast %jit3A_709 : i32 to vector<196x1xi32>
    %rem3A_731 = arith.remsi %iota3A_708, %rem3A_730 : vector<196x1xi32>
    %ne3A_732 = arith.constant 0 : i32
    %ne3A_733 = vector.broadcast %ne3A_732 : i32 to vector<196x1xi32>
    %ne3A_734 = arith.cmpi ne, %rem3A_731, %ne3A_733 : vector<196x1xi32>
    %and3A_735 = arith.andi %ne3A_729, %ne3A_734 : vector<196x1xi1>
    %sub3A_736 = arith.constant 1 : i32
    %sub3A_737 = vector.broadcast %sub3A_736 : i32 to vector<196x1xi32>
    %sub3A_738 = arith.subi %div3A_711, %sub3A_737 : vector<196x1xi32>
    %select_n3A_739 = arith.select %and3A_735, %sub3A_738, %div3A_711 : vector<196x1xi1>, vector<196x1xi32>
    %convert_element_type3A_740 = arith.sitofp %select_n3A_739 : vector<196x1xi32> to vector<196x1xf32>
    %jit3A_741 = arith.constant 14 : i32
    %eq3A_742 = arith.constant 0 : i32
    %eq3A_743 = arith.cmpi eq, %jit3A_741, %eq3A_742 : i32
    %jit3A_744 = arith.constant 1 : i32
    %select_n3A_745 = arith.select %eq3A_743, %jit3A_744, %jit3A_741 : i32
    %rem3A_746 = vector.broadcast %select_n3A_745 : i32 to vector<196x1xi32>
    %rem3A_747 = arith.remsi %iota3A_708, %rem3A_746 : vector<196x1xi32>
    %ne3A_748 = arith.constant 0 : i32
    %ne3A_749 = vector.broadcast %ne3A_748 : i32 to vector<196x1xi32>
    %ne3A_750 = arith.cmpi ne, %rem3A_747, %ne3A_749 : vector<196x1xi32>
    %lt3A_751 = arith.constant 0 : i32
    %lt3A_752 = vector.broadcast %lt3A_751 : i32 to vector<196x1xi32>
    %lt3A_753 = arith.cmpi slt, %rem3A_747, %lt3A_752 : vector<196x1xi32>
    %lt3A_754 = arith.constant 0 : i32
    %lt3A_755 = arith.cmpi slt, %select_n3A_745, %lt3A_754 : i32
    %ne3A_756 = vector.broadcast %lt3A_755 : i1 to vector<196x1xi1>
    %ne3A_757 = vector.broadcast %ne3A_756 : vector<196x1xi1> to vector<196x1xi1>
    %ne3A_758 = arith.xori %lt3A_753, %ne3A_757 : vector<196x1xi1>
    %and3A_759 = arith.andi %ne3A_758, %ne3A_750 : vector<196x1xi1>
    %add3A_760 = vector.broadcast %select_n3A_745 : i32 to vector<196x1xi32>
    %add3A_761 = arith.addi %rem3A_747, %add3A_760 : vector<196x1xi32>
    %select_n3A_762 = arith.select %and3A_759, %add3A_761, %rem3A_747 : vector<196x1xi1>, vector<196x1xi32>
    %convert_element_type3A_763 = arith.sitofp %select_n3A_762 : vector<196x1xi32> to vector<196x1xf32>
    %sub3A_764 = arith.subf %mul3A_707, %mul3A_697 : f32
    %mul3A_765 = arith.constant 0.0769230798 : f32
    %mul3A_766 = vector.broadcast %mul3A_765 : f32 to vector<196x1xf32>
    %mul3A_767 = arith.mulf %convert_element_type3A_740, %mul3A_766 : vector<196x1xf32>
    %mul3A_768 = vector.broadcast %sub3A_764 : f32 to vector<196x1xf32>
    %mul3A_769 = arith.mulf %mul3A_768, %mul3A_767 : vector<196x1xf32>
    %add3A_770 = vector.broadcast %mul3A_697 : f32 to vector<196x1xf32>
    %add3A_771 = arith.addf %add3A_770, %mul3A_769 : vector<196x1xf32>
    %jit3A_772 = arith.constant 0.000000e+00 : f32
    %jit3A_773 = arith.constant 1.300000e+01 : f32
    %max3A_774 = vector.broadcast %jit3A_772 : f32 to vector<196x1xf32>
    %max3A_775 = arith.maximumf %max3A_774, %add3A_771 : vector<196x1xf32>
    %min3A_776 = vector.broadcast %jit3A_773 : f32 to vector<196x1xf32>
    %min3A_777 = arith.minimumf %min3A_776, %max3A_775 : vector<196x1xf32>
    %sub3A_778 = arith.subf %mul3A_702, %mul3A_692 : f32
    %mul3A_779 = arith.constant 0.0769230798 : f32
    %mul3A_780 = vector.broadcast %mul3A_779 : f32 to vector<196x1xf32>
    %mul3A_781 = arith.mulf %convert_element_type3A_763, %mul3A_780 : vector<196x1xf32>
    %mul3A_782 = vector.broadcast %sub3A_778 : f32 to vector<196x1xf32>
    %mul3A_783 = arith.mulf %mul3A_782, %mul3A_781 : vector<196x1xf32>
    %add3A_784 = vector.broadcast %mul3A_692 : f32 to vector<196x1xf32>
    %add3A_785 = arith.addf %add3A_784, %mul3A_783 : vector<196x1xf32>
    %jit3A_786 = arith.constant 0.000000e+00 : f32
    %jit3A_787 = arith.constant 1.300000e+01 : f32
    %max3A_788 = vector.broadcast %jit3A_786 : f32 to vector<196x1xf32>
    %max3A_789 = arith.maximumf %max3A_788, %add3A_785 : vector<196x1xf32>
    %min3A_790 = vector.broadcast %jit3A_787 : f32 to vector<196x1xf32>
    %min3A_791 = arith.minimumf %min3A_790, %max3A_789 : vector<196x1xf32>
    %iota3A_792 = tpu.iota {dimensions = array<i32: 1>} : vector<1x196xi32>
    %jit3A_793 = arith.constant 14 : i32
    %div3A_794 = vector.broadcast %jit3A_793 : i32 to vector<1x196xi32>
    %div3A_795 = arith.divsi %iota3A_792, %div3A_794 : vector<1x196xi32>
    %sign3A_796 = arith.constant 0 : i32
    %sign3A_797 = vector.broadcast %sign3A_796 : i32 to vector<1x196xi32>
    %sign3A_798 = arith.cmpi sgt, %iota3A_792, %sign3A_797 : vector<1x196xi32>
    %sign3A_799 = arith.extui %sign3A_798 : vector<1x196xi1> to vector<1x196xi32>
    %sign3A_800 = arith.constant 0 : i32
    %sign3A_801 = vector.broadcast %sign3A_800 : i32 to vector<1x196xi32>
    %sign3A_802 = arith.cmpi slt, %iota3A_792, %sign3A_801 : vector<1x196xi32>
    %sign3A_803 = arith.extui %sign3A_802 : vector<1x196xi1> to vector<1x196xi32>
    %sign3A_804 = arith.subi %sign3A_799, %sign3A_803 : vector<1x196xi32>
    %sign3A_805 = arith.constant 0 : i32
    %sign3A_806 = arith.cmpi sgt, %jit3A_793, %sign3A_805 : i32
    %sign3A_807 = arith.extui %sign3A_806 : i1 to i32
    %sign3A_808 = arith.constant 0 : i32
    %sign3A_809 = arith.cmpi slt, %jit3A_793, %sign3A_808 : i32
    %sign3A_810 = arith.extui %sign3A_809 : i1 to i32
    %sign3A_811 = arith.subi %sign3A_807, %sign3A_810 : i32
    %ne3A_812 = vector.broadcast %sign3A_811 : i32 to vector<1x196xi32>
    %ne3A_813 = arith.cmpi ne, %sign3A_804, %ne3A_812 : vector<1x196xi32>
    %rem3A_814 = vector.broadcast %jit3A_793 : i32 to vector<1x196xi32>
    %rem3A_815 = arith.remsi %iota3A_792, %rem3A_814 : vector<1x196xi32>
    %ne3A_816 = arith.constant 0 : i32
    %ne3A_817 = vector.broadcast %ne3A_816 : i32 to vector<1x196xi32>
    %ne3A_818 = arith.cmpi ne, %rem3A_815, %ne3A_817 : vector<1x196xi32>
    %and3A_819 = arith.andi %ne3A_813, %ne3A_818 : vector<1x196xi1>
    %sub3A_820 = arith.constant 1 : i32
    %sub3A_821 = vector.broadcast %sub3A_820 : i32 to vector<1x196xi32>
    %sub3A_822 = arith.subi %div3A_795, %sub3A_821 : vector<1x196xi32>
    %select_n3A_823 = arith.select %and3A_819, %sub3A_822, %div3A_795 : vector<1x196xi1>, vector<1x196xi32>
    %convert_element_type3A_824 = arith.sitofp %select_n3A_823 : vector<1x196xi32> to vector<1x196xf32>
    %jit3A_825 = arith.constant 14 : i32
    %eq3A_826 = arith.constant 0 : i32
    %eq3A_827 = arith.cmpi eq, %jit3A_825, %eq3A_826 : i32
    %jit3A_828 = arith.constant 1 : i32
    %select_n3A_829 = arith.select %eq3A_827, %jit3A_828, %jit3A_825 : i32
    %rem3A_830 = vector.broadcast %select_n3A_829 : i32 to vector<1x196xi32>
    %rem3A_831 = arith.remsi %iota3A_792, %rem3A_830 : vector<1x196xi32>
    %ne3A_832 = arith.constant 0 : i32
    %ne3A_833 = vector.broadcast %ne3A_832 : i32 to vector<1x196xi32>
    %ne3A_834 = arith.cmpi ne, %rem3A_831, %ne3A_833 : vector<1x196xi32>
    %lt3A_835 = arith.constant 0 : i32
    %lt3A_836 = vector.broadcast %lt3A_835 : i32 to vector<1x196xi32>
    %lt3A_837 = arith.cmpi slt, %rem3A_831, %lt3A_836 : vector<1x196xi32>
    %lt3A_838 = arith.constant 0 : i32
    %lt3A_839 = arith.cmpi slt, %select_n3A_829, %lt3A_838 : i32
    %ne3A_840 = vector.broadcast %lt3A_839 : i1 to vector<1x196xi1>
    %ne3A_841 = vector.broadcast %ne3A_840 : vector<1x196xi1> to vector<1x196xi1>
    %ne3A_842 = arith.xori %lt3A_837, %ne3A_841 : vector<1x196xi1>
    %and3A_843 = arith.andi %ne3A_842, %ne3A_834 : vector<1x196xi1>
    %add3A_844 = vector.broadcast %select_n3A_829 : i32 to vector<1x196xi32>
    %add3A_845 = arith.addi %rem3A_831, %add3A_844 : vector<1x196xi32>
    %select_n3A_846 = arith.select %and3A_843, %add3A_845, %rem3A_831 : vector<1x196xi1>, vector<1x196xi32>
    %convert_element_type3A_847 = arith.sitofp %select_n3A_846 : vector<1x196xi32> to vector<1x196xf32>
    %sub3A_848 = vector.broadcast %min3A_777 : vector<196x1xf32> to vector<196x196xf32>
    %sub3A_849 = vector.broadcast %convert_element_type3A_824 : vector<1x196xf32> to vector<196x196xf32>
    %sub3A_850 = arith.subf %sub3A_848, %sub3A_849 : vector<196x196xf32>
    %abs3A_851 = math.absf %sub3A_850 : vector<196x196xf32>
    %sub3A_852 = arith.constant 1.000000e+00 : f32
    %sub3A_853 = vector.broadcast %sub3A_852 : f32 to vector<196x196xf32>
    %sub3A_854 = arith.subf %sub3A_853, %abs3A_851 : vector<196x196xf32>
    %max3A_855 = arith.constant 0.000000e+00 : f32
    %max3A_856 = vector.broadcast %max3A_855 : f32 to vector<196x196xf32>
    %max3A_857 = arith.maximumf %sub3A_854, %max3A_856 : vector<196x196xf32>
    %sub3A_858 = vector.broadcast %min3A_791 : vector<196x1xf32> to vector<196x196xf32>
    %sub3A_859 = vector.broadcast %convert_element_type3A_847 : vector<1x196xf32> to vector<196x196xf32>
    %sub3A_860 = arith.subf %sub3A_858, %sub3A_859 : vector<196x196xf32>
    %abs3A_861 = math.absf %sub3A_860 : vector<196x196xf32>
    %sub3A_862 = arith.constant 1.000000e+00 : f32
    %sub3A_863 = vector.broadcast %sub3A_862 : f32 to vector<196x196xf32>
    %sub3A_864 = arith.subf %sub3A_863, %abs3A_861 : vector<196x196xf32>
    %max3A_865 = arith.constant 0.000000e+00 : f32
    %max3A_866 = vector.broadcast %max3A_865 : f32 to vector<196x196xf32>
    %max3A_867 = arith.maximumf %sub3A_864, %max3A_866 : vector<196x196xf32>
    %mul3A_868 = arith.mulf %max3A_857, %max3A_867 : vector<196x196xf32>
    %convert_element_type3A_869 = arith.truncf %mul3A_868 : vector<196x196xf32> to vector<196x196xbf16>
    %get3A_870 = arith.index_cast %get3A_687 : i32 to index
    %get3A_871 = arith.constant 0 : index
    %get3A_872 = arith.constant 0 : index
    %get3A_873 = vector.load %arg7[%get3A_870, %get3A_871, %get3A_872] : memref<512x196x256xbf16, #tpu.memory_space<vmem>>, vector<1x196x256xbf16>
    %get3A_874 = vector.shape_cast %get3A_873 : vector<1x196x256xbf16> to vector<196x256xbf16>
    %dot_general3A_875 = arith.constant dense<0.000000e+00> : vector<256x196xf32>
    %dot_general3A_876 = tpu.matmul %get3A_874, %convert_element_type3A_869, %dot_general3A_875 {dimension_numbers = #tpu.dot_dimension_numbers<[0], [1], [1], [0], [0, 1, 1, 0], [], []>, transpose_lhs_hint = false} : vector<196x256xbf16>, vector<196x196xbf16>, vector<256x196xf32> -> vector<256x196xf32>
    %swap3A_877 = arith.constant 3 : index
    %swap3A_878 = arith.constant 0 : index
    %swap3A_879 = arith.constant 0 : index
    %swap3A_880 = vector.load %arg6[%swap3A_877, %swap3A_878, %swap3A_879] : memref<16x256x196xf32, #tpu.memory_space<vmem>>, vector<1x256x196xf32>
    %swap3A_881 = vector.shape_cast %swap3A_880 : vector<1x256x196xf32> to vector<256x196xf32>
    %swap3A_882 = vector.shape_cast %dot_general3A_876 : vector<256x196xf32> to vector<1x256x196xf32>
    tpu.vector_store %arg6[%swap3A_877, %swap3A_878, %swap3A_879], %swap3A_882 {strides = array<i32>} : memref<16x256x196xf32, #tpu.memory_space<vmem>>, vector<1x256x196xf32>,
    %mul3A_883 = arith.constant 16 : i32
    %mul3A_884 = arith.muli %arg0, %mul3A_883 : i32
    %add3A_885 = arith.constant 4 : i32
    %add3A_886 = arith.addi %mul3A_884, %add3A_885 : i32
    %get3A_887 = arith.index_cast %add3A_886 : i32 to index
    %get3A_888 = memref.load %arg1[%get3A_887] : memref<512xi32, #tpu.memory_space<smem>>
    %get3A_889 = arith.index_cast %get3A_888 : i32 to index
    %get3A_890 = arith.constant 0 : index
    %get3A_891 = memref.load %arg2[%get3A_889, %get3A_890] : memref<512x4xf32, #tpu.memory_space<smem>>
    %mul3A_892 = arith.constant 1.300000e+01 : f32
    %mul3A_893 = arith.mulf %get3A_891, %mul3A_892 : f32
    %get3A_894 = arith.index_cast %get3A_888 : i32 to index
    %get3A_895 = arith.constant 1 : index
    %get3A_896 = memref.load %arg2[%get3A_894, %get3A_895] : memref<512x4xf32, #tpu.memory_space<smem>>
    %mul3A_897 = arith.constant 1.300000e+01 : f32
    %mul3A_898 = arith.mulf %get3A_896, %mul3A_897 : f32
    %get3A_899 = arith.index_cast %get3A_888 : i32 to index
    %get3A_900 = arith.constant 2 : index
    %get3A_901 = memref.load %arg2[%get3A_899, %get3A_900] : memref<512x4xf32, #tpu.memory_space<smem>>
    %mul3A_902 = arith.constant 1.300000e+01 : f32
    %mul3A_903 = arith.mulf %get3A_901, %mul3A_902 : f32
    %get3A_904 = arith.index_cast %get3A_888 : i32 to index
    %get3A_905 = arith.constant 3 : index
    %get3A_906 = memref.load %arg2[%get3A_904, %get3A_905] : memref<512x4xf32, #tpu.memory_space<smem>>
    %mul3A_907 = arith.constant 1.300000e+01 : f32
    %mul3A_908 = arith.mulf %get3A_906, %mul3A_907 : f32
    %iota3A_909 = tpu.iota {dimensions = array<i32: 0>} : vector<196x1xi32>
    %jit3A_910 = arith.constant 14 : i32
    %div3A_911 = vector.broadcast %jit3A_910 : i32 to vector<196x1xi32>
    %div3A_912 = arith.divsi %iota3A_909, %div3A_911 : vector<196x1xi32>
    %sign3A_913 = arith.constant 0 : i32
    %sign3A_914 = vector.broadcast %sign3A_913 : i32 to vector<196x1xi32>
    %sign3A_915 = arith.cmpi sgt, %iota3A_909, %sign3A_914 : vector<196x1xi32>
    %sign3A_916 = arith.extui %sign3A_915 : vector<196x1xi1> to vector<196x1xi32>
    %sign3A_917 = arith.constant 0 : i32
    %sign3A_918 = vector.broadcast %sign3A_917 : i32 to vector<196x1xi32>
    %sign3A_919 = arith.cmpi slt, %iota3A_909, %sign3A_918 : vector<196x1xi32>
    %sign3A_920 = arith.extui %sign3A_919 : vector<196x1xi1> to vector<196x1xi32>
    %sign3A_921 = arith.subi %sign3A_916, %sign3A_920 : vector<196x1xi32>
    %sign3A_922 = arith.constant 0 : i32
    %sign3A_923 = arith.cmpi sgt, %jit3A_910, %sign3A_922 : i32
    %sign3A_924 = arith.extui %sign3A_923 : i1 to i32
    %sign3A_925 = arith.constant 0 : i32
    %sign3A_926 = arith.cmpi slt, %jit3A_910, %sign3A_925 : i32
    %sign3A_927 = arith.extui %sign3A_926 : i1 to i32
    %sign3A_928 = arith.subi %sign3A_924, %sign3A_927 : i32
    %ne3A_929 = vector.broadcast %sign3A_928 : i32 to vector<196x1xi32>
    %ne3A_930 = arith.cmpi ne, %sign3A_921, %ne3A_929 : vector<196x1xi32>
    %rem3A_931 = vector.broadcast %jit3A_910 : i32 to vector<196x1xi32>
    %rem3A_932 = arith.remsi %iota3A_909, %rem3A_931 : vector<196x1xi32>
    %ne3A_933 = arith.constant 0 : i32
    %ne3A_934 = vector.broadcast %ne3A_933 : i32 to vector<196x1xi32>
    %ne3A_935 = arith.cmpi ne, %rem3A_932, %ne3A_934 : vector<196x1xi32>
    %and3A_936 = arith.andi %ne3A_930, %ne3A_935 : vector<196x1xi1>
    %sub3A_937 = arith.constant 1 : i32
    %sub3A_938 = vector.broadcast %sub3A_937 : i32 to vector<196x1xi32>
    %sub3A_939 = arith.subi %div3A_912, %sub3A_938 : vector<196x1xi32>
    %select_n3A_940 = arith.select %and3A_936, %sub3A_939, %div3A_912 : vector<196x1xi1>, vector<196x1xi32>
    %convert_element_type3A_941 = arith.sitofp %select_n3A_940 : vector<196x1xi32> to vector<196x1xf32>
    %jit3A_942 = arith.constant 14 : i32
    %eq3A_943 = arith.constant 0 : i32
    %eq3A_944 = arith.cmpi eq, %jit3A_942, %eq3A_943 : i32
    %jit3A_945 = arith.constant 1 : i32
    %select_n3A_946 = arith.select %eq3A_944, %jit3A_945, %jit3A_942 : i32
    %rem3A_947 = vector.broadcast %select_n3A_946 : i32 to vector<196x1xi32>
    %rem3A_948 = arith.remsi %iota3A_909, %rem3A_947 : vector<196x1xi32>
    %ne3A_949 = arith.constant 0 : i32
    %ne3A_950 = vector.broadcast %ne3A_949 : i32 to vector<196x1xi32>
    %ne3A_951 = arith.cmpi ne, %rem3A_948, %ne3A_950 : vector<196x1xi32>
    %lt3A_952 = arith.constant 0 : i32
    %lt3A_953 = vector.broadcast %lt3A_952 : i32 to vector<196x1xi32>
    %lt3A_954 = arith.cmpi slt, %rem3A_948, %lt3A_953 : vector<196x1xi32>
    %lt3A_955 = arith.constant 0 : i32
    %lt3A_956 = arith.cmpi slt, %select_n3A_946, %lt3A_955 : i32
    %ne3A_957 = vector.broadcast %lt3A_956 : i1 to vector<196x1xi1>
    %ne3A_958 = vector.broadcast %ne3A_957 : vector<196x1xi1> to vector<196x1xi1>
    %ne3A_959 = arith.xori %lt3A_954, %ne3A_958 : vector<196x1xi1>
    %and3A_960 = arith.andi %ne3A_959, %ne3A_951 : vector<196x1xi1>
    %add3A_961 = vector.broadcast %select_n3A_946 : i32 to vector<196x1xi32>
    %add3A_962 = arith.addi %rem3A_948, %add3A_961 : vector<196x1xi32>
    %select_n3A_963 = arith.select %and3A_960, %add3A_962, %rem3A_948 : vector<196x1xi1>, vector<196x1xi32>
    %convert_element_type3A_964 = arith.sitofp %select_n3A_963 : vector<196x1xi32> to vector<196x1xf32>
    %sub3A_965 = arith.subf %mul3A_908, %mul3A_898 : f32
    %mul3A_966 = arith.constant 0.0769230798 : f32
    %mul3A_967 = vector.broadcast %mul3A_966 : f32 to vector<196x1xf32>
    %mul3A_968 = arith.mulf %convert_element_type3A_941, %mul3A_967 : vector<196x1xf32>
    %mul3A_969 = vector.broadcast %sub3A_965 : f32 to vector<196x1xf32>
    %mul3A_970 = arith.mulf %mul3A_969, %mul3A_968 : vector<196x1xf32>
    %add3A_971 = vector.broadcast %mul3A_898 : f32 to vector<196x1xf32>
    %add3A_972 = arith.addf %add3A_971, %mul3A_970 : vector<196x1xf32>
    %jit3A_973 = arith.constant 0.000000e+00 : f32
    %jit3A_974 = arith.constant 1.300000e+01 : f32
    %max3A_975 = vector.broadcast %jit3A_973 : f32 to vector<196x1xf32>
    %max3A_976 = arith.maximumf %max3A_975, %add3A_972 : vector<196x1xf32>
    %min3A_977 = vector.broadcast %jit3A_974 : f32 to vector<196x1xf32>
    %min3A_978 = arith.minimumf %min3A_977, %max3A_976 : vector<196x1xf32>
    %sub3A_979 = arith.subf %mul3A_903, %mul3A_893 : f32
    %mul3A_980 = arith.constant 0.0769230798 : f32
    %mul3A_981 = vector.broadcast %mul3A_980 : f32 to vector<196x1xf32>
    %mul3A_982 = arith.mulf %convert_element_type3A_964, %mul3A_981 : vector<196x1xf32>
    %mul3A_983 = vector.broadcast %sub3A_979 : f32 to vector<196x1xf32>
    %mul3A_984 = arith.mulf %mul3A_983, %mul3A_982 : vector<196x1xf32>
    %add3A_985 = vector.broadcast %mul3A_893 : f32 to vector<196x1xf32>
    %add3A_986 = arith.addf %add3A_985, %mul3A_984 : vector<196x1xf32>
    %jit3A_987 = arith.constant 0.000000e+00 : f32
    %jit3A_988 = arith.constant 1.300000e+01 : f32
    %max3A_989 = vector.broadcast %jit3A_987 : f32 to vector<196x1xf32>
    %max3A_990 = arith.maximumf %max3A_989, %add3A_986 : vector<196x1xf32>
    %min3A_991 = vector.broadcast %jit3A_988 : f32 to vector<196x1xf32>
    %min3A_992 = arith.minimumf %min3A_991, %max3A_990 : vector<196x1xf32>
    %iota3A_993 = tpu.iota {dimensions = array<i32: 1>} : vector<1x196xi32>
    %jit3A_994 = arith.constant 14 : i32
    %div3A_995 = vector.broadcast %jit3A_994 : i32 to vector<1x196xi32>
    %div3A_996 = arith.divsi %iota3A_993, %div3A_995 : vector<1x196xi32>
    %sign3A_997 = arith.constant 0 : i32
    %sign3A_998 = vector.broadcast %sign3A_997 : i32 to vector<1x196xi32>
    %sign3A_999 = arith.cmpi sgt, %iota3A_993, %sign3A_998 : vector<1x196xi32>
    %sign3A_1000 = arith.extui %sign3A_999 : vector<1x196xi1> to vector<1x196xi32>
    %sign3A_1001 = arith.constant 0 : i32
    %sign3A_1002 = vector.broadcast %sign3A_1001 : i32 to vector<1x196xi32>
    %sign3A_1003 = arith.cmpi slt, %iota3A_993, %sign3A_1002 : vector<1x196xi32>
    %sign3A_1004 = arith.extui %sign3A_1003 : vector<1x196xi1> to vector<1x196xi32>
    %sign3A_1005 = arith.subi %sign3A_1000, %sign3A_1004 : vector<1x196xi32>
    %sign3A_1006 = arith.constant 0 : i32
    %sign3A_1007 = arith.cmpi sgt, %jit3A_994, %sign3A_1006 : i32
    %sign3A_1008 = arith.extui %sign3A_1007 : i1 to i32
    %sign3A_1009 = arith.constant 0 : i32
    %sign3A_1010 = arith.cmpi slt, %jit3A_994, %sign3A_1009 : i32
    %sign3A_1011 = arith.extui %sign3A_1010 : i1 to i32
    %sign3A_1012 = arith.subi %sign3A_1008, %sign3A_1011 : i32
    %ne3A_1013 = vector.broadcast %sign3A_1012 : i32 to vector<1x196xi32>
    %ne3A_1014 = arith.cmpi ne, %sign3A_1005, %ne3A_1013 : vector<1x196xi32>
    %rem3A_1015 = vector.broadcast %jit3A_994 : i32 to vector<1x196xi32>
    %rem3A_1016 = arith.remsi %iota3A_993, %rem3A_1015 : vector<1x196xi32>
    %ne3A_1017 = arith.constant 0 : i32
    %ne3A_1018 = vector.broadcast %ne3A_1017 : i32 to vector<1x196xi32>
    %ne3A_1019 = arith.cmpi ne, %rem3A_1016, %ne3A_1018 : vector<1x196xi32>
    %and3A_1020 = arith.andi %ne3A_1014, %ne3A_1019 : vector<1x196xi1>
    %sub3A_1021 = arith.constant 1 : i32
    %sub3A_1022 = vector.broadcast %sub3A_1021 : i32 to vector<1x196xi32>
    %sub3A_1023 = arith.subi %div3A_996, %sub3A_1022 : vector<1x196xi32>
    %select_n3A_1024 = arith.select %and3A_1020, %sub3A_1023, %div3A_996 : vector<1x196xi1>, vector<1x196xi32>
    %convert_element_type3A_1025 = arith.sitofp %select_n3A_1024 : vector<1x196xi32> to vector<1x196xf32>
    %jit3A_1026 = arith.constant 14 : i32
    %eq3A_1027 = arith.constant 0 : i32
    %eq3A_1028 = arith.cmpi eq, %jit3A_1026, %eq3A_1027 : i32
    %jit3A_1029 = arith.constant 1 : i32
    %select_n3A_1030 = arith.select %eq3A_1028, %jit3A_1029, %jit3A_1026 : i32
    %rem3A_1031 = vector.broadcast %select_n3A_1030 : i32 to vector<1x196xi32>
    %rem3A_1032 = arith.remsi %iota3A_993, %rem3A_1031 : vector<1x196xi32>
    %ne3A_1033 = arith.constant 0 : i32
    %ne3A_1034 = vector.broadcast %ne3A_1033 : i32 to vector<1x196xi32>
    %ne3A_1035 = arith.cmpi ne, %rem3A_1032, %ne3A_1034 : vector<1x196xi32>
    %lt3A_1036 = arith.constant 0 : i32
    %lt3A_1037 = vector.broadcast %lt3A_1036 : i32 to vector<1x196xi32>
    %lt3A_1038 = arith.cmpi slt, %rem3A_1032, %lt3A_1037 : vector<1x196xi32>
    %lt3A_1039 = arith.constant 0 : i32
    %lt3A_1040 = arith.cmpi slt, %select_n3A_1030, %lt3A_1039 : i32
    %ne3A_1041 = vector.broadcast %lt3A_1040 : i1 to vector<1x196xi1>
    %ne3A_1042 = vector.broadcast %ne3A_1041 : vector<1x196xi1> to vector<1x196xi1>
    %ne3A_1043 = arith.xori %lt3A_1038, %ne3A_1042 : vector<1x196xi1>
    %and3A_1044 = arith.andi %ne3A_1043, %ne3A_1035 : vector<1x196xi1>
    %add3A_1045 = vector.broadcast %select_n3A_1030 : i32 to vector<1x196xi32>
    %add3A_1046 = arith.addi %rem3A_1032, %add3A_1045 : vector<1x196xi32>
    %select_n3A_1047 = arith.select %and3A_1044, %add3A_1046, %rem3A_1032 : vector<1x196xi1>, vector<1x196xi32>
    %convert_element_type3A_1048 = arith.sitofp %select_n3A_1047 : vector<1x196xi32> to vector<1x196xf32>
    %sub3A_1049 = vector.broadcast %min3A_978 : vector<196x1xf32> to vector<196x196xf32>
    %sub3A_1050 = vector.broadcast %convert_element_type3A_1025 : vector<1x196xf32> to vector<196x196xf32>
    %sub3A_1051 = arith.subf %sub3A_1049, %sub3A_1050 : vector<196x196xf32>
    %abs3A_1052 = math.absf %sub3A_1051 : vector<196x196xf32>
    %sub3A_1053 = arith.constant 1.000000e+00 : f32
    %sub3A_1054 = vector.broadcast %sub3A_1053 : f32 to vector<196x196xf32>
    %sub3A_1055 = arith.subf %sub3A_1054, %abs3A_1052 : vector<196x196xf32>
    %max3A_1056 = arith.constant 0.000000e+00 : f32
    %max3A_1057 = vector.broadcast %max3A_1056 : f32 to vector<196x196xf32>
    %max3A_1058 = arith.maximumf %sub3A_1055, %max3A_1057 : vector<196x196xf32>
    %sub3A_1059 = vector.broadcast %min3A_992 : vector<196x1xf32> to vector<196x196xf32>
    %sub3A_1060 = vector.broadcast %convert_element_type3A_1048 : vector<1x196xf32> to vector<196x196xf32>
    %sub3A_1061 = arith.subf %sub3A_1059, %sub3A_1060 : vector<196x196xf32>
    %abs3A_1062 = math.absf %sub3A_1061 : vector<196x196xf32>
    %sub3A_1063 = arith.constant 1.000000e+00 : f32
    %sub3A_1064 = vector.broadcast %sub3A_1063 : f32 to vector<196x196xf32>
    %sub3A_1065 = arith.subf %sub3A_1064, %abs3A_1062 : vector<196x196xf32>
    %max3A_1066 = arith.constant 0.000000e+00 : f32
    %max3A_1067 = vector.broadcast %max3A_1066 : f32 to vector<196x196xf32>
    %max3A_1068 = arith.maximumf %sub3A_1065, %max3A_1067 : vector<196x196xf32>
    %mul3A_1069 = arith.mulf %max3A_1058, %max3A_1068 : vector<196x196xf32>
    %convert_element_type3A_1070 = arith.truncf %mul3A_1069 : vector<196x196xf32> to vector<196x196xbf16>
    %get3A_1071 = arith.index_cast %get3A_888 : i32 to index
    %get3A_1072 = arith.constant 0 : index
    %get3A_1073 = arith.constant 0 : index
    %get3A_1074 = vector.load %arg7[%get3A_1071, %get3A_1072, %get3A_1073] : memref<512x196x256xbf16, #tpu.memory_space<vmem>>, vector<1x196x256xbf16>
    %get3A_1075 = vector.shape_cast %get3A_1074 : vector<1x196x256xbf16> to vector<196x256xbf16>
    %dot_general3A_1076 = arith.constant dense<0.000000e+00> : vector<256x196xf32>
    %dot_general3A_1077 = tpu.matmul %get3A_1075, %convert_element_type3A_1070, %dot_general3A_1076 {dimension_numbers = #tpu.dot_dimension_numbers<[0], [1], [1], [0], [0, 1, 1, 0], [], []>, transpose_lhs_hint = false} : vector<196x256xbf16>, vector<196x196xbf16>, vector<256x196xf32> -> vector<256x196xf32>
    %swap3A_1078 = arith.constant 4 : index
    %swap3A_1079 = arith.constant 0 : index
    %swap3A_1080 = arith.constant 0 : index
    %swap3A_1081 = vector.load %arg6[%swap3A_1078, %swap3A_1079, %swap3A_1080] : memref<16x256x196xf32, #tpu.memory_space<vmem>>, vector<1x256x196xf32>
    %swap3A_1082 = vector.shape_cast %swap3A_1081 : vector<1x256x196xf32> to vector<256x196xf32>
    %swap3A_1083 = vector.shape_cast %dot_general3A_1077 : vector<256x196xf32> to vector<1x256x196xf32>
    tpu.vector_store %arg6[%swap3A_1078, %swap3A_1079, %swap3A_1080], %swap3A_1083 {strides = array<i32>} : memref<16x256x196xf32, #tpu.memory_space<vmem>>, vector<1x256x196xf32>,
    %mul3A_1084 = arith.constant 16 : i32
    %mul3A_1085 = arith.muli %arg0, %mul3A_1084 : i32
    %add3A_1086 = arith.constant 5 : i32
    %add3A_1087 = arith.addi %mul3A_1085, %add3A_1086 : i32
    %get3A_1088 = arith.index_cast %add3A_1087 : i32 to index
    %get3A_1089 = memref.load %arg1[%get3A_1088] : memref<512xi32, #tpu.memory_space<smem>>
    %get3A_1090 = arith.index_cast %get3A_1089 : i32 to index
    %get3A_1091 = arith.constant 0 : index
    %get3A_1092 = memref.load %arg2[%get3A_1090, %get3A_1091] : memref<512x4xf32, #tpu.memory_space<smem>>
    %mul3A_1093 = arith.constant 1.300000e+01 : f32
    %mul3A_1094 = arith.mulf %get3A_1092, %mul3A_1093 : f32
    %get3A_1095 = arith.index_cast %get3A_1089 : i32 to index
    %get3A_1096 = arith.constant 1 : index
    %get3A_1097 = memref.load %arg2[%get3A_1095, %get3A_1096] : memref<512x4xf32, #tpu.memory_space<smem>>
    %mul3A_1098 = arith.constant 1.300000e+01 : f32
    %mul3A_1099 = arith.mulf %get3A_1097, %mul3A_1098 : f32
    %get3A_1100 = arith.index_cast %get3A_1089 : i32 to index
    %get3A_1101 = arith.constant 2 : index
    %get3A_1102 = memref.load %arg2[%get3A_1100, %get3A_1101] : memref<512x4xf32, #tpu.memory_space<smem>>
    %mul3A_1103 = arith.constant 1.300000e+01 : f32
    %mul3A_1104 = arith.mulf %get3A_1102, %mul3A_1103 : f32
    %get3A_1105 = arith.index_cast %get3A_1089 : i32 to index
    %get3A_1106 = arith.constant 3 : index
    %get3A_1107 = memref.load %arg2[%get3A_1105, %get3A_1106] : memref<512x4xf32, #tpu.memory_space<smem>>
    %mul3A_1108 = arith.constant 1.300000e+01 : f32
    %mul3A_1109 = arith.mulf %get3A_1107, %mul3A_1108 : f32
    %iota3A_1110 = tpu.iota {dimensions = array<i32: 0>} : vector<196x1xi32>
    %jit3A_1111 = arith.constant 14 : i32
    %div3A_1112 = vector.broadcast %jit3A_1111 : i32 to vector<196x1xi32>
    %div3A_1113 = arith.divsi %iota3A_1110, %div3A_1112 : vector<196x1xi32>
    %sign3A_1114 = arith.constant 0 : i32
    %sign3A_1115 = vector.broadcast %sign3A_1114 : i32 to vector<196x1xi32>
    %sign3A_1116 = arith.cmpi sgt, %iota3A_1110, %sign3A_1115 : vector<196x1xi32>
    %sign3A_1117 = arith.extui %sign3A_1116 : vector<196x1xi1> to vector<196x1xi32>
    %sign3A_1118 = arith.constant 0 : i32
    %sign3A_1119 = vector.broadcast %sign3A_1118 : i32 to vector<196x1xi32>
    %sign3A_1120 = arith.cmpi slt, %iota3A_1110, %sign3A_1119 : vector<196x1xi32>
    %sign3A_1121 = arith.extui %sign3A_1120 : vector<196x1xi1> to vector<196x1xi32>
    %sign3A_1122 = arith.subi %sign3A_1117, %sign3A_1121 : vector<196x1xi32>
    %sign3A_1123 = arith.constant 0 : i32
    %sign3A_1124 = arith.cmpi sgt, %jit3A_1111, %sign3A_1123 : i32
    %sign3A_1125 = arith.extui %sign3A_1124 : i1 to i32
    %sign3A_1126 = arith.constant 0 : i32
    %sign3A_1127 = arith.cmpi slt, %jit3A_1111, %sign3A_1126 : i32
    %sign3A_1128 = arith.extui %sign3A_1127 : i1 to i32
    %sign3A_1129 = arith.subi %sign3A_1125, %sign3A_1128 : i32
    %ne3A_1130 = vector.broadcast %sign3A_1129 : i32 to vector<196x1xi32>
    %ne3A_1131 = arith.cmpi ne, %sign3A_1122, %ne3A_1130 : vector<196x1xi32>
    %rem3A_1132 = vector.broadcast %jit3A_1111 : i32 to vector<196x1xi32>
    %rem3A_1133 = arith.remsi %iota3A_1110, %rem3A_1132 : vector<196x1xi32>
    %ne3A_1134 = arith.constant 0 : i32
    %ne3A_1135 = vector.broadcast %ne3A_1134 : i32 to vector<196x1xi32>
    %ne3A_1136 = arith.cmpi ne, %rem3A_1133, %ne3A_1135 : vector<196x1xi32>
    %and3A_1137 = arith.andi %ne3A_1131, %ne3A_1136 : vector<196x1xi1>
    %sub3A_1138 = arith.constant 1 : i32
    %sub3A_1139 = vector.broadcast %sub3A_1138 : i32 to vector<196x1xi32>
    %sub3A_1140 = arith.subi %div3A_1113, %sub3A_1139 : vector<196x1xi32>
    %select_n3A_1141 = arith.select %and3A_1137, %sub3A_1140, %div3A_1113 : vector<196x1xi1>, vector<196x1xi32>
    %convert_element_type3A_1142 = arith.sitofp %select_n3A_1141 : vector<196x1xi32> to vector<196x1xf32>
    %jit3A_1143 = arith.constant 14 : i32
    %eq3A_1144 = arith.constant 0 : i32
    %eq3A_1145 = arith.cmpi eq, %jit3A_1143, %eq3A_1144 : i32
    %jit3A_1146 = arith.constant 1 : i32
    %select_n3A_1147 = arith.select %eq3A_1145, %jit3A_1146, %jit3A_1143 : i32
    %rem3A_1148 = vector.broadcast %select_n3A_1147 : i32 to vector<196x1xi32>
    %rem3A_1149 = arith.remsi %iota3A_1110, %rem3A_1148 : vector<196x1xi32>
    %ne3A_1150 = arith.constant 0 : i32
    %ne3A_1151 = vector.broadcast %ne3A_1150 : i32 to vector<196x1xi32>
    %ne3A_1152 = arith.cmpi ne, %rem3A_1149, %ne3A_1151 : vector<196x1xi32>
    %lt3A_1153 = arith.constant 0 : i32
    %lt3A_1154 = vector.broadcast %lt3A_1153 : i32 to vector<196x1xi32>
    %lt3A_1155 = arith.cmpi slt, %rem3A_1149, %lt3A_1154 : vector<196x1xi32>
    %lt3A_1156 = arith.constant 0 : i32
    %lt3A_1157 = arith.cmpi slt, %select_n3A_1147, %lt3A_1156 : i32
    %ne3A_1158 = vector.broadcast %lt3A_1157 : i1 to vector<196x1xi1>
    %ne3A_1159 = vector.broadcast %ne3A_1158 : vector<196x1xi1> to vector<196x1xi1>
    %ne3A_1160 = arith.xori %lt3A_1155, %ne3A_1159 : vector<196x1xi1>
    %and3A_1161 = arith.andi %ne3A_1160, %ne3A_1152 : vector<196x1xi1>
    %add3A_1162 = vector.broadcast %select_n3A_1147 : i32 to vector<196x1xi32>
    %add3A_1163 = arith.addi %rem3A_1149, %add3A_1162 : vector<196x1xi32>
    %select_n3A_1164 = arith.select %and3A_1161, %add3A_1163, %rem3A_1149 : vector<196x1xi1>, vector<196x1xi32>
    %convert_element_type3A_1165 = arith.sitofp %select_n3A_1164 : vector<196x1xi32> to vector<196x1xf32>
    %sub3A_1166 = arith.subf %mul3A_1109, %mul3A_1099 : f32
    %mul3A_1167 = arith.constant 0.0769230798 : f32
    %mul3A_1168 = vector.broadcast %mul3A_1167 : f32 to vector<196x1xf32>
    %mul3A_1169 = arith.mulf %convert_element_type3A_1142, %mul3A_1168 : vector<196x1xf32>
    %mul3A_1170 = vector.broadcast %sub3A_1166 : f32 to vector<196x1xf32>
    %mul3A_1171 = arith.mulf %mul3A_1170, %mul3A_1169 : vector<196x1xf32>
    %add3A_1172 = vector.broadcast %mul3A_1099 : f32 to vector<196x1xf32>
    %add3A_1173 = arith.addf %add3A_1172, %mul3A_1171 : vector<196x1xf32>
    %jit3A_1174 = arith.constant 0.000000e+00 : f32
    %jit3A_1175 = arith.constant 1.300000e+01 : f32
    %max3A_1176 = vector.broadcast %jit3A_1174 : f32 to vector<196x1xf32>
    %max3A_1177 = arith.maximumf %max3A_1176, %add3A_1173 : vector<196x1xf32>
    %min3A_1178 = vector.broadcast %jit3A_1175 : f32 to vector<196x1xf32>
    %min3A_1179 = arith.minimumf %min3A_1178, %max3A_1177 : vector<196x1xf32>
    %sub3A_1180 = arith.subf %mul3A_1104, %mul3A_1094 : f32
    %mul3A_1181 = arith.constant 0.0769230798 : f32
    %mul3A_1182 = vector.broadcast %mul3A_1181 : f32 to vector<196x1xf32>
    %mul3A_1183 = arith.mulf %convert_element_type3A_1165, %mul3A_1182 : vector<196x1xf32>
    %mul3A_1184 = vector.broadcast %sub3A_1180 : f32 to vector<196x1xf32>
    %mul3A_1185 = arith.mulf %mul3A_1184, %mul3A_1183 : vector<196x1xf32>
    %add3A_1186 = vector.broadcast %mul3A_1094 : f32 to vector<196x1xf32>
    %add3A_1187 = arith.addf %add3A_1186, %mul3A_1185 : vector<196x1xf32>
    %jit3A_1188 = arith.constant 0.000000e+00 : f32
    %jit3A_1189 = arith.constant 1.300000e+01 : f32
    %max3A_1190 = vector.broadcast %jit3A_1188 : f32 to vector<196x1xf32>
    %max3A_1191 = arith.maximumf %max3A_1190, %add3A_1187 : vector<196x1xf32>
    %min3A_1192 = vector.broadcast %jit3A_1189 : f32 to vector<196x1xf32>
    %min3A_1193 = arith.minimumf %min3A_1192, %max3A_1191 : vector<196x1xf32>
    %iota3A_1194 = tpu.iota {dimensions = array<i32: 1>} : vector<1x196xi32>
    %jit3A_1195 = arith.constant 14 : i32
    %div3A_1196 = vector.broadcast %jit3A_1195 : i32 to vector<1x196xi32>
    %div3A_1197 = arith.divsi %iota3A_1194, %div3A_1196 : vector<1x196xi32>
    %sign3A_1198 = arith.constant 0 : i32
    %sign3A_1199 = vector.broadcast %sign3A_1198 : i32 to vector<1x196xi32>
    %sign3A_1200 = arith.cmpi sgt, %iota3A_1194, %sign3A_1199 : vector<1x196xi32>
    %sign3A_1201 = arith.extui %sign3A_1200 : vector<1x196xi1> to vector<1x196xi32>
    %sign3A_1202 = arith.constant 0 : i32
    %sign3A_1203 = vector.broadcast %sign3A_1202 : i32 to vector<1x196xi32>
    %sign3A_1204 = arith.cmpi slt, %iota3A_1194, %sign3A_1203 : vector<1x196xi32>
    %sign3A_1205 = arith.extui %sign3A_1204 : vector<1x196xi1> to vector<1x196xi32>
    %sign3A_1206 = arith.subi %sign3A_1201, %sign3A_1205 : vector<1x196xi32>
    %sign3A_1207 = arith.constant 0 : i32
    %sign3A_1208 = arith.cmpi sgt, %jit3A_1195, %sign3A_1207 : i32
    %sign3A_1209 = arith.extui %sign3A_1208 : i1 to i32
    %sign3A_1210 = arith.constant 0 : i32
    %sign3A_1211 = arith.cmpi slt, %jit3A_1195, %sign3A_1210 : i32
    %sign3A_1212 = arith.extui %sign3A_1211 : i1 to i32
    %sign3A_1213 = arith.subi %sign3A_1209, %sign3A_1212 : i32
    %ne3A_1214 = vector.broadcast %sign3A_1213 : i32 to vector<1x196xi32>
    %ne3A_1215 = arith.cmpi ne, %sign3A_1206, %ne3A_1214 : vector<1x196xi32>
    %rem3A_1216 = vector.broadcast %jit3A_1195 : i32 to vector<1x196xi32>
    %rem3A_1217 = arith.remsi %iota3A_1194, %rem3A_1216 : vector<1x196xi32>
    %ne3A_1218 = arith.constant 0 : i32
    %ne3A_1219 = vector.broadcast %ne3A_1218 : i32 to vector<1x196xi32>
    %ne3A_1220 = arith.cmpi ne, %rem3A_1217, %ne3A_1219 : vector<1x196xi32>
    %and3A_1221 = arith.andi %ne3A_1215, %ne3A_1220 : vector<1x196xi1>
    %sub3A_1222 = arith.constant 1 : i32
    %sub3A_1223 = vector.broadcast %sub3A_1222 : i32 to vector<1x196xi32>
    %sub3A_1224 = arith.subi %div3A_1197, %sub3A_1223 : vector<1x196xi32>
    %select_n3A_1225 = arith.select %and3A_1221, %sub3A_1224, %div3A_1197 : vector<1x196xi1>, vector<1x196xi32>
    %convert_element_type3A_1226 = arith.sitofp %select_n3A_1225 : vector<1x196xi32> to vector<1x196xf32>
    %jit3A_1227 = arith.constant 14 : i32
    %eq3A_1228 = arith.constant 0 : i32
    %eq3A_1229 = arith.cmpi eq, %jit3A_1227, %eq3A_1228 : i32
    %jit3A_1230 = arith.constant 1 : i32
    %select_n3A_1231 = arith.select %eq3A_1229, %jit3A_1230, %jit3A_1227 : i32
    %rem3A_1232 = vector.broadcast %select_n3A_1231 : i32 to vector<1x196xi32>
    %rem3A_1233 = arith.remsi %iota3A_1194, %rem3A_1232 : vector<1x196xi32>
    %ne3A_1234 = arith.constant 0 : i32
    %ne3A_1235 = vector.broadcast %ne3A_1234 : i32 to vector<1x196xi32>
    %ne3A_1236 = arith.cmpi ne, %rem3A_1233, %ne3A_1235 : vector<1x196xi32>
    %lt3A_1237 = arith.constant 0 : i32
    %lt3A_1238 = vector.broadcast %lt3A_1237 : i32 to vector<1x196xi32>
    %lt3A_1239 = arith.cmpi slt, %rem3A_1233, %lt3A_1238 : vector<1x196xi32>
    %lt3A_1240 = arith.constant 0 : i32
    %lt3A_1241 = arith.cmpi slt, %select_n3A_1231, %lt3A_1240 : i32
    %ne3A_1242 = vector.broadcast %lt3A_1241 : i1 to vector<1x196xi1>
    %ne3A_1243 = vector.broadcast %ne3A_1242 : vector<1x196xi1> to vector<1x196xi1>
    %ne3A_1244 = arith.xori %lt3A_1239, %ne3A_1243 : vector<1x196xi1>
    %and3A_1245 = arith.andi %ne3A_1244, %ne3A_1236 : vector<1x196xi1>
    %add3A_1246 = vector.broadcast %select_n3A_1231 : i32 to vector<1x196xi32>
    %add3A_1247 = arith.addi %rem3A_1233, %add3A_1246 : vector<1x196xi32>
    %select_n3A_1248 = arith.select %and3A_1245, %add3A_1247, %rem3A_1233 : vector<1x196xi1>, vector<1x196xi32>
    %convert_element_type3A_1249 = arith.sitofp %select_n3A_1248 : vector<1x196xi32> to vector<1x196xf32>
    %sub3A_1250 = vector.broadcast %min3A_1179 : vector<196x1xf32> to vector<196x196xf32>
    %sub3A_1251 = vector.broadcast %convert_element_type3A_1226 : vector<1x196xf32> to vector<196x196xf32>
    %sub3A_1252 = arith.subf %sub3A_1250, %sub3A_1251 : vector<196x196xf32>
    %abs3A_1253 = math.absf %sub3A_1252 : vector<196x196xf32>
    %sub3A_1254 = arith.constant 1.000000e+00 : f32
    %sub3A_1255 = vector.broadcast %sub3A_1254 : f32 to vector<196x196xf32>
    %sub3A_1256 = arith.subf %sub3A_1255, %abs3A_1253 : vector<196x196xf32>
    %max3A_1257 = arith.constant 0.000000e+00 : f32
    %max3A_1258 = vector.broadcast %max3A_1257 : f32 to vector<196x196xf32>
    %max3A_1259 = arith.maximumf %sub3A_1256, %max3A_1258 : vector<196x196xf32>
    %sub3A_1260 = vector.broadcast %min3A_1193 : vector<196x1xf32> to vector<196x196xf32>
    %sub3A_1261 = vector.broadcast %convert_element_type3A_1249 : vector<1x196xf32> to vector<196x196xf32>
    %sub3A_1262 = arith.subf %sub3A_1260, %sub3A_1261 : vector<196x196xf32>
    %abs3A_1263 = math.absf %sub3A_1262 : vector<196x196xf32>
    %sub3A_1264 = arith.constant 1.000000e+00 : f32
    %sub3A_1265 = vector.broadcast %sub3A_1264 : f32 to vector<196x196xf32>
    %sub3A_1266 = arith.subf %sub3A_1265, %abs3A_1263 : vector<196x196xf32>
    %max3A_1267 = arith.constant 0.000000e+00 : f32
    %max3A_1268 = vector.broadcast %max3A_1267 : f32 to vector<196x196xf32>
    %max3A_1269 = arith.maximumf %sub3A_1266, %max3A_1268 : vector<196x196xf32>
    %mul3A_1270 = arith.mulf %max3A_1259, %max3A_1269 : vector<196x196xf32>
    %convert_element_type3A_1271 = arith.truncf %mul3A_1270 : vector<196x196xf32> to vector<196x196xbf16>
    %get3A_1272 = arith.index_cast %get3A_1089 : i32 to index
    %get3A_1273 = arith.constant 0 : index
    %get3A_1274 = arith.constant 0 : index
    %get3A_1275 = vector.load %arg7[%get3A_1272, %get3A_1273, %get3A_1274] : memref<512x196x256xbf16, #tpu.memory_space<vmem>>, vector<1x196x256xbf16>
    %get3A_1276 = vector.shape_cast %get3A_1275 : vector<1x196x256xbf16> to vector<196x256xbf16>
    %dot_general3A_1277 = arith.constant dense<0.000000e+00> : vector<256x196xf32>
    %dot_general3A_1278 = tpu.matmul %get3A_1276, %convert_element_type3A_1271, %dot_general3A_1277 {dimension_numbers = #tpu.dot_dimension_numbers<[0], [1], [1], [0], [0, 1, 1, 0], [], []>, transpose_lhs_hint = false} : vector<196x256xbf16>, vector<196x196xbf16>, vector<256x196xf32> -> vector<256x196xf32>
    %swap3A_1279 = arith.constant 5 : index
    %swap3A_1280 = arith.constant 0 : index
    %swap3A_1281 = arith.constant 0 : index
    %swap3A_1282 = vector.load %arg6[%swap3A_1279, %swap3A_1280, %swap3A_1281] : memref<16x256x196xf32, #tpu.memory_space<vmem>>, vector<1x256x196xf32>
    %swap3A_1283 = vector.shape_cast %swap3A_1282 : vector<1x256x196xf32> to vector<256x196xf32>
    %swap3A_1284 = vector.shape_cast %dot_general3A_1278 : vector<256x196xf32> to vector<1x256x196xf32>
    tpu.vector_store %arg6[%swap3A_1279, %swap3A_1280, %swap3A_1281], %swap3A_1284 {strides = array<i32>} : memref<16x256x196xf32, #tpu.memory_space<vmem>>, vector<1x256x196xf32>,
    %mul3A_1285 = arith.constant 16 : i32
    %mul3A_1286 = arith.muli %arg0, %mul3A_1285 : i32
    %add3A_1287 = arith.constant 6 : i32
    %add3A_1288 = arith.addi %mul3A_1286, %add3A_1287 : i32
    %get3A_1289 = arith.index_cast %add3A_1288 : i32 to index
    %get3A_1290 = memref.load %arg1[%get3A_1289] : memref<512xi32, #tpu.memory_space<smem>>
    %get3A_1291 = arith.index_cast %get3A_1290 : i32 to index
    %get3A_1292 = arith.constant 0 : index
    %get3A_1293 = memref.load %arg2[%get3A_1291, %get3A_1292] : memref<512x4xf32, #tpu.memory_space<smem>>
    %mul3A_1294 = arith.constant 1.300000e+01 : f32
    %mul3A_1295 = arith.mulf %get3A_1293, %mul3A_1294 : f32
    %get3A_1296 = arith.index_cast %get3A_1290 : i32 to index
    %get3A_1297 = arith.constant 1 : index
    %get3A_1298 = memref.load %arg2[%get3A_1296, %get3A_1297] : memref<512x4xf32, #tpu.memory_space<smem>>
    %mul3A_1299 = arith.constant 1.300000e+01 : f32
    %mul3A_1300 = arith.mulf %get3A_1298, %mul3A_1299 : f32
    %get3A_1301 = arith.index_cast %get3A_1290 : i32 to index
    %get3A_1302 = arith.constant 2 : index
    %get3A_1303 = memref.load %arg2[%get3A_1301, %get3A_1302] : memref<512x4xf32, #tpu.memory_space<smem>>
    %mul3A_1304 = arith.constant 1.300000e+01 : f32
    %mul3A_1305 = arith.mulf %get3A_1303, %mul3A_1304 : f32
    %get3A_1306 = arith.index_cast %get3A_1290 : i32 to index
    %get3A_1307 = arith.constant 3 : index
    %get3A_1308 = memref.load %arg2[%get3A_1306, %get3A_1307] : memref<512x4xf32, #tpu.memory_space<smem>>
    %mul3A_1309 = arith.constant 1.300000e+01 : f32
    %mul3A_1310 = arith.mulf %get3A_1308, %mul3A_1309 : f32
    %iota3A_1311 = tpu.iota {dimensions = array<i32: 0>} : vector<196x1xi32>
    %jit3A_1312 = arith.constant 14 : i32
    %div3A_1313 = vector.broadcast %jit3A_1312 : i32 to vector<196x1xi32>
    %div3A_1314 = arith.divsi %iota3A_1311, %div3A_1313 : vector<196x1xi32>
    %sign3A_1315 = arith.constant 0 : i32
    %sign3A_1316 = vector.broadcast %sign3A_1315 : i32 to vector<196x1xi32>
    %sign3A_1317 = arith.cmpi sgt, %iota3A_1311, %sign3A_1316 : vector<196x1xi32>
    %sign3A_1318 = arith.extui %sign3A_1317 : vector<196x1xi1> to vector<196x1xi32>
    %sign3A_1319 = arith.constant 0 : i32
    %sign3A_1320 = vector.broadcast %sign3A_1319 : i32 to vector<196x1xi32>
    %sign3A_1321 = arith.cmpi slt, %iota3A_1311, %sign3A_1320 : vector<196x1xi32>
    %sign3A_1322 = arith.extui %sign3A_1321 : vector<196x1xi1> to vector<196x1xi32>
    %sign3A_1323 = arith.subi %sign3A_1318, %sign3A_1322 : vector<196x1xi32>
    %sign3A_1324 = arith.constant 0 : i32
    %sign3A_1325 = arith.cmpi sgt, %jit3A_1312, %sign3A_1324 : i32
    %sign3A_1326 = arith.extui %sign3A_1325 : i1 to i32
    %sign3A_1327 = arith.constant 0 : i32
    %sign3A_1328 = arith.cmpi slt, %jit3A_1312, %sign3A_1327 : i32
    %sign3A_1329 = arith.extui %sign3A_1328 : i1 to i32
    %sign3A_1330 = arith.subi %sign3A_1326, %sign3A_1329 : i32
    %ne3A_1331 = vector.broadcast %sign3A_1330 : i32 to vector<196x1xi32>
    %ne3A_1332 = arith.cmpi ne, %sign3A_1323, %ne3A_1331 : vector<196x1xi32>
    %rem3A_1333 = vector.broadcast %jit3A_1312 : i32 to vector<196x1xi32>
    %rem3A_1334 = arith.remsi %iota3A_1311, %rem3A_1333 : vector<196x1xi32>
    %ne3A_1335 = arith.constant 0 : i32
    %ne3A_1336 = vector.broadcast %ne3A_1335 : i32 to vector<196x1xi32>
    %ne3A_1337 = arith.cmpi ne, %rem3A_1334, %ne3A_1336 : vector<196x1xi32>
    %and3A_1338 = arith.andi %ne3A_1332, %ne3A_1337 : vector<196x1xi1>
    %sub3A_1339 = arith.constant 1 : i32
    %sub3A_1340 = vector.broadcast %sub3A_1339 : i32 to vector<196x1xi32>
    %sub3A_1341 = arith.subi %div3A_1314, %sub3A_1340 : vector<196x1xi32>
    %select_n3A_1342 = arith.select %and3A_1338, %sub3A_1341, %div3A_1314 : vector<196x1xi1>, vector<196x1xi32>
    %convert_element_type3A_1343 = arith.sitofp %select_n3A_1342 : vector<196x1xi32> to vector<196x1xf32>
    %jit3A_1344 = arith.constant 14 : i32
    %eq3A_1345 = arith.constant 0 : i32
    %eq3A_1346 = arith.cmpi eq, %jit3A_1344, %eq3A_1345 : i32
    %jit3A_1347 = arith.constant 1 : i32
    %select_n3A_1348 = arith.select %eq3A_1346, %jit3A_1347, %jit3A_1344 : i32
    %rem3A_1349 = vector.broadcast %select_n3A_1348 : i32 to vector<196x1xi32>
    %rem3A_1350 = arith.remsi %iota3A_1311, %rem3A_1349 : vector<196x1xi32>
    %ne3A_1351 = arith.constant 0 : i32
    %ne3A_1352 = vector.broadcast %ne3A_1351 : i32 to vector<196x1xi32>
    %ne3A_1353 = arith.cmpi ne, %rem3A_1350, %ne3A_1352 : vector<196x1xi32>
    %lt3A_1354 = arith.constant 0 : i32
    %lt3A_1355 = vector.broadcast %lt3A_1354 : i32 to vector<196x1xi32>
    %lt3A_1356 = arith.cmpi slt, %rem3A_1350, %lt3A_1355 : vector<196x1xi32>
    %lt3A_1357 = arith.constant 0 : i32
    %lt3A_1358 = arith.cmpi slt, %select_n3A_1348, %lt3A_1357 : i32
    %ne3A_1359 = vector.broadcast %lt3A_1358 : i1 to vector<196x1xi1>
    %ne3A_1360 = vector.broadcast %ne3A_1359 : vector<196x1xi1> to vector<196x1xi1>
    %ne3A_1361 = arith.xori %lt3A_1356, %ne3A_1360 : vector<196x1xi1>
    %and3A_1362 = arith.andi %ne3A_1361, %ne3A_1353 : vector<196x1xi1>
    %add3A_1363 = vector.broadcast %select_n3A_1348 : i32 to vector<196x1xi32>
    %add3A_1364 = arith.addi %rem3A_1350, %add3A_1363 : vector<196x1xi32>
    %select_n3A_1365 = arith.select %and3A_1362, %add3A_1364, %rem3A_1350 : vector<196x1xi1>, vector<196x1xi32>
    %convert_element_type3A_1366 = arith.sitofp %select_n3A_1365 : vector<196x1xi32> to vector<196x1xf32>
    %sub3A_1367 = arith.subf %mul3A_1310, %mul3A_1300 : f32
    %mul3A_1368 = arith.constant 0.0769230798 : f32
    %mul3A_1369 = vector.broadcast %mul3A_1368 : f32 to vector<196x1xf32>
    %mul3A_1370 = arith.mulf %convert_element_type3A_1343, %mul3A_1369 : vector<196x1xf32>
    %mul3A_1371 = vector.broadcast %sub3A_1367 : f32 to vector<196x1xf32>
    %mul3A_1372 = arith.mulf %mul3A_1371, %mul3A_1370 : vector<196x1xf32>
    %add3A_1373 = vector.broadcast %mul3A_1300 : f32 to vector<196x1xf32>
    %add3A_1374 = arith.addf %add3A_1373, %mul3A_1372 : vector<196x1xf32>
    %jit3A_1375 = arith.constant 0.000000e+00 : f32
    %jit3A_1376 = arith.constant 1.300000e+01 : f32
    %max3A_1377 = vector.broadcast %jit3A_1375 : f32 to vector<196x1xf32>
    %max3A_1378 = arith.maximumf %max3A_1377, %add3A_1374 : vector<196x1xf32>
    %min3A_1379 = vector.broadcast %jit3A_1376 : f32 to vector<196x1xf32>
    %min3A_1380 = arith.minimumf %min3A_1379, %max3A_1378 : vector<196x1xf32>
    %sub3A_1381 = arith.subf %mul3A_1305, %mul3A_1295 : f32
    %mul3A_1382 = arith.constant 0.0769230798 : f32
    %mul3A_1383 = vector.broadcast %mul3A_1382 : f32 to vector<196x1xf32>
    %mul3A_1384 = arith.mulf %convert_element_type3A_1366, %mul3A_1383 : vector<196x1xf32>
    %mul3A_1385 = vector.broadcast %sub3A_1381 : f32 to vector<196x1xf32>
    %mul3A_1386 = arith.mulf %mul3A_1385, %mul3A_1384 : vector<196x1xf32>
    %add3A_1387 = vector.broadcast %mul3A_1295 : f32 to vector<196x1xf32>
    %add3A_1388 = arith.addf %add3A_1387, %mul3A_1386 : vector<196x1xf32>
    %jit3A_1389 = arith.constant 0.000000e+00 : f32
    %jit3A_1390 = arith.constant 1.300000e+01 : f32
    %max3A_1391 = vector.broadcast %jit3A_1389 : f32 to vector<196x1xf32>
    %max3A_1392 = arith.maximumf %max3A_1391, %add3A_1388 : vector<196x1xf32>
    %min3A_1393 = vector.broadcast %jit3A_1390 : f32 to vector<196x1xf32>
    %min3A_1394 = arith.minimumf %min3A_1393, %max3A_1392 : vector<196x1xf32>
    %iota3A_1395 = tpu.iota {dimensions = array<i32: 1>} : vector<1x196xi32>
    %jit3A_1396 = arith.constant 14 : i32
    %div3A_1397 = vector.broadcast %jit3A_1396 : i32 to vector<1x196xi32>
    %div3A_1398 = arith.divsi %iota3A_1395, %div3A_1397 : vector<1x196xi32>
    %sign3A_1399 = arith.constant 0 : i32
    %sign3A_1400 = vector.broadcast %sign3A_1399 : i32 to vector<1x196xi32>
    %sign3A_1401 = arith.cmpi sgt, %iota3A_1395, %sign3A_1400 : vector<1x196xi32>
    %sign3A_1402 = arith.extui %sign3A_1401 : vector<1x196xi1> to vector<1x196xi32>
    %sign3A_1403 = arith.constant 0 : i32
    %sign3A_1404 = vector.broadcast %sign3A_1403 : i32 to vector<1x196xi32>
    %sign3A_1405 = arith.cmpi slt, %iota3A_1395, %sign3A_1404 : vector<1x196xi32>
    %sign3A_1406 = arith.extui %sign3A_1405 : vector<1x196xi1> to vector<1x196xi32>
    %sign3A_1407 = arith.subi %sign3A_1402, %sign3A_1406 : vector<1x196xi32>
    %sign3A_1408 = arith.constant 0 : i32
    %sign3A_1409 = arith.cmpi sgt, %jit3A_1396, %sign3A_1408 : i32
    %sign3A_1410 = arith.extui %sign3A_1409 : i1 to i32
    %sign3A_1411 = arith.constant 0 : i32
    %sign3A_1412 = arith.cmpi slt, %jit3A_1396, %sign3A_1411 : i32
    %sign3A_1413 = arith.extui %sign3A_1412 : i1 to i32
    %sign3A_1414 = arith.subi %sign3A_1410, %sign3A_1413 : i32
    %ne3A_1415 = vector.broadcast %sign3A_1414 : i32 to vector<1x196xi32>
    %ne3A_1416 = arith.cmpi ne, %sign3A_1407, %ne3A_1415 : vector<1x196xi32>
    %rem3A_1417 = vector.broadcast %jit3A_1396 : i32 to vector<1x196xi32>
    %rem3A_1418 = arith.remsi %iota3A_1395, %rem3A_1417 : vector<1x196xi32>
    %ne3A_1419 = arith.constant 0 : i32
    %ne3A_1420 = vector.broadcast %ne3A_1419 : i32 to vector<1x196xi32>
    %ne3A_1421 = arith.cmpi ne, %rem3A_1418, %ne3A_1420 : vector<1x196xi32>
    %and3A_1422 = arith.andi %ne3A_1416, %ne3A_1421 : vector<1x196xi1>
    %sub3A_1423 = arith.constant 1 : i32
    %sub3A_1424 = vector.broadcast %sub3A_1423 : i32 to vector<1x196xi32>
    %sub3A_1425 = arith.subi %div3A_1398, %sub3A_1424 : vector<1x196xi32>
    %select_n3A_1426 = arith.select %and3A_1422, %sub3A_1425, %div3A_1398 : vector<1x196xi1>, vector<1x196xi32>
    %convert_element_type3A_1427 = arith.sitofp %select_n3A_1426 : vector<1x196xi32> to vector<1x196xf32>
    %jit3A_1428 = arith.constant 14 : i32
    %eq3A_1429 = arith.constant 0 : i32
    %eq3A_1430 = arith.cmpi eq, %jit3A_1428, %eq3A_1429 : i32
    %jit3A_1431 = arith.constant 1 : i32
    %select_n3A_1432 = arith.select %eq3A_1430, %jit3A_1431, %jit3A_1428 : i32
    %rem3A_1433 = vector.broadcast %select_n3A_1432 : i32 to vector<1x196xi32>
    %rem3A_1434 = arith.remsi %iota3A_1395, %rem3A_1433 : vector<1x196xi32>
    %ne3A_1435 = arith.constant 0 : i32
    %ne3A_1436 = vector.broadcast %ne3A_1435 : i32 to vector<1x196xi32>
    %ne3A_1437 = arith.cmpi ne, %rem3A_1434, %ne3A_1436 : vector<1x196xi32>
    %lt3A_1438 = arith.constant 0 : i32
    %lt3A_1439 = vector.broadcast %lt3A_1438 : i32 to vector<1x196xi32>
    %lt3A_1440 = arith.cmpi slt, %rem3A_1434, %lt3A_1439 : vector<1x196xi32>
    %lt3A_1441 = arith.constant 0 : i32
    %lt3A_1442 = arith.cmpi slt, %select_n3A_1432, %lt3A_1441 : i32
    %ne3A_1443 = vector.broadcast %lt3A_1442 : i1 to vector<1x196xi1>
    %ne3A_1444 = vector.broadcast %ne3A_1443 : vector<1x196xi1> to vector<1x196xi1>
    %ne3A_1445 = arith.xori %lt3A_1440, %ne3A_1444 : vector<1x196xi1>
    %and3A_1446 = arith.andi %ne3A_1445, %ne3A_1437 : vector<1x196xi1>
    %add3A_1447 = vector.broadcast %select_n3A_1432 : i32 to vector<1x196xi32>
    %add3A_1448 = arith.addi %rem3A_1434, %add3A_1447 : vector<1x196xi32>
    %select_n3A_1449 = arith.select %and3A_1446, %add3A_1448, %rem3A_1434 : vector<1x196xi1>, vector<1x196xi32>
    %convert_element_type3A_1450 = arith.sitofp %select_n3A_1449 : vector<1x196xi32> to vector<1x196xf32>
    %sub3A_1451 = vector.broadcast %min3A_1380 : vector<196x1xf32> to vector<196x196xf32>
    %sub3A_1452 = vector.broadcast %convert_element_type3A_1427 : vector<1x196xf32> to vector<196x196xf32>
    %sub3A_1453 = arith.subf %sub3A_1451, %sub3A_1452 : vector<196x196xf32>
    %abs3A_1454 = math.absf %sub3A_1453 : vector<196x196xf32>
    %sub3A_1455 = arith.constant 1.000000e+00 : f32
    %sub3A_1456 = vector.broadcast %sub3A_1455 : f32 to vector<196x196xf32>
    %sub3A_1457 = arith.subf %sub3A_1456, %abs3A_1454 : vector<196x196xf32>
    %max3A_1458 = arith.constant 0.000000e+00 : f32
    %max3A_1459 = vector.broadcast %max3A_1458 : f32 to vector<196x196xf32>
    %max3A_1460 = arith.maximumf %sub3A_1457, %max3A_1459 : vector<196x196xf32>
    %sub3A_1461 = vector.broadcast %min3A_1394 : vector<196x1xf32> to vector<196x196xf32>
    %sub3A_1462 = vector.broadcast %convert_element_type3A_1450 : vector<1x196xf32> to vector<196x196xf32>
    %sub3A_1463 = arith.subf %sub3A_1461, %sub3A_1462 : vector<196x196xf32>
    %abs3A_1464 = math.absf %sub3A_1463 : vector<196x196xf32>
    %sub3A_1465 = arith.constant 1.000000e+00 : f32
    %sub3A_1466 = vector.broadcast %sub3A_1465 : f32 to vector<196x196xf32>
    %sub3A_1467 = arith.subf %sub3A_1466, %abs3A_1464 : vector<196x196xf32>
    %max3A_1468 = arith.constant 0.000000e+00 : f32
    %max3A_1469 = vector.broadcast %max3A_1468 : f32 to vector<196x196xf32>
    %max3A_1470 = arith.maximumf %sub3A_1467, %max3A_1469 : vector<196x196xf32>
    %mul3A_1471 = arith.mulf %max3A_1460, %max3A_1470 : vector<196x196xf32>
    %convert_element_type3A_1472 = arith.truncf %mul3A_1471 : vector<196x196xf32> to vector<196x196xbf16>
    %get3A_1473 = arith.index_cast %get3A_1290 : i32 to index
    %get3A_1474 = arith.constant 0 : index
    %get3A_1475 = arith.constant 0 : index
    %get3A_1476 = vector.load %arg7[%get3A_1473, %get3A_1474, %get3A_1475] : memref<512x196x256xbf16, #tpu.memory_space<vmem>>, vector<1x196x256xbf16>
    %get3A_1477 = vector.shape_cast %get3A_1476 : vector<1x196x256xbf16> to vector<196x256xbf16>
    %dot_general3A_1478 = arith.constant dense<0.000000e+00> : vector<256x196xf32>
    %dot_general3A_1479 = tpu.matmul %get3A_1477, %convert_element_type3A_1472, %dot_general3A_1478 {dimension_numbers = #tpu.dot_dimension_numbers<[0], [1], [1], [0], [0, 1, 1, 0], [], []>, transpose_lhs_hint = false} : vector<196x256xbf16>, vector<196x196xbf16>, vector<256x196xf32> -> vector<256x196xf32>
    %swap3A_1480 = arith.constant 6 : index
    %swap3A_1481 = arith.constant 0 : index
    %swap3A_1482 = arith.constant 0 : index
    %swap3A_1483 = vector.load %arg6[%swap3A_1480, %swap3A_1481, %swap3A_1482] : memref<16x256x196xf32, #tpu.memory_space<vmem>>, vector<1x256x196xf32>
    %swap3A_1484 = vector.shape_cast %swap3A_1483 : vector<1x256x196xf32> to vector<256x196xf32>
    %swap3A_1485 = vector.shape_cast %dot_general3A_1479 : vector<256x196xf32> to vector<1x256x196xf32>
    tpu.vector_store %arg6[%swap3A_1480, %swap3A_1481, %swap3A_1482], %swap3A_1485 {strides = array<i32>} : memref<16x256x196xf32, #tpu.memory_space<vmem>>, vector<1x256x196xf32>,
    %mul3A_1486 = arith.constant 16 : i32
    %mul3A_1487 = arith.muli %arg0, %mul3A_1486 : i32
    %add3A_1488 = arith.constant 7 : i32
    %add3A_1489 = arith.addi %mul3A_1487, %add3A_1488 : i32
    %get3A_1490 = arith.index_cast %add3A_1489 : i32 to index
    %get3A_1491 = memref.load %arg1[%get3A_1490] : memref<512xi32, #tpu.memory_space<smem>>
    %get3A_1492 = arith.index_cast %get3A_1491 : i32 to index
    %get3A_1493 = arith.constant 0 : index
    %get3A_1494 = memref.load %arg2[%get3A_1492, %get3A_1493] : memref<512x4xf32, #tpu.memory_space<smem>>
    %mul3A_1495 = arith.constant 1.300000e+01 : f32
    %mul3A_1496 = arith.mulf %get3A_1494, %mul3A_1495 : f32
    %get3A_1497 = arith.index_cast %get3A_1491 : i32 to index
    %get3A_1498 = arith.constant 1 : index
    %get3A_1499 = memref.load %arg2[%get3A_1497, %get3A_1498] : memref<512x4xf32, #tpu.memory_space<smem>>
    %mul3A_1500 = arith.constant 1.300000e+01 : f32
    %mul3A_1501 = arith.mulf %get3A_1499, %mul3A_1500 : f32
    %get3A_1502 = arith.index_cast %get3A_1491 : i32 to index
    %get3A_1503 = arith.constant 2 : index
    %get3A_1504 = memref.load %arg2[%get3A_1502, %get3A_1503] : memref<512x4xf32, #tpu.memory_space<smem>>
    %mul3A_1505 = arith.constant 1.300000e+01 : f32
    %mul3A_1506 = arith.mulf %get3A_1504, %mul3A_1505 : f32
    %get3A_1507 = arith.index_cast %get3A_1491 : i32 to index
    %get3A_1508 = arith.constant 3 : index
    %get3A_1509 = memref.load %arg2[%get3A_1507, %get3A_1508] : memref<512x4xf32, #tpu.memory_space<smem>>
    %mul3A_1510 = arith.constant 1.300000e+01 : f32
    %mul3A_1511 = arith.mulf %get3A_1509, %mul3A_1510 : f32
    %iota3A_1512 = tpu.iota {dimensions = array<i32: 0>} : vector<196x1xi32>
    %jit3A_1513 = arith.constant 14 : i32
    %div3A_1514 = vector.broadcast %jit3A_1513 : i32 to vector<196x1xi32>
    %div3A_1515 = arith.divsi %iota3A_1512, %div3A_1514 : vector<196x1xi32>
    %sign3A_1516 = arith.constant 0 : i32
    %sign3A_1517 = vector.broadcast %sign3A_1516 : i32 to vector<196x1xi32>
    %sign3A_1518 = arith.cmpi sgt, %iota3A_1512, %sign3A_1517 : vector<196x1xi32>
    %sign3A_1519 = arith.extui %sign3A_1518 : vector<196x1xi1> to vector<196x1xi32>
    %sign3A_1520 = arith.constant 0 : i32
    %sign3A_1521 = vector.broadcast %sign3A_1520 : i32 to vector<196x1xi32>
    %sign3A_1522 = arith.cmpi slt, %iota3A_1512, %sign3A_1521 : vector<196x1xi32>
    %sign3A_1523 = arith.extui %sign3A_1522 : vector<196x1xi1> to vector<196x1xi32>
    %sign3A_1524 = arith.subi %sign3A_1519, %sign3A_1523 : vector<196x1xi32>
    %sign3A_1525 = arith.constant 0 : i32
    %sign3A_1526 = arith.cmpi sgt, %jit3A_1513, %sign3A_1525 : i32
    %sign3A_1527 = arith.extui %sign3A_1526 : i1 to i32
    %sign3A_1528 = arith.constant 0 : i32
    %sign3A_1529 = arith.cmpi slt, %jit3A_1513, %sign3A_1528 : i32
    %sign3A_1530 = arith.extui %sign3A_1529 : i1 to i32
    %sign3A_1531 = arith.subi %sign3A_1527, %sign3A_1530 : i32
    %ne3A_1532 = vector.broadcast %sign3A_1531 : i32 to vector<196x1xi32>
    %ne3A_1533 = arith.cmpi ne, %sign3A_1524, %ne3A_1532 : vector<196x1xi32>
    %rem3A_1534 = vector.broadcast %jit3A_1513 : i32 to vector<196x1xi32>
    %rem3A_1535 = arith.remsi %iota3A_1512, %rem3A_1534 : vector<196x1xi32>
    %ne3A_1536 = arith.constant 0 : i32
    %ne3A_1537 = vector.broadcast %ne3A_1536 : i32 to vector<196x1xi32>
    %ne3A_1538 = arith.cmpi ne, %rem3A_1535, %ne3A_1537 : vector<196x1xi32>
    %and3A_1539 = arith.andi %ne3A_1533, %ne3A_1538 : vector<196x1xi1>
    %sub3A_1540 = arith.constant 1 : i32
    %sub3A_1541 = vector.broadcast %sub3A_1540 : i32 to vector<196x1xi32>
    %sub3A_1542 = arith.subi %div3A_1515, %sub3A_1541 : vector<196x1xi32>
    %select_n3A_1543 = arith.select %and3A_1539, %sub3A_1542, %div3A_1515 : vector<196x1xi1>, vector<196x1xi32>
    %convert_element_type3A_1544 = arith.sitofp %select_n3A_1543 : vector<196x1xi32> to vector<196x1xf32>
    %jit3A_1545 = arith.constant 14 : i32
    %eq3A_1546 = arith.constant 0 : i32
    %eq3A_1547 = arith.cmpi eq, %jit3A_1545, %eq3A_1546 : i32
    %jit3A_1548 = arith.constant 1 : i32
    %select_n3A_1549 = arith.select %eq3A_1547, %jit3A_1548, %jit3A_1545 : i32
    %rem3A_1550 = vector.broadcast %select_n3A_1549 : i32 to vector<196x1xi32>
    %rem3A_1551 = arith.remsi %iota3A_1512, %rem3A_1550 : vector<196x1xi32>
    %ne3A_1552 = arith.constant 0 : i32
    %ne3A_1553 = vector.broadcast %ne3A_1552 : i32 to vector<196x1xi32>
    %ne3A_1554 = arith.cmpi ne, %rem3A_1551, %ne3A_1553 : vector<196x1xi32>
    %lt3A_1555 = arith.constant 0 : i32
    %lt3A_1556 = vector.broadcast %lt3A_1555 : i32 to vector<196x1xi32>
    %lt3A_1557 = arith.cmpi slt, %rem3A_1551, %lt3A_1556 : vector<196x1xi32>
    %lt3A_1558 = arith.constant 0 : i32
    %lt3A_1559 = arith.cmpi slt, %select_n3A_1549, %lt3A_1558 : i32
    %ne3A_1560 = vector.broadcast %lt3A_1559 : i1 to vector<196x1xi1>
    %ne3A_1561 = vector.broadcast %ne3A_1560 : vector<196x1xi1> to vector<196x1xi1>
    %ne3A_1562 = arith.xori %lt3A_1557, %ne3A_1561 : vector<196x1xi1>
    %and3A_1563 = arith.andi %ne3A_1562, %ne3A_1554 : vector<196x1xi1>
    %add3A_1564 = vector.broadcast %select_n3A_1549 : i32 to vector<196x1xi32>
    %add3A_1565 = arith.addi %rem3A_1551, %add3A_1564 : vector<196x1xi32>
    %select_n3A_1566 = arith.select %and3A_1563, %add3A_1565, %rem3A_1551 : vector<196x1xi1>, vector<196x1xi32>
    %convert_element_type3A_1567 = arith.sitofp %select_n3A_1566 : vector<196x1xi32> to vector<196x1xf32>
    %sub3A_1568 = arith.subf %mul3A_1511, %mul3A_1501 : f32
    %mul3A_1569 = arith.constant 0.0769230798 : f32
    %mul3A_1570 = vector.broadcast %mul3A_1569 : f32 to vector<196x1xf32>
    %mul3A_1571 = arith.mulf %convert_element_type3A_1544, %mul3A_1570 : vector<196x1xf32>
    %mul3A_1572 = vector.broadcast %sub3A_1568 : f32 to vector<196x1xf32>
    %mul3A_1573 = arith.mulf %mul3A_1572, %mul3A_1571 : vector<196x1xf32>
    %add3A_1574 = vector.broadcast %mul3A_1501 : f32 to vector<196x1xf32>
    %add3A_1575 = arith.addf %add3A_1574, %mul3A_1573 : vector<196x1xf32>
    %jit3A_1576 = arith.constant 0.000000e+00 : f32
    %jit3A_1577 = arith.constant 1.300000e+01 : f32
    %max3A_1578 = vector.broadcast %jit3A_1576 : f32 to vector<196x1xf32>
    %max3A_1579 = arith.maximumf %max3A_1578, %add3A_1575 : vector<196x1xf32>
    %min3A_1580 = vector.broadcast %jit3A_1577 : f32 to vector<196x1xf32>
    %min3A_1581 = arith.minimumf %min3A_1580, %max3A_1579 : vector<196x1xf32>
    %sub3A_1582 = arith.subf %mul3A_1506, %mul3A_1496 : f32
    %mul3A_1583 = arith.constant 0.0769230798 : f32
    %mul3A_1584 = vector.broadcast %mul3A_1583 : f32 to vector<196x1xf32>
    %mul3A_1585 = arith.mulf %convert_element_type3A_1567, %mul3A_1584 : vector<196x1xf32>
    %mul3A_1586 = vector.broadcast %sub3A_1582 : f32 to vector<196x1xf32>
    %mul3A_1587 = arith.mulf %mul3A_1586, %mul3A_1585 : vector<196x1xf32>
    %add3A_1588 = vector.broadcast %mul3A_1496 : f32 to vector<196x1xf32>
    %add3A_1589 = arith.addf %add3A_1588, %mul3A_1587 : vector<196x1xf32>
    %jit3A_1590 = arith.constant 0.000000e+00 : f32
    %jit3A_1591 = arith.constant 1.300000e+01 : f32
    %max3A_1592 = vector.broadcast %jit3A_1590 : f32 to vector<196x1xf32>
    %max3A_1593 = arith.maximumf %max3A_1592, %add3A_1589 : vector<196x1xf32>
    %min3A_1594 = vector.broadcast %jit3A_1591 : f32 to vector<196x1xf32>
    %min3A_1595 = arith.minimumf %min3A_1594, %max3A_1593 : vector<196x1xf32>
    %iota3A_1596 = tpu.iota {dimensions = array<i32: 1>} : vector<1x196xi32>
    %jit3A_1597 = arith.constant 14 : i32
    %div3A_1598 = vector.broadcast %jit3A_1597 : i32 to vector<1x196xi32>
    %div3A_1599 = arith.divsi %iota3A_1596, %div3A_1598 : vector<1x196xi32>
    %sign3A_1600 = arith.constant 0 : i32
    %sign3A_1601 = vector.broadcast %sign3A_1600 : i32 to vector<1x196xi32>
    %sign3A_1602 = arith.cmpi sgt, %iota3A_1596, %sign3A_1601 : vector<1x196xi32>
    %sign3A_1603 = arith.extui %sign3A_1602 : vector<1x196xi1> to vector<1x196xi32>
    %sign3A_1604 = arith.constant 0 : i32
    %sign3A_1605 = vector.broadcast %sign3A_1604 : i32 to vector<1x196xi32>
    %sign3A_1606 = arith.cmpi slt, %iota3A_1596, %sign3A_1605 : vector<1x196xi32>
    %sign3A_1607 = arith.extui %sign3A_1606 : vector<1x196xi1> to vector<1x196xi32>
    %sign3A_1608 = arith.subi %sign3A_1603, %sign3A_1607 : vector<1x196xi32>
    %sign3A_1609 = arith.constant 0 : i32
    %sign3A_1610 = arith.cmpi sgt, %jit3A_1597, %sign3A_1609 : i32
    %sign3A_1611 = arith.extui %sign3A_1610 : i1 to i32
    %sign3A_1612 = arith.constant 0 : i32
    %sign3A_1613 = arith.cmpi slt, %jit3A_1597, %sign3A_1612 : i32
    %sign3A_1614 = arith.extui %sign3A_1613 : i1 to i32
    %sign3A_1615 = arith.subi %sign3A_1611, %sign3A_1614 : i32
    %ne3A_1616 = vector.broadcast %sign3A_1615 : i32 to vector<1x196xi32>
    %ne3A_1617 = arith.cmpi ne, %sign3A_1608, %ne3A_1616 : vector<1x196xi32>
    %rem3A_1618 = vector.broadcast %jit3A_1597 : i32 to vector<1x196xi32>
    %rem3A_1619 = arith.remsi %iota3A_1596, %rem3A_1618 : vector<1x196xi32>
    %ne3A_1620 = arith.constant 0 : i32
    %ne3A_1621 = vector.broadcast %ne3A_1620 : i32 to vector<1x196xi32>
    %ne3A_1622 = arith.cmpi ne, %rem3A_1619, %ne3A_1621 : vector<1x196xi32>
    %and3A_1623 = arith.andi %ne3A_1617, %ne3A_1622 : vector<1x196xi1>
    %sub3A_1624 = arith.constant 1 : i32
    %sub3A_1625 = vector.broadcast %sub3A_1624 : i32 to vector<1x196xi32>
    %sub3A_1626 = arith.subi %div3A_1599, %sub3A_1625 : vector<1x196xi32>
    %select_n3A_1627 = arith.select %and3A_1623, %sub3A_1626, %div3A_1599 : vector<1x196xi1>, vector<1x196xi32>
    %convert_element_type3A_1628 = arith.sitofp %select_n3A_1627 : vector<1x196xi32> to vector<1x196xf32>
    %jit3A_1629 = arith.constant 14 : i32
    %eq3A_1630 = arith.constant 0 : i32
    %eq3A_1631 = arith.cmpi eq, %jit3A_1629, %eq3A_1630 : i32
    %jit3A_1632 = arith.constant 1 : i32
    %select_n3A_1633 = arith.select %eq3A_1631, %jit3A_1632, %jit3A_1629 : i32
    %rem3A_1634 = vector.broadcast %select_n3A_1633 : i32 to vector<1x196xi32>
    %rem3A_1635 = arith.remsi %iota3A_1596, %rem3A_1634 : vector<1x196xi32>
    %ne3A_1636 = arith.constant 0 : i32
    %ne3A_1637 = vector.broadcast %ne3A_1636 : i32 to vector<1x196xi32>
    %ne3A_1638 = arith.cmpi ne, %rem3A_1635, %ne3A_1637 : vector<1x196xi32>
    %lt3A_1639 = arith.constant 0 : i32
    %lt3A_1640 = vector.broadcast %lt3A_1639 : i32 to vector<1x196xi32>
    %lt3A_1641 = arith.cmpi slt, %rem3A_1635, %lt3A_1640 : vector<1x196xi32>
    %lt3A_1642 = arith.constant 0 : i32
    %lt3A_1643 = arith.cmpi slt, %select_n3A_1633, %lt3A_1642 : i32
    %ne3A_1644 = vector.broadcast %lt3A_1643 : i1 to vector<1x196xi1>
    %ne3A_1645 = vector.broadcast %ne3A_1644 : vector<1x196xi1> to vector<1x196xi1>
    %ne3A_1646 = arith.xori %lt3A_1641, %ne3A_1645 : vector<1x196xi1>
    %and3A_1647 = arith.andi %ne3A_1646, %ne3A_1638 : vector<1x196xi1>
    %add3A_1648 = vector.broadcast %select_n3A_1633 : i32 to vector<1x196xi32>
    %add3A_1649 = arith.addi %rem3A_1635, %add3A_1648 : vector<1x196xi32>
    %select_n3A_1650 = arith.select %and3A_1647, %add3A_1649, %rem3A_1635 : vector<1x196xi1>, vector<1x196xi32>
    %convert_element_type3A_1651 = arith.sitofp %select_n3A_1650 : vector<1x196xi32> to vector<1x196xf32>
    %sub3A_1652 = vector.broadcast %min3A_1581 : vector<196x1xf32> to vector<196x196xf32>
    %sub3A_1653 = vector.broadcast %convert_element_type3A_1628 : vector<1x196xf32> to vector<196x196xf32>
    %sub3A_1654 = arith.subf %sub3A_1652, %sub3A_1653 : vector<196x196xf32>
    %abs3A_1655 = math.absf %sub3A_1654 : vector<196x196xf32>
    %sub3A_1656 = arith.constant 1.000000e+00 : f32
    %sub3A_1657 = vector.broadcast %sub3A_1656 : f32 to vector<196x196xf32>
    %sub3A_1658 = arith.subf %sub3A_1657, %abs3A_1655 : vector<196x196xf32>
    %max3A_1659 = arith.constant 0.000000e+00 : f32
    %max3A_1660 = vector.broadcast %max3A_1659 : f32 to vector<196x196xf32>
    %max3A_1661 = arith.maximumf %sub3A_1658, %max3A_1660 : vector<196x196xf32>
    %sub3A_1662 = vector.broadcast %min3A_1595 : vector<196x1xf32> to vector<196x196xf32>
    %sub3A_1663 = vector.broadcast %convert_element_type3A_1651 : vector<1x196xf32> to vector<196x196xf32>
    %sub3A_1664 = arith.subf %sub3A_1662, %sub3A_1663 : vector<196x196xf32>
    %abs3A_1665 = math.absf %sub3A_1664 : vector<196x196xf32>
    %sub3A_1666 = arith.constant 1.000000e+00 : f32
    %sub3A_1667 = vector.broadcast %sub3A_1666 : f32 to vector<196x196xf32>
    %sub3A_1668 = arith.subf %sub3A_1667, %abs3A_1665 : vector<196x196xf32>
    %max3A_1669 = arith.constant 0.000000e+00 : f32
    %max3A_1670 = vector.broadcast %max3A_1669 : f32 to vector<196x196xf32>
    %max3A_1671 = arith.maximumf %sub3A_1668, %max3A_1670 : vector<196x196xf32>
    %mul3A_1672 = arith.mulf %max3A_1661, %max3A_1671 : vector<196x196xf32>
    %convert_element_type3A_1673 = arith.truncf %mul3A_1672 : vector<196x196xf32> to vector<196x196xbf16>
    %get3A_1674 = arith.index_cast %get3A_1491 : i32 to index
    %get3A_1675 = arith.constant 0 : index
    %get3A_1676 = arith.constant 0 : index
    %get3A_1677 = vector.load %arg7[%get3A_1674, %get3A_1675, %get3A_1676] : memref<512x196x256xbf16, #tpu.memory_space<vmem>>, vector<1x196x256xbf16>
    %get3A_1678 = vector.shape_cast %get3A_1677 : vector<1x196x256xbf16> to vector<196x256xbf16>
    %dot_general3A_1679 = arith.constant dense<0.000000e+00> : vector<256x196xf32>
    %dot_general3A_1680 = tpu.matmul %get3A_1678, %convert_element_type3A_1673, %dot_general3A_1679 {dimension_numbers = #tpu.dot_dimension_numbers<[0], [1], [1], [0], [0, 1, 1, 0], [], []>, transpose_lhs_hint = false} : vector<196x256xbf16>, vector<196x196xbf16>, vector<256x196xf32> -> vector<256x196xf32>
    %swap3A_1681 = arith.constant 7 : index
    %swap3A_1682 = arith.constant 0 : index
    %swap3A_1683 = arith.constant 0 : index
    %swap3A_1684 = vector.load %arg6[%swap3A_1681, %swap3A_1682, %swap3A_1683] : memref<16x256x196xf32, #tpu.memory_space<vmem>>, vector<1x256x196xf32>
    %swap3A_1685 = vector.shape_cast %swap3A_1684 : vector<1x256x196xf32> to vector<256x196xf32>
    %swap3A_1686 = vector.shape_cast %dot_general3A_1680 : vector<256x196xf32> to vector<1x256x196xf32>
    tpu.vector_store %arg6[%swap3A_1681, %swap3A_1682, %swap3A_1683], %swap3A_1686 {strides = array<i32>} : memref<16x256x196xf32, #tpu.memory_space<vmem>>, vector<1x256x196xf32>,
    %mul3A_1687 = arith.constant 16 : i32
    %mul3A_1688 = arith.muli %arg0, %mul3A_1687 : i32
    %add3A_1689 = arith.constant 8 : i32
    %add3A_1690 = arith.addi %mul3A_1688, %add3A_1689 : i32
    %get3A_1691 = arith.index_cast %add3A_1690 : i32 to index
    %get3A_1692 = memref.load %arg1[%get3A_1691] : memref<512xi32, #tpu.memory_space<smem>>
    %get3A_1693 = arith.index_cast %get3A_1692 : i32 to index
    %get3A_1694 = arith.constant 0 : index
    %get3A_1695 = memref.load %arg2[%get3A_1693, %get3A_1694] : memref<512x4xf32, #tpu.memory_space<smem>>
    %mul3A_1696 = arith.constant 1.300000e+01 : f32
    %mul3A_1697 = arith.mulf %get3A_1695, %mul3A_1696 : f32
    %get3A_1698 = arith.index_cast %get3A_1692 : i32 to index
    %get3A_1699 = arith.constant 1 : index
    %get3A_1700 = memref.load %arg2[%get3A_1698, %get3A_1699] : memref<512x4xf32, #tpu.memory_space<smem>>
    %mul3A_1701 = arith.constant 1.300000e+01 : f32
    %mul3A_1702 = arith.mulf %get3A_1700, %mul3A_1701 : f32
    %get3A_1703 = arith.index_cast %get3A_1692 : i32 to index
    %get3A_1704 = arith.constant 2 : index
    %get3A_1705 = memref.load %arg2[%get3A_1703, %get3A_1704] : memref<512x4xf32, #tpu.memory_space<smem>>
    %mul3A_1706 = arith.constant 1.300000e+01 : f32
    %mul3A_1707 = arith.mulf %get3A_1705, %mul3A_1706 : f32
    %get3A_1708 = arith.index_cast %get3A_1692 : i32 to index
    %get3A_1709 = arith.constant 3 : index
    %get3A_1710 = memref.load %arg2[%get3A_1708, %get3A_1709] : memref<512x4xf32, #tpu.memory_space<smem>>
    %mul3A_1711 = arith.constant 1.300000e+01 : f32
    %mul3A_1712 = arith.mulf %get3A_1710, %mul3A_1711 : f32
    %iota3A_1713 = tpu.iota {dimensions = array<i32: 0>} : vector<196x1xi32>
    %jit3A_1714 = arith.constant 14 : i32
    %div3A_1715 = vector.broadcast %jit3A_1714 : i32 to vector<196x1xi32>
    %div3A_1716 = arith.divsi %iota3A_1713, %div3A_1715 : vector<196x1xi32>
    %sign3A_1717 = arith.constant 0 : i32
    %sign3A_1718 = vector.broadcast %sign3A_1717 : i32 to vector<196x1xi32>
    %sign3A_1719 = arith.cmpi sgt, %iota3A_1713, %sign3A_1718 : vector<196x1xi32>
    %sign3A_1720 = arith.extui %sign3A_1719 : vector<196x1xi1> to vector<196x1xi32>
    %sign3A_1721 = arith.constant 0 : i32
    %sign3A_1722 = vector.broadcast %sign3A_1721 : i32 to vector<196x1xi32>
    %sign3A_1723 = arith.cmpi slt, %iota3A_1713, %sign3A_1722 : vector<196x1xi32>
    %sign3A_1724 = arith.extui %sign3A_1723 : vector<196x1xi1> to vector<196x1xi32>
    %sign3A_1725 = arith.subi %sign3A_1720, %sign3A_1724 : vector<196x1xi32>
    %sign3A_1726 = arith.constant 0 : i32
    %sign3A_1727 = arith.cmpi sgt, %jit3A_1714, %sign3A_1726 : i32
    %sign3A_1728 = arith.extui %sign3A_1727 : i1 to i32
    %sign3A_1729 = arith.constant 0 : i32
    %sign3A_1730 = arith.cmpi slt, %jit3A_1714, %sign3A_1729 : i32
    %sign3A_1731 = arith.extui %sign3A_1730 : i1 to i32
    %sign3A_1732 = arith.subi %sign3A_1728, %sign3A_1731 : i32
    %ne3A_1733 = vector.broadcast %sign3A_1732 : i32 to vector<196x1xi32>
    %ne3A_1734 = arith.cmpi ne, %sign3A_1725, %ne3A_1733 : vector<196x1xi32>
    %rem3A_1735 = vector.broadcast %jit3A_1714 : i32 to vector<196x1xi32>
    %rem3A_1736 = arith.remsi %iota3A_1713, %rem3A_1735 : vector<196x1xi32>
    %ne3A_1737 = arith.constant 0 : i32
    %ne3A_1738 = vector.broadcast %ne3A_1737 : i32 to vector<196x1xi32>
    %ne3A_1739 = arith.cmpi ne, %rem3A_1736, %ne3A_1738 : vector<196x1xi32>
    %and3A_1740 = arith.andi %ne3A_1734, %ne3A_1739 : vector<196x1xi1>
    %sub3A_1741 = arith.constant 1 : i32
    %sub3A_1742 = vector.broadcast %sub3A_1741 : i32 to vector<196x1xi32>
    %sub3A_1743 = arith.subi %div3A_1716, %sub3A_1742 : vector<196x1xi32>
    %select_n3A_1744 = arith.select %and3A_1740, %sub3A_1743, %div3A_1716 : vector<196x1xi1>, vector<196x1xi32>
    %convert_element_type3A_1745 = arith.sitofp %select_n3A_1744 : vector<196x1xi32> to vector<196x1xf32>
    %jit3A_1746 = arith.constant 14 : i32
    %eq3A_1747 = arith.constant 0 : i32
    %eq3A_1748 = arith.cmpi eq, %jit3A_1746, %eq3A_1747 : i32
    %jit3A_1749 = arith.constant 1 : i32
    %select_n3A_1750 = arith.select %eq3A_1748, %jit3A_1749, %jit3A_1746 : i32
    %rem3A_1751 = vector.broadcast %select_n3A_1750 : i32 to vector<196x1xi32>
    %rem3A_1752 = arith.remsi %iota3A_1713, %rem3A_1751 : vector<196x1xi32>
    %ne3A_1753 = arith.constant 0 : i32
    %ne3A_1754 = vector.broadcast %ne3A_1753 : i32 to vector<196x1xi32>
    %ne3A_1755 = arith.cmpi ne, %rem3A_1752, %ne3A_1754 : vector<196x1xi32>
    %lt3A_1756 = arith.constant 0 : i32
    %lt3A_1757 = vector.broadcast %lt3A_1756 : i32 to vector<196x1xi32>
    %lt3A_1758 = arith.cmpi slt, %rem3A_1752, %lt3A_1757 : vector<196x1xi32>
    %lt3A_1759 = arith.constant 0 : i32
    %lt3A_1760 = arith.cmpi slt, %select_n3A_1750, %lt3A_1759 : i32
    %ne3A_1761 = vector.broadcast %lt3A_1760 : i1 to vector<196x1xi1>
    %ne3A_1762 = vector.broadcast %ne3A_1761 : vector<196x1xi1> to vector<196x1xi1>
    %ne3A_1763 = arith.xori %lt3A_1758, %ne3A_1762 : vector<196x1xi1>
    %and3A_1764 = arith.andi %ne3A_1763, %ne3A_1755 : vector<196x1xi1>
    %add3A_1765 = vector.broadcast %select_n3A_1750 : i32 to vector<196x1xi32>
    %add3A_1766 = arith.addi %rem3A_1752, %add3A_1765 : vector<196x1xi32>
    %select_n3A_1767 = arith.select %and3A_1764, %add3A_1766, %rem3A_1752 : vector<196x1xi1>, vector<196x1xi32>
    %convert_element_type3A_1768 = arith.sitofp %select_n3A_1767 : vector<196x1xi32> to vector<196x1xf32>
    %sub3A_1769 = arith.subf %mul3A_1712, %mul3A_1702 : f32
    %mul3A_1770 = arith.constant 0.0769230798 : f32
    %mul3A_1771 = vector.broadcast %mul3A_1770 : f32 to vector<196x1xf32>
    %mul3A_1772 = arith.mulf %convert_element_type3A_1745, %mul3A_1771 : vector<196x1xf32>
    %mul3A_1773 = vector.broadcast %sub3A_1769 : f32 to vector<196x1xf32>
    %mul3A_1774 = arith.mulf %mul3A_1773, %mul3A_1772 : vector<196x1xf32>
    %add3A_1775 = vector.broadcast %mul3A_1702 : f32 to vector<196x1xf32>
    %add3A_1776 = arith.addf %add3A_1775, %mul3A_1774 : vector<196x1xf32>
    %jit3A_1777 = arith.constant 0.000000e+00 : f32
    %jit3A_1778 = arith.constant 1.300000e+01 : f32
    %max3A_1779 = vector.broadcast %jit3A_1777 : f32 to vector<196x1xf32>
    %max3A_1780 = arith.maximumf %max3A_1779, %add3A_1776 : vector<196x1xf32>
    %min3A_1781 = vector.broadcast %jit3A_1778 : f32 to vector<196x1xf32>
    %min3A_1782 = arith.minimumf %min3A_1781, %max3A_1780 : vector<196x1xf32>
    %sub3A_1783 = arith.subf %mul3A_1707, %mul3A_1697 : f32
    %mul3A_1784 = arith.constant 0.0769230798 : f32
    %mul3A_1785 = vector.broadcast %mul3A_1784 : f32 to vector<196x1xf32>
    %mul3A_1786 = arith.mulf %convert_element_type3A_1768, %mul3A_1785 : vector<196x1xf32>
    %mul3A_1787 = vector.broadcast %sub3A_1783 : f32 to vector<196x1xf32>
    %mul3A_1788 = arith.mulf %mul3A_1787, %mul3A_1786 : vector<196x1xf32>
    %add3A_1789 = vector.broadcast %mul3A_1697 : f32 to vector<196x1xf32>
    %add3A_1790 = arith.addf %add3A_1789, %mul3A_1788 : vector<196x1xf32>
    %jit3A_1791 = arith.constant 0.000000e+00 : f32
    %jit3A_1792 = arith.constant 1.300000e+01 : f32
    %max3A_1793 = vector.broadcast %jit3A_1791 : f32 to vector<196x1xf32>
    %max3A_1794 = arith.maximumf %max3A_1793, %add3A_1790 : vector<196x1xf32>
    %min3A_1795 = vector.broadcast %jit3A_1792 : f32 to vector<196x1xf32>
    %min3A_1796 = arith.minimumf %min3A_1795, %max3A_1794 : vector<196x1xf32>
    %iota3A_1797 = tpu.iota {dimensions = array<i32: 1>} : vector<1x196xi32>
    %jit3A_1798 = arith.constant 14 : i32
    %div3A_1799 = vector.broadcast %jit3A_1798 : i32 to vector<1x196xi32>
    %div3A_1800 = arith.divsi %iota3A_1797, %div3A_1799 : vector<1x196xi32>
    %sign3A_1801 = arith.constant 0 : i32
    %sign3A_1802 = vector.broadcast %sign3A_1801 : i32 to vector<1x196xi32>
    %sign3A_1803 = arith.cmpi sgt, %iota3A_1797, %sign3A_1802 : vector<1x196xi32>
    %sign3A_1804 = arith.extui %sign3A_1803 : vector<1x196xi1> to vector<1x196xi32>
    %sign3A_1805 = arith.constant 0 : i32
    %sign3A_1806 = vector.broadcast %sign3A_1805 : i32 to vector<1x196xi32>
    %sign3A_1807 = arith.cmpi slt, %iota3A_1797, %sign3A_1806 : vector<1x196xi32>
    %sign3A_1808 = arith.extui %sign3A_1807 : vector<1x196xi1> to vector<1x196xi32>
    %sign3A_1809 = arith.subi %sign3A_1804, %sign3A_1808 : vector<1x196xi32>
    %sign3A_1810 = arith.constant 0 : i32
    %sign3A_1811 = arith.cmpi sgt, %jit3A_1798, %sign3A_1810 : i32
    %sign3A_1812 = arith.extui %sign3A_1811 : i1 to i32
    %sign3A_1813 = arith.constant 0 : i32
    %sign3A_1814 = arith.cmpi slt, %jit3A_1798, %sign3A_1813 : i32
    %sign3A_1815 = arith.extui %sign3A_1814 : i1 to i32
    %sign3A_1816 = arith.subi %sign3A_1812, %sign3A_1815 : i32
    %ne3A_1817 = vector.broadcast %sign3A_1816 : i32 to vector<1x196xi32>
    %ne3A_1818 = arith.cmpi ne, %sign3A_1809, %ne3A_1817 : vector<1x196xi32>
    %rem3A_1819 = vector.broadcast %jit3A_1798 : i32 to vector<1x196xi32>
    %rem3A_1820 = arith.remsi %iota3A_1797, %rem3A_1819 : vector<1x196xi32>
    %ne3A_1821 = arith.constant 0 : i32
    %ne3A_1822 = vector.broadcast %ne3A_1821 : i32 to vector<1x196xi32>
    %ne3A_1823 = arith.cmpi ne, %rem3A_1820, %ne3A_1822 : vector<1x196xi32>
    %and3A_1824 = arith.andi %ne3A_1818, %ne3A_1823 : vector<1x196xi1>
    %sub3A_1825 = arith.constant 1 : i32
    %sub3A_1826 = vector.broadcast %sub3A_1825 : i32 to vector<1x196xi32>
    %sub3A_1827 = arith.subi %div3A_1800, %sub3A_1826 : vector<1x196xi32>
    %select_n3A_1828 = arith.select %and3A_1824, %sub3A_1827, %div3A_1800 : vector<1x196xi1>, vector<1x196xi32>
    %convert_element_type3A_1829 = arith.sitofp %select_n3A_1828 : vector<1x196xi32> to vector<1x196xf32>
    %jit3A_1830 = arith.constant 14 : i32
    %eq3A_1831 = arith.constant 0 : i32
    %eq3A_1832 = arith.cmpi eq, %jit3A_1830, %eq3A_1831 : i32
    %jit3A_1833 = arith.constant 1 : i32
    %select_n3A_1834 = arith.select %eq3A_1832, %jit3A_1833, %jit3A_1830 : i32
    %rem3A_1835 = vector.broadcast %select_n3A_1834 : i32 to vector<1x196xi32>
    %rem3A_1836 = arith.remsi %iota3A_1797, %rem3A_1835 : vector<1x196xi32>
    %ne3A_1837 = arith.constant 0 : i32
    %ne3A_1838 = vector.broadcast %ne3A_1837 : i32 to vector<1x196xi32>
    %ne3A_1839 = arith.cmpi ne, %rem3A_1836, %ne3A_1838 : vector<1x196xi32>
    %lt3A_1840 = arith.constant 0 : i32
    %lt3A_1841 = vector.broadcast %lt3A_1840 : i32 to vector<1x196xi32>
    %lt3A_1842 = arith.cmpi slt, %rem3A_1836, %lt3A_1841 : vector<1x196xi32>
    %lt3A_1843 = arith.constant 0 : i32
    %lt3A_1844 = arith.cmpi slt, %select_n3A_1834, %lt3A_1843 : i32
    %ne3A_1845 = vector.broadcast %lt3A_1844 : i1 to vector<1x196xi1>
    %ne3A_1846 = vector.broadcast %ne3A_1845 : vector<1x196xi1> to vector<1x196xi1>
    %ne3A_1847 = arith.xori %lt3A_1842, %ne3A_1846 : vector<1x196xi1>
    %and3A_1848 = arith.andi %ne3A_1847, %ne3A_1839 : vector<1x196xi1>
    %add3A_1849 = vector.broadcast %select_n3A_1834 : i32 to vector<1x196xi32>
    %add3A_1850 = arith.addi %rem3A_1836, %add3A_1849 : vector<1x196xi32>
    %select_n3A_1851 = arith.select %and3A_1848, %add3A_1850, %rem3A_1836 : vector<1x196xi1>, vector<1x196xi32>
    %convert_element_type3A_1852 = arith.sitofp %select_n3A_1851 : vector<1x196xi32> to vector<1x196xf32>
    %sub3A_1853 = vector.broadcast %min3A_1782 : vector<196x1xf32> to vector<196x196xf32>
    %sub3A_1854 = vector.broadcast %convert_element_type3A_1829 : vector<1x196xf32> to vector<196x196xf32>
    %sub3A_1855 = arith.subf %sub3A_1853, %sub3A_1854 : vector<196x196xf32>
    %abs3A_1856 = math.absf %sub3A_1855 : vector<196x196xf32>
    %sub3A_1857 = arith.constant 1.000000e+00 : f32
    %sub3A_1858 = vector.broadcast %sub3A_1857 : f32 to vector<196x196xf32>
    %sub3A_1859 = arith.subf %sub3A_1858, %abs3A_1856 : vector<196x196xf32>
    %max3A_1860 = arith.constant 0.000000e+00 : f32
    %max3A_1861 = vector.broadcast %max3A_1860 : f32 to vector<196x196xf32>
    %max3A_1862 = arith.maximumf %sub3A_1859, %max3A_1861 : vector<196x196xf32>
    %sub3A_1863 = vector.broadcast %min3A_1796 : vector<196x1xf32> to vector<196x196xf32>
    %sub3A_1864 = vector.broadcast %convert_element_type3A_1852 : vector<1x196xf32> to vector<196x196xf32>
    %sub3A_1865 = arith.subf %sub3A_1863, %sub3A_1864 : vector<196x196xf32>
    %abs3A_1866 = math.absf %sub3A_1865 : vector<196x196xf32>
    %sub3A_1867 = arith.constant 1.000000e+00 : f32
    %sub3A_1868 = vector.broadcast %sub3A_1867 : f32 to vector<196x196xf32>
    %sub3A_1869 = arith.subf %sub3A_1868, %abs3A_1866 : vector<196x196xf32>
    %max3A_1870 = arith.constant 0.000000e+00 : f32
    %max3A_1871 = vector.broadcast %max3A_1870 : f32 to vector<196x196xf32>
    %max3A_1872 = arith.maximumf %sub3A_1869, %max3A_1871 : vector<196x196xf32>
    %mul3A_1873 = arith.mulf %max3A_1862, %max3A_1872 : vector<196x196xf32>
    %convert_element_type3A_1874 = arith.truncf %mul3A_1873 : vector<196x196xf32> to vector<196x196xbf16>
    %get3A_1875 = arith.index_cast %get3A_1692 : i32 to index
    %get3A_1876 = arith.constant 0 : index
    %get3A_1877 = arith.constant 0 : index
    %get3A_1878 = vector.load %arg7[%get3A_1875, %get3A_1876, %get3A_1877] : memref<512x196x256xbf16, #tpu.memory_space<vmem>>, vector<1x196x256xbf16>
    %get3A_1879 = vector.shape_cast %get3A_1878 : vector<1x196x256xbf16> to vector<196x256xbf16>
    %dot_general3A_1880 = arith.constant dense<0.000000e+00> : vector<256x196xf32>
    %dot_general3A_1881 = tpu.matmul %get3A_1879, %convert_element_type3A_1874, %dot_general3A_1880 {dimension_numbers = #tpu.dot_dimension_numbers<[0], [1], [1], [0], [0, 1, 1, 0], [], []>, transpose_lhs_hint = false} : vector<196x256xbf16>, vector<196x196xbf16>, vector<256x196xf32> -> vector<256x196xf32>
    %swap3A_1882 = arith.constant 8 : index
    %swap3A_1883 = arith.constant 0 : index
    %swap3A_1884 = arith.constant 0 : index
    %swap3A_1885 = vector.load %arg6[%swap3A_1882, %swap3A_1883, %swap3A_1884] : memref<16x256x196xf32, #tpu.memory_space<vmem>>, vector<1x256x196xf32>
    %swap3A_1886 = vector.shape_cast %swap3A_1885 : vector<1x256x196xf32> to vector<256x196xf32>
    %swap3A_1887 = vector.shape_cast %dot_general3A_1881 : vector<256x196xf32> to vector<1x256x196xf32>
    tpu.vector_store %arg6[%swap3A_1882, %swap3A_1883, %swap3A_1884], %swap3A_1887 {strides = array<i32>} : memref<16x256x196xf32, #tpu.memory_space<vmem>>, vector<1x256x196xf32>,
    %mul3A_1888 = arith.constant 16 : i32
    %mul3A_1889 = arith.muli %arg0, %mul3A_1888 : i32
    %add3A_1890 = arith.constant 9 : i32
    %add3A_1891 = arith.addi %mul3A_1889, %add3A_1890 : i32
    %get3A_1892 = arith.index_cast %add3A_1891 : i32 to index
    %get3A_1893 = memref.load %arg1[%get3A_1892] : memref<512xi32, #tpu.memory_space<smem>>
    %get3A_1894 = arith.index_cast %get3A_1893 : i32 to index
    %get3A_1895 = arith.constant 0 : index
    %get3A_1896 = memref.load %arg2[%get3A_1894, %get3A_1895] : memref<512x4xf32, #tpu.memory_space<smem>>
    %mul3A_1897 = arith.constant 1.300000e+01 : f32
    %mul3A_1898 = arith.mulf %get3A_1896, %mul3A_1897 : f32
    %get3A_1899 = arith.index_cast %get3A_1893 : i32 to index
    %get3A_1900 = arith.constant 1 : index
    %get3A_1901 = memref.load %arg2[%get3A_1899, %get3A_1900] : memref<512x4xf32, #tpu.memory_space<smem>>
    %mul3A_1902 = arith.constant 1.300000e+01 : f32
    %mul3A_1903 = arith.mulf %get3A_1901, %mul3A_1902 : f32
    %get3A_1904 = arith.index_cast %get3A_1893 : i32 to index
    %get3A_1905 = arith.constant 2 : index
    %get3A_1906 = memref.load %arg2[%get3A_1904, %get3A_1905] : memref<512x4xf32, #tpu.memory_space<smem>>
    %mul3A_1907 = arith.constant 1.300000e+01 : f32
    %mul3A_1908 = arith.mulf %get3A_1906, %mul3A_1907 : f32
    %get3A_1909 = arith.index_cast %get3A_1893 : i32 to index
    %get3A_1910 = arith.constant 3 : index
    %get3A_1911 = memref.load %arg2[%get3A_1909, %get3A_1910] : memref<512x4xf32, #tpu.memory_space<smem>>
    %mul3A_1912 = arith.constant 1.300000e+01 : f32
    %mul3A_1913 = arith.mulf %get3A_1911, %mul3A_1912 : f32
    %iota3A_1914 = tpu.iota {dimensions = array<i32: 0>} : vector<196x1xi32>
    %jit3A_1915 = arith.constant 14 : i32
    %div3A_1916 = vector.broadcast %jit3A_1915 : i32 to vector<196x1xi32>
    %div3A_1917 = arith.divsi %iota3A_1914, %div3A_1916 : vector<196x1xi32>
    %sign3A_1918 = arith.constant 0 : i32
    %sign3A_1919 = vector.broadcast %sign3A_1918 : i32 to vector<196x1xi32>
    %sign3A_1920 = arith.cmpi sgt, %iota3A_1914, %sign3A_1919 : vector<196x1xi32>
    %sign3A_1921 = arith.extui %sign3A_1920 : vector<196x1xi1> to vector<196x1xi32>
    %sign3A_1922 = arith.constant 0 : i32
    %sign3A_1923 = vector.broadcast %sign3A_1922 : i32 to vector<196x1xi32>
    %sign3A_1924 = arith.cmpi slt, %iota3A_1914, %sign3A_1923 : vector<196x1xi32>
    %sign3A_1925 = arith.extui %sign3A_1924 : vector<196x1xi1> to vector<196x1xi32>
    %sign3A_1926 = arith.subi %sign3A_1921, %sign3A_1925 : vector<196x1xi32>
    %sign3A_1927 = arith.constant 0 : i32
    %sign3A_1928 = arith.cmpi sgt, %jit3A_1915, %sign3A_1927 : i32
    %sign3A_1929 = arith.extui %sign3A_1928 : i1 to i32
    %sign3A_1930 = arith.constant 0 : i32
    %sign3A_1931 = arith.cmpi slt, %jit3A_1915, %sign3A_1930 : i32
    %sign3A_1932 = arith.extui %sign3A_1931 : i1 to i32
    %sign3A_1933 = arith.subi %sign3A_1929, %sign3A_1932 : i32
    %ne3A_1934 = vector.broadcast %sign3A_1933 : i32 to vector<196x1xi32>
    %ne3A_1935 = arith.cmpi ne, %sign3A_1926, %ne3A_1934 : vector<196x1xi32>
    %rem3A_1936 = vector.broadcast %jit3A_1915 : i32 to vector<196x1xi32>
    %rem3A_1937 = arith.remsi %iota3A_1914, %rem3A_1936 : vector<196x1xi32>
    %ne3A_1938 = arith.constant 0 : i32
    %ne3A_1939 = vector.broadcast %ne3A_1938 : i32 to vector<196x1xi32>
    %ne3A_1940 = arith.cmpi ne, %rem3A_1937, %ne3A_1939 : vector<196x1xi32>
    %and3A_1941 = arith.andi %ne3A_1935, %ne3A_1940 : vector<196x1xi1>
    %sub3A_1942 = arith.constant 1 : i32
    %sub3A_1943 = vector.broadcast %sub3A_1942 : i32 to vector<196x1xi32>
    %sub3A_1944 = arith.subi %div3A_1917, %sub3A_1943 : vector<196x1xi32>
    %select_n3A_1945 = arith.select %and3A_1941, %sub3A_1944, %div3A_1917 : vector<196x1xi1>, vector<196x1xi32>
    %convert_element_type3A_1946 = arith.sitofp %select_n3A_1945 : vector<196x1xi32> to vector<196x1xf32>
    %jit3A_1947 = arith.constant 14 : i32
    %eq3A_1948 = arith.constant 0 : i32
    %eq3A_1949 = arith.cmpi eq, %jit3A_1947, %eq3A_1948 : i32
    %jit3A_1950 = arith.constant 1 : i32
    %select_n3A_1951 = arith.select %eq3A_1949, %jit3A_1950, %jit3A_1947 : i32
    %rem3A_1952 = vector.broadcast %select_n3A_1951 : i32 to vector<196x1xi32>
    %rem3A_1953 = arith.remsi %iota3A_1914, %rem3A_1952 : vector<196x1xi32>
    %ne3A_1954 = arith.constant 0 : i32
    %ne3A_1955 = vector.broadcast %ne3A_1954 : i32 to vector<196x1xi32>
    %ne3A_1956 = arith.cmpi ne, %rem3A_1953, %ne3A_1955 : vector<196x1xi32>
    %lt3A_1957 = arith.constant 0 : i32
    %lt3A_1958 = vector.broadcast %lt3A_1957 : i32 to vector<196x1xi32>
    %lt3A_1959 = arith.cmpi slt, %rem3A_1953, %lt3A_1958 : vector<196x1xi32>
    %lt3A_1960 = arith.constant 0 : i32
    %lt3A_1961 = arith.cmpi slt, %select_n3A_1951, %lt3A_1960 : i32
    %ne3A_1962 = vector.broadcast %lt3A_1961 : i1 to vector<196x1xi1>
    %ne3A_1963 = vector.broadcast %ne3A_1962 : vector<196x1xi1> to vector<196x1xi1>
    %ne3A_1964 = arith.xori %lt3A_1959, %ne3A_1963 : vector<196x1xi1>
    %and3A_1965 = arith.andi %ne3A_1964, %ne3A_1956 : vector<196x1xi1>
    %add3A_1966 = vector.broadcast %select_n3A_1951 : i32 to vector<196x1xi32>
    %add3A_1967 = arith.addi %rem3A_1953, %add3A_1966 : vector<196x1xi32>
    %select_n3A_1968 = arith.select %and3A_1965, %add3A_1967, %rem3A_1953 : vector<196x1xi1>, vector<196x1xi32>
    %convert_element_type3A_1969 = arith.sitofp %select_n3A_1968 : vector<196x1xi32> to vector<196x1xf32>
    %sub3A_1970 = arith.subf %mul3A_1913, %mul3A_1903 : f32
    %mul3A_1971 = arith.constant 0.0769230798 : f32
    %mul3A_1972 = vector.broadcast %mul3A_1971 : f32 to vector<196x1xf32>
    %mul3A_1973 = arith.mulf %convert_element_type3A_1946, %mul3A_1972 : vector<196x1xf32>
    %mul3A_1974 = vector.broadcast %sub3A_1970 : f32 to vector<196x1xf32>
    %mul3A_1975 = arith.mulf %mul3A_1974, %mul3A_1973 : vector<196x1xf32>
    %add3A_1976 = vector.broadcast %mul3A_1903 : f32 to vector<196x1xf32>
    %add3A_1977 = arith.addf %add3A_1976, %mul3A_1975 : vector<196x1xf32>
    %jit3A_1978 = arith.constant 0.000000e+00 : f32
    %jit3A_1979 = arith.constant 1.300000e+01 : f32
    %max3A_1980 = vector.broadcast %jit3A_1978 : f32 to vector<196x1xf32>
    %max3A_1981 = arith.maximumf %max3A_1980, %add3A_1977 : vector<196x1xf32>
    %min3A_1982 = vector.broadcast %jit3A_1979 : f32 to vector<196x1xf32>
    %min3A_1983 = arith.minimumf %min3A_1982, %max3A_1981 : vector<196x1xf32>
    %sub3A_1984 = arith.subf %mul3A_1908, %mul3A_1898 : f32
    %mul3A_1985 = arith.constant 0.0769230798 : f32
    %mul3A_1986 = vector.broadcast %mul3A_1985 : f32 to vector<196x1xf32>
    %mul3A_1987 = arith.mulf %convert_element_type3A_1969, %mul3A_1986 : vector<196x1xf32>
    %mul3A_1988 = vector.broadcast %sub3A_1984 : f32 to vector<196x1xf32>
    %mul3A_1989 = arith.mulf %mul3A_1988, %mul3A_1987 : vector<196x1xf32>
    %add3A_1990 = vector.broadcast %mul3A_1898 : f32 to vector<196x1xf32>
    %add3A_1991 = arith.addf %add3A_1990, %mul3A_1989 : vector<196x1xf32>
    %jit3A_1992 = arith.constant 0.000000e+00 : f32
    %jit3A_1993 = arith.constant 1.300000e+01 : f32
    %max3A_1994 = vector.broadcast %jit3A_1992 : f32 to vector<196x1xf32>
    %max3A_1995 = arith.maximumf %max3A_1994, %add3A_1991 : vector<196x1xf32>
    %min3A_1996 = vector.broadcast %jit3A_1993 : f32 to vector<196x1xf32>
    %min3A_1997 = arith.minimumf %min3A_1996, %max3A_1995 : vector<196x1xf32>
    %iota3A_1998 = tpu.iota {dimensions = array<i32: 1>} : vector<1x196xi32>
    %jit3A_1999 = arith.constant 14 : i32
    %div3A_2000 = vector.broadcast %jit3A_1999 : i32 to vector<1x196xi32>
    %div3A_2001 = arith.divsi %iota3A_1998, %div3A_2000 : vector<1x196xi32>
    %sign3A_2002 = arith.constant 0 : i32
    %sign3A_2003 = vector.broadcast %sign3A_2002 : i32 to vector<1x196xi32>
    %sign3A_2004 = arith.cmpi sgt, %iota3A_1998, %sign3A_2003 : vector<1x196xi32>
    %sign3A_2005 = arith.extui %sign3A_2004 : vector<1x196xi1> to vector<1x196xi32>
    %sign3A_2006 = arith.constant 0 : i32
    %sign3A_2007 = vector.broadcast %sign3A_2006 : i32 to vector<1x196xi32>
    %sign3A_2008 = arith.cmpi slt, %iota3A_1998, %sign3A_2007 : vector<1x196xi32>
    %sign3A_2009 = arith.extui %sign3A_2008 : vector<1x196xi1> to vector<1x196xi32>
    %sign3A_2010 = arith.subi %sign3A_2005, %sign3A_2009 : vector<1x196xi32>
    %sign3A_2011 = arith.constant 0 : i32
    %sign3A_2012 = arith.cmpi sgt, %jit3A_1999, %sign3A_2011 : i32
    %sign3A_2013 = arith.extui %sign3A_2012 : i1 to i32
    %sign3A_2014 = arith.constant 0 : i32
    %sign3A_2015 = arith.cmpi slt, %jit3A_1999, %sign3A_2014 : i32
    %sign3A_2016 = arith.extui %sign3A_2015 : i1 to i32
    %sign3A_2017 = arith.subi %sign3A_2013, %sign3A_2016 : i32
    %ne3A_2018 = vector.broadcast %sign3A_2017 : i32 to vector<1x196xi32>
    %ne3A_2019 = arith.cmpi ne, %sign3A_2010, %ne3A_2018 : vector<1x196xi32>
    %rem3A_2020 = vector.broadcast %jit3A_1999 : i32 to vector<1x196xi32>
    %rem3A_2021 = arith.remsi %iota3A_1998, %rem3A_2020 : vector<1x196xi32>
    %ne3A_2022 = arith.constant 0 : i32
    %ne3A_2023 = vector.broadcast %ne3A_2022 : i32 to vector<1x196xi32>
    %ne3A_2024 = arith.cmpi ne, %rem3A_2021, %ne3A_2023 : vector<1x196xi32>
    %and3A_2025 = arith.andi %ne3A_2019, %ne3A_2024 : vector<1x196xi1>
    %sub3A_2026 = arith.constant 1 : i32
    %sub3A_2027 = vector.broadcast %sub3A_2026 : i32 to vector<1x196xi32>
    %sub3A_2028 = arith.subi %div3A_2001, %sub3A_2027 : vector<1x196xi32>
    %select_n3A_2029 = arith.select %and3A_2025, %sub3A_2028, %div3A_2001 : vector<1x196xi1>, vector<1x196xi32>
    %convert_element_type3A_2030 = arith.sitofp %select_n3A_2029 : vector<1x196xi32> to vector<1x196xf32>
    %jit3A_2031 = arith.constant 14 : i32
    %eq3A_2032 = arith.constant 0 : i32
    %eq3A_2033 = arith.cmpi eq, %jit3A_2031, %eq3A_2032 : i32
    %jit3A_2034 = arith.constant 1 : i32
    %select_n3A_2035 = arith.select %eq3A_2033, %jit3A_2034, %jit3A_2031 : i32
    %rem3A_2036 = vector.broadcast %select_n3A_2035 : i32 to vector<1x196xi32>
    %rem3A_2037 = arith.remsi %iota3A_1998, %rem3A_2036 : vector<1x196xi32>
    %ne3A_2038 = arith.constant 0 : i32
    %ne3A_2039 = vector.broadcast %ne3A_2038 : i32 to vector<1x196xi32>
    %ne3A_2040 = arith.cmpi ne, %rem3A_2037, %ne3A_2039 : vector<1x196xi32>
    %lt3A_2041 = arith.constant 0 : i32
    %lt3A_2042 = vector.broadcast %lt3A_2041 : i32 to vector<1x196xi32>
    %lt3A_2043 = arith.cmpi slt, %rem3A_2037, %lt3A_2042 : vector<1x196xi32>
    %lt3A_2044 = arith.constant 0 : i32
    %lt3A_2045 = arith.cmpi slt, %select_n3A_2035, %lt3A_2044 : i32
    %ne3A_2046 = vector.broadcast %lt3A_2045 : i1 to vector<1x196xi1>
    %ne3A_2047 = vector.broadcast %ne3A_2046 : vector<1x196xi1> to vector<1x196xi1>
    %ne3A_2048 = arith.xori %lt3A_2043, %ne3A_2047 : vector<1x196xi1>
    %and3A_2049 = arith.andi %ne3A_2048, %ne3A_2040 : vector<1x196xi1>
    %add3A_2050 = vector.broadcast %select_n3A_2035 : i32 to vector<1x196xi32>
    %add3A_2051 = arith.addi %rem3A_2037, %add3A_2050 : vector<1x196xi32>
    %select_n3A_2052 = arith.select %and3A_2049, %add3A_2051, %rem3A_2037 : vector<1x196xi1>, vector<1x196xi32>
    %convert_element_type3A_2053 = arith.sitofp %select_n3A_2052 : vector<1x196xi32> to vector<1x196xf32>
    %sub3A_2054 = vector.broadcast %min3A_1983 : vector<196x1xf32> to vector<196x196xf32>
    %sub3A_2055 = vector.broadcast %convert_element_type3A_2030 : vector<1x196xf32> to vector<196x196xf32>
    %sub3A_2056 = arith.subf %sub3A_2054, %sub3A_2055 : vector<196x196xf32>
    %abs3A_2057 = math.absf %sub3A_2056 : vector<196x196xf32>
    %sub3A_2058 = arith.constant 1.000000e+00 : f32
    %sub3A_2059 = vector.broadcast %sub3A_2058 : f32 to vector<196x196xf32>
    %sub3A_2060 = arith.subf %sub3A_2059, %abs3A_2057 : vector<196x196xf32>
    %max3A_2061 = arith.constant 0.000000e+00 : f32
    %max3A_2062 = vector.broadcast %max3A_2061 : f32 to vector<196x196xf32>
    %max3A_2063 = arith.maximumf %sub3A_2060, %max3A_2062 : vector<196x196xf32>
    %sub3A_2064 = vector.broadcast %min3A_1997 : vector<196x1xf32> to vector<196x196xf32>
    %sub3A_2065 = vector.broadcast %convert_element_type3A_2053 : vector<1x196xf32> to vector<196x196xf32>
    %sub3A_2066 = arith.subf %sub3A_2064, %sub3A_2065 : vector<196x196xf32>
    %abs3A_2067 = math.absf %sub3A_2066 : vector<196x196xf32>
    %sub3A_2068 = arith.constant 1.000000e+00 : f32
    %sub3A_2069 = vector.broadcast %sub3A_2068 : f32 to vector<196x196xf32>
    %sub3A_2070 = arith.subf %sub3A_2069, %abs3A_2067 : vector<196x196xf32>
    %max3A_2071 = arith.constant 0.000000e+00 : f32
    %max3A_2072 = vector.broadcast %max3A_2071 : f32 to vector<196x196xf32>
    %max3A_2073 = arith.maximumf %sub3A_2070, %max3A_2072 : vector<196x196xf32>
    %mul3A_2074 = arith.mulf %max3A_2063, %max3A_2073 : vector<196x196xf32>
    %convert_element_type3A_2075 = arith.truncf %mul3A_2074 : vector<196x196xf32> to vector<196x196xbf16>
    %get3A_2076 = arith.index_cast %get3A_1893 : i32 to index
    %get3A_2077 = arith.constant 0 : index
    %get3A_2078 = arith.constant 0 : index
    %get3A_2079 = vector.load %arg7[%get3A_2076, %get3A_2077, %get3A_2078] : memref<512x196x256xbf16, #tpu.memory_space<vmem>>, vector<1x196x256xbf16>
    %get3A_2080 = vector.shape_cast %get3A_2079 : vector<1x196x256xbf16> to vector<196x256xbf16>
    %dot_general3A_2081 = arith.constant dense<0.000000e+00> : vector<256x196xf32>
    %dot_general3A_2082 = tpu.matmul %get3A_2080, %convert_element_type3A_2075, %dot_general3A_2081 {dimension_numbers = #tpu.dot_dimension_numbers<[0], [1], [1], [0], [0, 1, 1, 0], [], []>, transpose_lhs_hint = false} : vector<196x256xbf16>, vector<196x196xbf16>, vector<256x196xf32> -> vector<256x196xf32>
    %swap3A_2083 = arith.constant 9 : index
    %swap3A_2084 = arith.constant 0 : index
    %swap3A_2085 = arith.constant 0 : index
    %swap3A_2086 = vector.load %arg6[%swap3A_2083, %swap3A_2084, %swap3A_2085] : memref<16x256x196xf32, #tpu.memory_space<vmem>>, vector<1x256x196xf32>
    %swap3A_2087 = vector.shape_cast %swap3A_2086 : vector<1x256x196xf32> to vector<256x196xf32>
    %swap3A_2088 = vector.shape_cast %dot_general3A_2082 : vector<256x196xf32> to vector<1x256x196xf32>
    tpu.vector_store %arg6[%swap3A_2083, %swap3A_2084, %swap3A_2085], %swap3A_2088 {strides = array<i32>} : memref<16x256x196xf32, #tpu.memory_space<vmem>>, vector<1x256x196xf32>,
    %mul3A_2089 = arith.constant 16 : i32
    %mul3A_2090 = arith.muli %arg0, %mul3A_2089 : i32
    %add3A_2091 = arith.constant 10 : i32
    %add3A_2092 = arith.addi %mul3A_2090, %add3A_2091 : i32
    %get3A_2093 = arith.index_cast %add3A_2092 : i32 to index
    %get3A_2094 = memref.load %arg1[%get3A_2093] : memref<512xi32, #tpu.memory_space<smem>>
    %get3A_2095 = arith.index_cast %get3A_2094 : i32 to index
    %get3A_2096 = arith.constant 0 : index
    %get3A_2097 = memref.load %arg2[%get3A_2095, %get3A_2096] : memref<512x4xf32, #tpu.memory_space<smem>>
    %mul3A_2098 = arith.constant 1.300000e+01 : f32
    %mul3A_2099 = arith.mulf %get3A_2097, %mul3A_2098 : f32
    %get3A_2100 = arith.index_cast %get3A_2094 : i32 to index
    %get3A_2101 = arith.constant 1 : index
    %get3A_2102 = memref.load %arg2[%get3A_2100, %get3A_2101] : memref<512x4xf32, #tpu.memory_space<smem>>
    %mul3A_2103 = arith.constant 1.300000e+01 : f32
    %mul3A_2104 = arith.mulf %get3A_2102, %mul3A_2103 : f32
    %get3A_2105 = arith.index_cast %get3A_2094 : i32 to index
    %get3A_2106 = arith.constant 2 : index
    %get3A_2107 = memref.load %arg2[%get3A_2105, %get3A_2106] : memref<512x4xf32, #tpu.memory_space<smem>>
    %mul3A_2108 = arith.constant 1.300000e+01 : f32
    %mul3A_2109 = arith.mulf %get3A_2107, %mul3A_2108 : f32
    %get3A_2110 = arith.index_cast %get3A_2094 : i32 to index
    %get3A_2111 = arith.constant 3 : index
    %get3A_2112 = memref.load %arg2[%get3A_2110, %get3A_2111] : memref<512x4xf32, #tpu.memory_space<smem>>
    %mul3A_2113 = arith.constant 1.300000e+01 : f32
    %mul3A_2114 = arith.mulf %get3A_2112, %mul3A_2113 : f32
    %iota3A_2115 = tpu.iota {dimensions = array<i32: 0>} : vector<196x1xi32>
    %jit3A_2116 = arith.constant 14 : i32
    %div3A_2117 = vector.broadcast %jit3A_2116 : i32 to vector<196x1xi32>
    %div3A_2118 = arith.divsi %iota3A_2115, %div3A_2117 : vector<196x1xi32>
    %sign3A_2119 = arith.constant 0 : i32
    %sign3A_2120 = vector.broadcast %sign3A_2119 : i32 to vector<196x1xi32>
    %sign3A_2121 = arith.cmpi sgt, %iota3A_2115, %sign3A_2120 : vector<196x1xi32>
    %sign3A_2122 = arith.extui %sign3A_2121 : vector<196x1xi1> to vector<196x1xi32>
    %sign3A_2123 = arith.constant 0 : i32
    %sign3A_2124 = vector.broadcast %sign3A_2123 : i32 to vector<196x1xi32>
    %sign3A_2125 = arith.cmpi slt, %iota3A_2115, %sign3A_2124 : vector<196x1xi32>
    %sign3A_2126 = arith.extui %sign3A_2125 : vector<196x1xi1> to vector<196x1xi32>
    %sign3A_2127 = arith.subi %sign3A_2122, %sign3A_2126 : vector<196x1xi32>
    %sign3A_2128 = arith.constant 0 : i32
    %sign3A_2129 = arith.cmpi sgt, %jit3A_2116, %sign3A_2128 : i32
    %sign3A_2130 = arith.extui %sign3A_2129 : i1 to i32
    %sign3A_2131 = arith.constant 0 : i32
    %sign3A_2132 = arith.cmpi slt, %jit3A_2116, %sign3A_2131 : i32
    %sign3A_2133 = arith.extui %sign3A_2132 : i1 to i32
    %sign3A_2134 = arith.subi %sign3A_2130, %sign3A_2133 : i32
    %ne3A_2135 = vector.broadcast %sign3A_2134 : i32 to vector<196x1xi32>
    %ne3A_2136 = arith.cmpi ne, %sign3A_2127, %ne3A_2135 : vector<196x1xi32>
    %rem3A_2137 = vector.broadcast %jit3A_2116 : i32 to vector<196x1xi32>
    %rem3A_2138 = arith.remsi %iota3A_2115, %rem3A_2137 : vector<196x1xi32>
    %ne3A_2139 = arith.constant 0 : i32
    %ne3A_2140 = vector.broadcast %ne3A_2139 : i32 to vector<196x1xi32>
    %ne3A_2141 = arith.cmpi ne, %rem3A_2138, %ne3A_2140 : vector<196x1xi32>
    %and3A_2142 = arith.andi %ne3A_2136, %ne3A_2141 : vector<196x1xi1>
    %sub3A_2143 = arith.constant 1 : i32
    %sub3A_2144 = vector.broadcast %sub3A_2143 : i32 to vector<196x1xi32>
    %sub3A_2145 = arith.subi %div3A_2118, %sub3A_2144 : vector<196x1xi32>
    %select_n3A_2146 = arith.select %and3A_2142, %sub3A_2145, %div3A_2118 : vector<196x1xi1>, vector<196x1xi32>
    %convert_element_type3A_2147 = arith.sitofp %select_n3A_2146 : vector<196x1xi32> to vector<196x1xf32>
    %jit3A_2148 = arith.constant 14 : i32
    %eq3A_2149 = arith.constant 0 : i32
    %eq3A_2150 = arith.cmpi eq, %jit3A_2148, %eq3A_2149 : i32
    %jit3A_2151 = arith.constant 1 : i32
    %select_n3A_2152 = arith.select %eq3A_2150, %jit3A_2151, %jit3A_2148 : i32
    %rem3A_2153 = vector.broadcast %select_n3A_2152 : i32 to vector<196x1xi32>
    %rem3A_2154 = arith.remsi %iota3A_2115, %rem3A_2153 : vector<196x1xi32>
    %ne3A_2155 = arith.constant 0 : i32
    %ne3A_2156 = vector.broadcast %ne3A_2155 : i32 to vector<196x1xi32>
    %ne3A_2157 = arith.cmpi ne, %rem3A_2154, %ne3A_2156 : vector<196x1xi32>
    %lt3A_2158 = arith.constant 0 : i32
    %lt3A_2159 = vector.broadcast %lt3A_2158 : i32 to vector<196x1xi32>
    %lt3A_2160 = arith.cmpi slt, %rem3A_2154, %lt3A_2159 : vector<196x1xi32>
    %lt3A_2161 = arith.constant 0 : i32
    %lt3A_2162 = arith.cmpi slt, %select_n3A_2152, %lt3A_2161 : i32
    %ne3A_2163 = vector.broadcast %lt3A_2162 : i1 to vector<196x1xi1>
    %ne3A_2164 = vector.broadcast %ne3A_2163 : vector<196x1xi1> to vector<196x1xi1>
    %ne3A_2165 = arith.xori %lt3A_2160, %ne3A_2164 : vector<196x1xi1>
    %and3A_2166 = arith.andi %ne3A_2165, %ne3A_2157 : vector<196x1xi1>
    %add3A_2167 = vector.broadcast %select_n3A_2152 : i32 to vector<196x1xi32>
    %add3A_2168 = arith.addi %rem3A_2154, %add3A_2167 : vector<196x1xi32>
    %select_n3A_2169 = arith.select %and3A_2166, %add3A_2168, %rem3A_2154 : vector<196x1xi1>, vector<196x1xi32>
    %convert_element_type3A_2170 = arith.sitofp %select_n3A_2169 : vector<196x1xi32> to vector<196x1xf32>
    %sub3A_2171 = arith.subf %mul3A_2114, %mul3A_2104 : f32
    %mul3A_2172 = arith.constant 0.0769230798 : f32
    %mul3A_2173 = vector.broadcast %mul3A_2172 : f32 to vector<196x1xf32>
    %mul3A_2174 = arith.mulf %convert_element_type3A_2147, %mul3A_2173 : vector<196x1xf32>
    %mul3A_2175 = vector.broadcast %sub3A_2171 : f32 to vector<196x1xf32>
    %mul3A_2176 = arith.mulf %mul3A_2175, %mul3A_2174 : vector<196x1xf32>
    %add3A_2177 = vector.broadcast %mul3A_2104 : f32 to vector<196x1xf32>
    %add3A_2178 = arith.addf %add3A_2177, %mul3A_2176 : vector<196x1xf32>
    %jit3A_2179 = arith.constant 0.000000e+00 : f32
    %jit3A_2180 = arith.constant 1.300000e+01 : f32
    %max3A_2181 = vector.broadcast %jit3A_2179 : f32 to vector<196x1xf32>
    %max3A_2182 = arith.maximumf %max3A_2181, %add3A_2178 : vector<196x1xf32>
    %min3A_2183 = vector.broadcast %jit3A_2180 : f32 to vector<196x1xf32>
    %min3A_2184 = arith.minimumf %min3A_2183, %max3A_2182 : vector<196x1xf32>
    %sub3A_2185 = arith.subf %mul3A_2109, %mul3A_2099 : f32
    %mul3A_2186 = arith.constant 0.0769230798 : f32
    %mul3A_2187 = vector.broadcast %mul3A_2186 : f32 to vector<196x1xf32>
    %mul3A_2188 = arith.mulf %convert_element_type3A_2170, %mul3A_2187 : vector<196x1xf32>
    %mul3A_2189 = vector.broadcast %sub3A_2185 : f32 to vector<196x1xf32>
    %mul3A_2190 = arith.mulf %mul3A_2189, %mul3A_2188 : vector<196x1xf32>
    %add3A_2191 = vector.broadcast %mul3A_2099 : f32 to vector<196x1xf32>
    %add3A_2192 = arith.addf %add3A_2191, %mul3A_2190 : vector<196x1xf32>
    %jit3A_2193 = arith.constant 0.000000e+00 : f32
    %jit3A_2194 = arith.constant 1.300000e+01 : f32
    %max3A_2195 = vector.broadcast %jit3A_2193 : f32 to vector<196x1xf32>
    %max3A_2196 = arith.maximumf %max3A_2195, %add3A_2192 : vector<196x1xf32>
    %min3A_2197 = vector.broadcast %jit3A_2194 : f32 to vector<196x1xf32>
    %min3A_2198 = arith.minimumf %min3A_2197, %max3A_2196 : vector<196x1xf32>
    %iota3A_2199 = tpu.iota {dimensions = array<i32: 1>} : vector<1x196xi32>
    %jit3A_2200 = arith.constant 14 : i32
    %div3A_2201 = vector.broadcast %jit3A_2200 : i32 to vector<1x196xi32>
    %div3A_2202 = arith.divsi %iota3A_2199, %div3A_2201 : vector<1x196xi32>
    %sign3A_2203 = arith.constant 0 : i32
    %sign3A_2204 = vector.broadcast %sign3A_2203 : i32 to vector<1x196xi32>
    %sign3A_2205 = arith.cmpi sgt, %iota3A_2199, %sign3A_2204 : vector<1x196xi32>
    %sign3A_2206 = arith.extui %sign3A_2205 : vector<1x196xi1> to vector<1x196xi32>
    %sign3A_2207 = arith.constant 0 : i32
    %sign3A_2208 = vector.broadcast %sign3A_2207 : i32 to vector<1x196xi32>
    %sign3A_2209 = arith.cmpi slt, %iota3A_2199, %sign3A_2208 : vector<1x196xi32>
    %sign3A_2210 = arith.extui %sign3A_2209 : vector<1x196xi1> to vector<1x196xi32>
    %sign3A_2211 = arith.subi %sign3A_2206, %sign3A_2210 : vector<1x196xi32>
    %sign3A_2212 = arith.constant 0 : i32
    %sign3A_2213 = arith.cmpi sgt, %jit3A_2200, %sign3A_2212 : i32
    %sign3A_2214 = arith.extui %sign3A_2213 : i1 to i32
    %sign3A_2215 = arith.constant 0 : i32
    %sign3A_2216 = arith.cmpi slt, %jit3A_2200, %sign3A_2215 : i32
    %sign3A_2217 = arith.extui %sign3A_2216 : i1 to i32
    %sign3A_2218 = arith.subi %sign3A_2214, %sign3A_2217 : i32
    %ne3A_2219 = vector.broadcast %sign3A_2218 : i32 to vector<1x196xi32>
    %ne3A_2220 = arith.cmpi ne, %sign3A_2211, %ne3A_2219 : vector<1x196xi32>
    %rem3A_2221 = vector.broadcast %jit3A_2200 : i32 to vector<1x196xi32>
    %rem3A_2222 = arith.remsi %iota3A_2199, %rem3A_2221 : vector<1x196xi32>
    %ne3A_2223 = arith.constant 0 : i32
    %ne3A_2224 = vector.broadcast %ne3A_2223 : i32 to vector<1x196xi32>
    %ne3A_2225 = arith.cmpi ne, %rem3A_2222, %ne3A_2224 : vector<1x196xi32>
    %and3A_2226 = arith.andi %ne3A_2220, %ne3A_2225 : vector<1x196xi1>
    %sub3A_2227 = arith.constant 1 : i32
    %sub3A_2228 = vector.broadcast %sub3A_2227 : i32 to vector<1x196xi32>
    %sub3A_2229 = arith.subi %div3A_2202, %sub3A_2228 : vector<1x196xi32>
    %select_n3A_2230 = arith.select %and3A_2226, %sub3A_2229, %div3A_2202 : vector<1x196xi1>, vector<1x196xi32>
    %convert_element_type3A_2231 = arith.sitofp %select_n3A_2230 : vector<1x196xi32> to vector<1x196xf32>
    %jit3A_2232 = arith.constant 14 : i32
    %eq3A_2233 = arith.constant 0 : i32
    %eq3A_2234 = arith.cmpi eq, %jit3A_2232, %eq3A_2233 : i32
    %jit3A_2235 = arith.constant 1 : i32
    %select_n3A_2236 = arith.select %eq3A_2234, %jit3A_2235, %jit3A_2232 : i32
    %rem3A_2237 = vector.broadcast %select_n3A_2236 : i32 to vector<1x196xi32>
    %rem3A_2238 = arith.remsi %iota3A_2199, %rem3A_2237 : vector<1x196xi32>
    %ne3A_2239 = arith.constant 0 : i32
    %ne3A_2240 = vector.broadcast %ne3A_2239 : i32 to vector<1x196xi32>
    %ne3A_2241 = arith.cmpi ne, %rem3A_2238, %ne3A_2240 : vector<1x196xi32>
    %lt3A_2242 = arith.constant 0 : i32
    %lt3A_2243 = vector.broadcast %lt3A_2242 : i32 to vector<1x196xi32>
    %lt3A_2244 = arith.cmpi slt, %rem3A_2238, %lt3A_2243 : vector<1x196xi32>
    %lt3A_2245 = arith.constant 0 : i32
    %lt3A_2246 = arith.cmpi slt, %select_n3A_2236, %lt3A_2245 : i32
    %ne3A_2247 = vector.broadcast %lt3A_2246 : i1 to vector<1x196xi1>
    %ne3A_2248 = vector.broadcast %ne3A_2247 : vector<1x196xi1> to vector<1x196xi1>
    %ne3A_2249 = arith.xori %lt3A_2244, %ne3A_2248 : vector<1x196xi1>
    %and3A_2250 = arith.andi %ne3A_2249, %ne3A_2241 : vector<1x196xi1>
    %add3A_2251 = vector.broadcast %select_n3A_2236 : i32 to vector<1x196xi32>
    %add3A_2252 = arith.addi %rem3A_2238, %add3A_2251 : vector<1x196xi32>
    %select_n3A_2253 = arith.select %and3A_2250, %add3A_2252, %rem3A_2238 : vector<1x196xi1>, vector<1x196xi32>
    %convert_element_type3A_2254 = arith.sitofp %select_n3A_2253 : vector<1x196xi32> to vector<1x196xf32>
    %sub3A_2255 = vector.broadcast %min3A_2184 : vector<196x1xf32> to vector<196x196xf32>
    %sub3A_2256 = vector.broadcast %convert_element_type3A_2231 : vector<1x196xf32> to vector<196x196xf32>
    %sub3A_2257 = arith.subf %sub3A_2255, %sub3A_2256 : vector<196x196xf32>
    %abs3A_2258 = math.absf %sub3A_2257 : vector<196x196xf32>
    %sub3A_2259 = arith.constant 1.000000e+00 : f32
    %sub3A_2260 = vector.broadcast %sub3A_2259 : f32 to vector<196x196xf32>
    %sub3A_2261 = arith.subf %sub3A_2260, %abs3A_2258 : vector<196x196xf32>
    %max3A_2262 = arith.constant 0.000000e+00 : f32
    %max3A_2263 = vector.broadcast %max3A_2262 : f32 to vector<196x196xf32>
    %max3A_2264 = arith.maximumf %sub3A_2261, %max3A_2263 : vector<196x196xf32>
    %sub3A_2265 = vector.broadcast %min3A_2198 : vector<196x1xf32> to vector<196x196xf32>
    %sub3A_2266 = vector.broadcast %convert_element_type3A_2254 : vector<1x196xf32> to vector<196x196xf32>
    %sub3A_2267 = arith.subf %sub3A_2265, %sub3A_2266 : vector<196x196xf32>
    %abs3A_2268 = math.absf %sub3A_2267 : vector<196x196xf32>
    %sub3A_2269 = arith.constant 1.000000e+00 : f32
    %sub3A_2270 = vector.broadcast %sub3A_2269 : f32 to vector<196x196xf32>
    %sub3A_2271 = arith.subf %sub3A_2270, %abs3A_2268 : vector<196x196xf32>
    %max3A_2272 = arith.constant 0.000000e+00 : f32
    %max3A_2273 = vector.broadcast %max3A_2272 : f32 to vector<196x196xf32>
    %max3A_2274 = arith.maximumf %sub3A_2271, %max3A_2273 : vector<196x196xf32>
    %mul3A_2275 = arith.mulf %max3A_2264, %max3A_2274 : vector<196x196xf32>
    %convert_element_type3A_2276 = arith.truncf %mul3A_2275 : vector<196x196xf32> to vector<196x196xbf16>
    %get3A_2277 = arith.index_cast %get3A_2094 : i32 to index
    %get3A_2278 = arith.constant 0 : index
    %get3A_2279 = arith.constant 0 : index
    %get3A_2280 = vector.load %arg7[%get3A_2277, %get3A_2278, %get3A_2279] : memref<512x196x256xbf16, #tpu.memory_space<vmem>>, vector<1x196x256xbf16>
    %get3A_2281 = vector.shape_cast %get3A_2280 : vector<1x196x256xbf16> to vector<196x256xbf16>
    %dot_general3A_2282 = arith.constant dense<0.000000e+00> : vector<256x196xf32>
    %dot_general3A_2283 = tpu.matmul %get3A_2281, %convert_element_type3A_2276, %dot_general3A_2282 {dimension_numbers = #tpu.dot_dimension_numbers<[0], [1], [1], [0], [0, 1, 1, 0], [], []>, transpose_lhs_hint = false} : vector<196x256xbf16>, vector<196x196xbf16>, vector<256x196xf32> -> vector<256x196xf32>
    %swap3A_2284 = arith.constant 10 : index
    %swap3A_2285 = arith.constant 0 : index
    %swap3A_2286 = arith.constant 0 : index
    %swap3A_2287 = vector.load %arg6[%swap3A_2284, %swap3A_2285, %swap3A_2286] : memref<16x256x196xf32, #tpu.memory_space<vmem>>, vector<1x256x196xf32>
    %swap3A_2288 = vector.shape_cast %swap3A_2287 : vector<1x256x196xf32> to vector<256x196xf32>
    %swap3A_2289 = vector.shape_cast %dot_general3A_2283 : vector<256x196xf32> to vector<1x256x196xf32>
    tpu.vector_store %arg6[%swap3A_2284, %swap3A_2285, %swap3A_2286], %swap3A_2289 {strides = array<i32>} : memref<16x256x196xf32, #tpu.memory_space<vmem>>, vector<1x256x196xf32>,
    %mul3A_2290 = arith.constant 16 : i32
    %mul3A_2291 = arith.muli %arg0, %mul3A_2290 : i32
    %add3A_2292 = arith.constant 11 : i32
    %add3A_2293 = arith.addi %mul3A_2291, %add3A_2292 : i32
    %get3A_2294 = arith.index_cast %add3A_2293 : i32 to index
    %get3A_2295 = memref.load %arg1[%get3A_2294] : memref<512xi32, #tpu.memory_space<smem>>
    %get3A_2296 = arith.index_cast %get3A_2295 : i32 to index
    %get3A_2297 = arith.constant 0 : index
    %get3A_2298 = memref.load %arg2[%get3A_2296, %get3A_2297] : memref<512x4xf32, #tpu.memory_space<smem>>
    %mul3A_2299 = arith.constant 1.300000e+01 : f32
    %mul3A_2300 = arith.mulf %get3A_2298, %mul3A_2299 : f32
    %get3A_2301 = arith.index_cast %get3A_2295 : i32 to index
    %get3A_2302 = arith.constant 1 : index
    %get3A_2303 = memref.load %arg2[%get3A_2301, %get3A_2302] : memref<512x4xf32, #tpu.memory_space<smem>>
    %mul3A_2304 = arith.constant 1.300000e+01 : f32
    %mul3A_2305 = arith.mulf %get3A_2303, %mul3A_2304 : f32
    %get3A_2306 = arith.index_cast %get3A_2295 : i32 to index
    %get3A_2307 = arith.constant 2 : index
    %get3A_2308 = memref.load %arg2[%get3A_2306, %get3A_2307] : memref<512x4xf32, #tpu.memory_space<smem>>
    %mul3A_2309 = arith.constant 1.300000e+01 : f32
    %mul3A_2310 = arith.mulf %get3A_2308, %mul3A_2309 : f32
    %get3A_2311 = arith.index_cast %get3A_2295 : i32 to index
    %get3A_2312 = arith.constant 3 : index
    %get3A_2313 = memref.load %arg2[%get3A_2311, %get3A_2312] : memref<512x4xf32, #tpu.memory_space<smem>>
    %mul3A_2314 = arith.constant 1.300000e+01 : f32
    %mul3A_2315 = arith.mulf %get3A_2313, %mul3A_2314 : f32
    %iota3A_2316 = tpu.iota {dimensions = array<i32: 0>} : vector<196x1xi32>
    %jit3A_2317 = arith.constant 14 : i32
    %div3A_2318 = vector.broadcast %jit3A_2317 : i32 to vector<196x1xi32>
    %div3A_2319 = arith.divsi %iota3A_2316, %div3A_2318 : vector<196x1xi32>
    %sign3A_2320 = arith.constant 0 : i32
    %sign3A_2321 = vector.broadcast %sign3A_2320 : i32 to vector<196x1xi32>
    %sign3A_2322 = arith.cmpi sgt, %iota3A_2316, %sign3A_2321 : vector<196x1xi32>
    %sign3A_2323 = arith.extui %sign3A_2322 : vector<196x1xi1> to vector<196x1xi32>
    %sign3A_2324 = arith.constant 0 : i32
    %sign3A_2325 = vector.broadcast %sign3A_2324 : i32 to vector<196x1xi32>
    %sign3A_2326 = arith.cmpi slt, %iota3A_2316, %sign3A_2325 : vector<196x1xi32>
    %sign3A_2327 = arith.extui %sign3A_2326 : vector<196x1xi1> to vector<196x1xi32>
    %sign3A_2328 = arith.subi %sign3A_2323, %sign3A_2327 : vector<196x1xi32>
    %sign3A_2329 = arith.constant 0 : i32
    %sign3A_2330 = arith.cmpi sgt, %jit3A_2317, %sign3A_2329 : i32
    %sign3A_2331 = arith.extui %sign3A_2330 : i1 to i32
    %sign3A_2332 = arith.constant 0 : i32
    %sign3A_2333 = arith.cmpi slt, %jit3A_2317, %sign3A_2332 : i32
    %sign3A_2334 = arith.extui %sign3A_2333 : i1 to i32
    %sign3A_2335 = arith.subi %sign3A_2331, %sign3A_2334 : i32
    %ne3A_2336 = vector.broadcast %sign3A_2335 : i32 to vector<196x1xi32>
    %ne3A_2337 = arith.cmpi ne, %sign3A_2328, %ne3A_2336 : vector<196x1xi32>
    %rem3A_2338 = vector.broadcast %jit3A_2317 : i32 to vector<196x1xi32>
    %rem3A_2339 = arith.remsi %iota3A_2316, %rem3A_2338 : vector<196x1xi32>
    %ne3A_2340 = arith.constant 0 : i32
    %ne3A_2341 = vector.broadcast %ne3A_2340 : i32 to vector<196x1xi32>
    %ne3A_2342 = arith.cmpi ne, %rem3A_2339, %ne3A_2341 : vector<196x1xi32>
    %and3A_2343 = arith.andi %ne3A_2337, %ne3A_2342 : vector<196x1xi1>
    %sub3A_2344 = arith.constant 1 : i32
    %sub3A_2345 = vector.broadcast %sub3A_2344 : i32 to vector<196x1xi32>
    %sub3A_2346 = arith.subi %div3A_2319, %sub3A_2345 : vector<196x1xi32>
    %select_n3A_2347 = arith.select %and3A_2343, %sub3A_2346, %div3A_2319 : vector<196x1xi1>, vector<196x1xi32>
    %convert_element_type3A_2348 = arith.sitofp %select_n3A_2347 : vector<196x1xi32> to vector<196x1xf32>
    %jit3A_2349 = arith.constant 14 : i32
    %eq3A_2350 = arith.constant 0 : i32
    %eq3A_2351 = arith.cmpi eq, %jit3A_2349, %eq3A_2350 : i32
    %jit3A_2352 = arith.constant 1 : i32
    %select_n3A_2353 = arith.select %eq3A_2351, %jit3A_2352, %jit3A_2349 : i32
    %rem3A_2354 = vector.broadcast %select_n3A_2353 : i32 to vector<196x1xi32>
    %rem3A_2355 = arith.remsi %iota3A_2316, %rem3A_2354 : vector<196x1xi32>
    %ne3A_2356 = arith.constant 0 : i32
    %ne3A_2357 = vector.broadcast %ne3A_2356 : i32 to vector<196x1xi32>
    %ne3A_2358 = arith.cmpi ne, %rem3A_2355, %ne3A_2357 : vector<196x1xi32>
    %lt3A_2359 = arith.constant 0 : i32
    %lt3A_2360 = vector.broadcast %lt3A_2359 : i32 to vector<196x1xi32>
    %lt3A_2361 = arith.cmpi slt, %rem3A_2355, %lt3A_2360 : vector<196x1xi32>
    %lt3A_2362 = arith.constant 0 : i32
    %lt3A_2363 = arith.cmpi slt, %select_n3A_2353, %lt3A_2362 : i32
    %ne3A_2364 = vector.broadcast %lt3A_2363 : i1 to vector<196x1xi1>
    %ne3A_2365 = vector.broadcast %ne3A_2364 : vector<196x1xi1> to vector<196x1xi1>
    %ne3A_2366 = arith.xori %lt3A_2361, %ne3A_2365 : vector<196x1xi1>
    %and3A_2367 = arith.andi %ne3A_2366, %ne3A_2358 : vector<196x1xi1>
    %add3A_2368 = vector.broadcast %select_n3A_2353 : i32 to vector<196x1xi32>
    %add3A_2369 = arith.addi %rem3A_2355, %add3A_2368 : vector<196x1xi32>
    %select_n3A_2370 = arith.select %and3A_2367, %add3A_2369, %rem3A_2355 : vector<196x1xi1>, vector<196x1xi32>
    %convert_element_type3A_2371 = arith.sitofp %select_n3A_2370 : vector<196x1xi32> to vector<196x1xf32>
    %sub3A_2372 = arith.subf %mul3A_2315, %mul3A_2305 : f32
    %mul3A_2373 = arith.constant 0.0769230798 : f32
    %mul3A_2374 = vector.broadcast %mul3A_2373 : f32 to vector<196x1xf32>
    %mul3A_2375 = arith.mulf %convert_element_type3A_2348, %mul3A_2374 : vector<196x1xf32>
    %mul3A_2376 = vector.broadcast %sub3A_2372 : f32 to vector<196x1xf32>
    %mul3A_2377 = arith.mulf %mul3A_2376, %mul3A_2375 : vector<196x1xf32>
    %add3A_2378 = vector.broadcast %mul3A_2305 : f32 to vector<196x1xf32>
    %add3A_2379 = arith.addf %add3A_2378, %mul3A_2377 : vector<196x1xf32>
    %jit3A_2380 = arith.constant 0.000000e+00 : f32
    %jit3A_2381 = arith.constant 1.300000e+01 : f32
    %max3A_2382 = vector.broadcast %jit3A_2380 : f32 to vector<196x1xf32>
    %max3A_2383 = arith.maximumf %max3A_2382, %add3A_2379 : vector<196x1xf32>
    %min3A_2384 = vector.broadcast %jit3A_2381 : f32 to vector<196x1xf32>
    %min3A_2385 = arith.minimumf %min3A_2384, %max3A_2383 : vector<196x1xf32>
    %sub3A_2386 = arith.subf %mul3A_2310, %mul3A_2300 : f32
    %mul3A_2387 = arith.constant 0.0769230798 : f32
    %mul3A_2388 = vector.broadcast %mul3A_2387 : f32 to vector<196x1xf32>
    %mul3A_2389 = arith.mulf %convert_element_type3A_2371, %mul3A_2388 : vector<196x1xf32>
    %mul3A_2390 = vector.broadcast %sub3A_2386 : f32 to vector<196x1xf32>
    %mul3A_2391 = arith.mulf %mul3A_2390, %mul3A_2389 : vector<196x1xf32>
    %add3A_2392 = vector.broadcast %mul3A_2300 : f32 to vector<196x1xf32>
    %add3A_2393 = arith.addf %add3A_2392, %mul3A_2391 : vector<196x1xf32>
    %jit3A_2394 = arith.constant 0.000000e+00 : f32
    %jit3A_2395 = arith.constant 1.300000e+01 : f32
    %max3A_2396 = vector.broadcast %jit3A_2394 : f32 to vector<196x1xf32>
    %max3A_2397 = arith.maximumf %max3A_2396, %add3A_2393 : vector<196x1xf32>
    %min3A_2398 = vector.broadcast %jit3A_2395 : f32 to vector<196x1xf32>
    %min3A_2399 = arith.minimumf %min3A_2398, %max3A_2397 : vector<196x1xf32>
    %iota3A_2400 = tpu.iota {dimensions = array<i32: 1>} : vector<1x196xi32>
    %jit3A_2401 = arith.constant 14 : i32
    %div3A_2402 = vector.broadcast %jit3A_2401 : i32 to vector<1x196xi32>
    %div3A_2403 = arith.divsi %iota3A_2400, %div3A_2402 : vector<1x196xi32>
    %sign3A_2404 = arith.constant 0 : i32
    %sign3A_2405 = vector.broadcast %sign3A_2404 : i32 to vector<1x196xi32>
    %sign3A_2406 = arith.cmpi sgt, %iota3A_2400, %sign3A_2405 : vector<1x196xi32>
    %sign3A_2407 = arith.extui %sign3A_2406 : vector<1x196xi1> to vector<1x196xi32>
    %sign3A_2408 = arith.constant 0 : i32
    %sign3A_2409 = vector.broadcast %sign3A_2408 : i32 to vector<1x196xi32>
    %sign3A_2410 = arith.cmpi slt, %iota3A_2400, %sign3A_2409 : vector<1x196xi32>
    %sign3A_2411 = arith.extui %sign3A_2410 : vector<1x196xi1> to vector<1x196xi32>
    %sign3A_2412 = arith.subi %sign3A_2407, %sign3A_2411 : vector<1x196xi32>
    %sign3A_2413 = arith.constant 0 : i32
    %sign3A_2414 = arith.cmpi sgt, %jit3A_2401, %sign3A_2413 : i32
    %sign3A_2415 = arith.extui %sign3A_2414 : i1 to i32
    %sign3A_2416 = arith.constant 0 : i32
    %sign3A_2417 = arith.cmpi slt, %jit3A_2401, %sign3A_2416 : i32
    %sign3A_2418 = arith.extui %sign3A_2417 : i1 to i32
    %sign3A_2419 = arith.subi %sign3A_2415, %sign3A_2418 : i32
    %ne3A_2420 = vector.broadcast %sign3A_2419 : i32 to vector<1x196xi32>
    %ne3A_2421 = arith.cmpi ne, %sign3A_2412, %ne3A_2420 : vector<1x196xi32>
    %rem3A_2422 = vector.broadcast %jit3A_2401 : i32 to vector<1x196xi32>
    %rem3A_2423 = arith.remsi %iota3A_2400, %rem3A_2422 : vector<1x196xi32>
    %ne3A_2424 = arith.constant 0 : i32
    %ne3A_2425 = vector.broadcast %ne3A_2424 : i32 to vector<1x196xi32>
    %ne3A_2426 = arith.cmpi ne, %rem3A_2423, %ne3A_2425 : vector<1x196xi32>
    %and3A_2427 = arith.andi %ne3A_2421, %ne3A_2426 : vector<1x196xi1>
    %sub3A_2428 = arith.constant 1 : i32
    %sub3A_2429 = vector.broadcast %sub3A_2428 : i32 to vector<1x196xi32>
    %sub3A_2430 = arith.subi %div3A_2403, %sub3A_2429 : vector<1x196xi32>
    %select_n3A_2431 = arith.select %and3A_2427, %sub3A_2430, %div3A_2403 : vector<1x196xi1>, vector<1x196xi32>
    %convert_element_type3A_2432 = arith.sitofp %select_n3A_2431 : vector<1x196xi32> to vector<1x196xf32>
    %jit3A_2433 = arith.constant 14 : i32
    %eq3A_2434 = arith.constant 0 : i32
    %eq3A_2435 = arith.cmpi eq, %jit3A_2433, %eq3A_2434 : i32
    %jit3A_2436 = arith.constant 1 : i32
    %select_n3A_2437 = arith.select %eq3A_2435, %jit3A_2436, %jit3A_2433 : i32
    %rem3A_2438 = vector.broadcast %select_n3A_2437 : i32 to vector<1x196xi32>
    %rem3A_2439 = arith.remsi %iota3A_2400, %rem3A_2438 : vector<1x196xi32>
    %ne3A_2440 = arith.constant 0 : i32
    %ne3A_2441 = vector.broadcast %ne3A_2440 : i32 to vector<1x196xi32>
    %ne3A_2442 = arith.cmpi ne, %rem3A_2439, %ne3A_2441 : vector<1x196xi32>
    %lt3A_2443 = arith.constant 0 : i32
    %lt3A_2444 = vector.broadcast %lt3A_2443 : i32 to vector<1x196xi32>
    %lt3A_2445 = arith.cmpi slt, %rem3A_2439, %lt3A_2444 : vector<1x196xi32>
    %lt3A_2446 = arith.constant 0 : i32
    %lt3A_2447 = arith.cmpi slt, %select_n3A_2437, %lt3A_2446 : i32
    %ne3A_2448 = vector.broadcast %lt3A_2447 : i1 to vector<1x196xi1>
    %ne3A_2449 = vector.broadcast %ne3A_2448 : vector<1x196xi1> to vector<1x196xi1>
    %ne3A_2450 = arith.xori %lt3A_2445, %ne3A_2449 : vector<1x196xi1>
    %and3A_2451 = arith.andi %ne3A_2450, %ne3A_2442 : vector<1x196xi1>
    %add3A_2452 = vector.broadcast %select_n3A_2437 : i32 to vector<1x196xi32>
    %add3A_2453 = arith.addi %rem3A_2439, %add3A_2452 : vector<1x196xi32>
    %select_n3A_2454 = arith.select %and3A_2451, %add3A_2453, %rem3A_2439 : vector<1x196xi1>, vector<1x196xi32>
    %convert_element_type3A_2455 = arith.sitofp %select_n3A_2454 : vector<1x196xi32> to vector<1x196xf32>
    %sub3A_2456 = vector.broadcast %min3A_2385 : vector<196x1xf32> to vector<196x196xf32>
    %sub3A_2457 = vector.broadcast %convert_element_type3A_2432 : vector<1x196xf32> to vector<196x196xf32>
    %sub3A_2458 = arith.subf %sub3A_2456, %sub3A_2457 : vector<196x196xf32>
    %abs3A_2459 = math.absf %sub3A_2458 : vector<196x196xf32>
    %sub3A_2460 = arith.constant 1.000000e+00 : f32
    %sub3A_2461 = vector.broadcast %sub3A_2460 : f32 to vector<196x196xf32>
    %sub3A_2462 = arith.subf %sub3A_2461, %abs3A_2459 : vector<196x196xf32>
    %max3A_2463 = arith.constant 0.000000e+00 : f32
    %max3A_2464 = vector.broadcast %max3A_2463 : f32 to vector<196x196xf32>
    %max3A_2465 = arith.maximumf %sub3A_2462, %max3A_2464 : vector<196x196xf32>
    %sub3A_2466 = vector.broadcast %min3A_2399 : vector<196x1xf32> to vector<196x196xf32>
    %sub3A_2467 = vector.broadcast %convert_element_type3A_2455 : vector<1x196xf32> to vector<196x196xf32>
    %sub3A_2468 = arith.subf %sub3A_2466, %sub3A_2467 : vector<196x196xf32>
    %abs3A_2469 = math.absf %sub3A_2468 : vector<196x196xf32>
    %sub3A_2470 = arith.constant 1.000000e+00 : f32
    %sub3A_2471 = vector.broadcast %sub3A_2470 : f32 to vector<196x196xf32>
    %sub3A_2472 = arith.subf %sub3A_2471, %abs3A_2469 : vector<196x196xf32>
    %max3A_2473 = arith.constant 0.000000e+00 : f32
    %max3A_2474 = vector.broadcast %max3A_2473 : f32 to vector<196x196xf32>
    %max3A_2475 = arith.maximumf %sub3A_2472, %max3A_2474 : vector<196x196xf32>
    %mul3A_2476 = arith.mulf %max3A_2465, %max3A_2475 : vector<196x196xf32>
    %convert_element_type3A_2477 = arith.truncf %mul3A_2476 : vector<196x196xf32> to vector<196x196xbf16>
    %get3A_2478 = arith.index_cast %get3A_2295 : i32 to index
    %get3A_2479 = arith.constant 0 : index
    %get3A_2480 = arith.constant 0 : index
    %get3A_2481 = vector.load %arg7[%get3A_2478, %get3A_2479, %get3A_2480] : memref<512x196x256xbf16, #tpu.memory_space<vmem>>, vector<1x196x256xbf16>
    %get3A_2482 = vector.shape_cast %get3A_2481 : vector<1x196x256xbf16> to vector<196x256xbf16>
    %dot_general3A_2483 = arith.constant dense<0.000000e+00> : vector<256x196xf32>
    %dot_general3A_2484 = tpu.matmul %get3A_2482, %convert_element_type3A_2477, %dot_general3A_2483 {dimension_numbers = #tpu.dot_dimension_numbers<[0], [1], [1], [0], [0, 1, 1, 0], [], []>, transpose_lhs_hint = false} : vector<196x256xbf16>, vector<196x196xbf16>, vector<256x196xf32> -> vector<256x196xf32>
    %swap3A_2485 = arith.constant 11 : index
    %swap3A_2486 = arith.constant 0 : index
    %swap3A_2487 = arith.constant 0 : index
    %swap3A_2488 = vector.load %arg6[%swap3A_2485, %swap3A_2486, %swap3A_2487] : memref<16x256x196xf32, #tpu.memory_space<vmem>>, vector<1x256x196xf32>
    %swap3A_2489 = vector.shape_cast %swap3A_2488 : vector<1x256x196xf32> to vector<256x196xf32>
    %swap3A_2490 = vector.shape_cast %dot_general3A_2484 : vector<256x196xf32> to vector<1x256x196xf32>
    tpu.vector_store %arg6[%swap3A_2485, %swap3A_2486, %swap3A_2487], %swap3A_2490 {strides = array<i32>} : memref<16x256x196xf32, #tpu.memory_space<vmem>>, vector<1x256x196xf32>,
    %mul3A_2491 = arith.constant 16 : i32
    %mul3A_2492 = arith.muli %arg0, %mul3A_2491 : i32
    %add3A_2493 = arith.constant 12 : i32
    %add3A_2494 = arith.addi %mul3A_2492, %add3A_2493 : i32
    %get3A_2495 = arith.index_cast %add3A_2494 : i32 to index
    %get3A_2496 = memref.load %arg1[%get3A_2495] : memref<512xi32, #tpu.memory_space<smem>>
    %get3A_2497 = arith.index_cast %get3A_2496 : i32 to index
    %get3A_2498 = arith.constant 0 : index
    %get3A_2499 = memref.load %arg2[%get3A_2497, %get3A_2498] : memref<512x4xf32, #tpu.memory_space<smem>>
    %mul3A_2500 = arith.constant 1.300000e+01 : f32
    %mul3A_2501 = arith.mulf %get3A_2499, %mul3A_2500 : f32
    %get3A_2502 = arith.index_cast %get3A_2496 : i32 to index
    %get3A_2503 = arith.constant 1 : index
    %get3A_2504 = memref.load %arg2[%get3A_2502, %get3A_2503] : memref<512x4xf32, #tpu.memory_space<smem>>
    %mul3A_2505 = arith.constant 1.300000e+01 : f32
    %mul3A_2506 = arith.mulf %get3A_2504, %mul3A_2505 : f32
    %get3A_2507 = arith.index_cast %get3A_2496 : i32 to index
    %get3A_2508 = arith.constant 2 : index
    %get3A_2509 = memref.load %arg2[%get3A_2507, %get3A_2508] : memref<512x4xf32, #tpu.memory_space<smem>>
    %mul3A_2510 = arith.constant 1.300000e+01 : f32
    %mul3A_2511 = arith.mulf %get3A_2509, %mul3A_2510 : f32
    %get3A_2512 = arith.index_cast %get3A_2496 : i32 to index
    %get3A_2513 = arith.constant 3 : index
    %get3A_2514 = memref.load %arg2[%get3A_2512, %get3A_2513] : memref<512x4xf32, #tpu.memory_space<smem>>
    %mul3A_2515 = arith.constant 1.300000e+01 : f32
    %mul3A_2516 = arith.mulf %get3A_2514, %mul3A_2515 : f32
    %iota3A_2517 = tpu.iota {dimensions = array<i32: 0>} : vector<196x1xi32>
    %jit3A_2518 = arith.constant 14 : i32
    %div3A_2519 = vector.broadcast %jit3A_2518 : i32 to vector<196x1xi32>
    %div3A_2520 = arith.divsi %iota3A_2517, %div3A_2519 : vector<196x1xi32>
    %sign3A_2521 = arith.constant 0 : i32
    %sign3A_2522 = vector.broadcast %sign3A_2521 : i32 to vector<196x1xi32>
    %sign3A_2523 = arith.cmpi sgt, %iota3A_2517, %sign3A_2522 : vector<196x1xi32>
    %sign3A_2524 = arith.extui %sign3A_2523 : vector<196x1xi1> to vector<196x1xi32>
    %sign3A_2525 = arith.constant 0 : i32
    %sign3A_2526 = vector.broadcast %sign3A_2525 : i32 to vector<196x1xi32>
    %sign3A_2527 = arith.cmpi slt, %iota3A_2517, %sign3A_2526 : vector<196x1xi32>
    %sign3A_2528 = arith.extui %sign3A_2527 : vector<196x1xi1> to vector<196x1xi32>
    %sign3A_2529 = arith.subi %sign3A_2524, %sign3A_2528 : vector<196x1xi32>
    %sign3A_2530 = arith.constant 0 : i32
    %sign3A_2531 = arith.cmpi sgt, %jit3A_2518, %sign3A_2530 : i32
    %sign3A_2532 = arith.extui %sign3A_2531 : i1 to i32
    %sign3A_2533 = arith.constant 0 : i32
    %sign3A_2534 = arith.cmpi slt, %jit3A_2518, %sign3A_2533 : i32
    %sign3A_2535 = arith.extui %sign3A_2534 : i1 to i32
    %sign3A_2536 = arith.subi %sign3A_2532, %sign3A_2535 : i32
    %ne3A_2537 = vector.broadcast %sign3A_2536 : i32 to vector<196x1xi32>
    %ne3A_2538 = arith.cmpi ne, %sign3A_2529, %ne3A_2537 : vector<196x1xi32>
    %rem3A_2539 = vector.broadcast %jit3A_2518 : i32 to vector<196x1xi32>
    %rem3A_2540 = arith.remsi %iota3A_2517, %rem3A_2539 : vector<196x1xi32>
    %ne3A_2541 = arith.constant 0 : i32
    %ne3A_2542 = vector.broadcast %ne3A_2541 : i32 to vector<196x1xi32>
    %ne3A_2543 = arith.cmpi ne, %rem3A_2540, %ne3A_2542 : vector<196x1xi32>
    %and3A_2544 = arith.andi %ne3A_2538, %ne3A_2543 : vector<196x1xi1>
    %sub3A_2545 = arith.constant 1 : i32
    %sub3A_2546 = vector.broadcast %sub3A_2545 : i32 to vector<196x1xi32>
    %sub3A_2547 = arith.subi %div3A_2520, %sub3A_2546 : vector<196x1xi32>
    %select_n3A_2548 = arith.select %and3A_2544, %sub3A_2547, %div3A_2520 : vector<196x1xi1>, vector<196x1xi32>
    %convert_element_type3A_2549 = arith.sitofp %select_n3A_2548 : vector<196x1xi32> to vector<196x1xf32>
    %jit3A_2550 = arith.constant 14 : i32
    %eq3A_2551 = arith.constant 0 : i32
    %eq3A_2552 = arith.cmpi eq, %jit3A_2550, %eq3A_2551 : i32
    %jit3A_2553 = arith.constant 1 : i32
    %select_n3A_2554 = arith.select %eq3A_2552, %jit3A_2553, %jit3A_2550 : i32
    %rem3A_2555 = vector.broadcast %select_n3A_2554 : i32 to vector<196x1xi32>
    %rem3A_2556 = arith.remsi %iota3A_2517, %rem3A_2555 : vector<196x1xi32>
    %ne3A_2557 = arith.constant 0 : i32
    %ne3A_2558 = vector.broadcast %ne3A_2557 : i32 to vector<196x1xi32>
    %ne3A_2559 = arith.cmpi ne, %rem3A_2556, %ne3A_2558 : vector<196x1xi32>
    %lt3A_2560 = arith.constant 0 : i32
    %lt3A_2561 = vector.broadcast %lt3A_2560 : i32 to vector<196x1xi32>
    %lt3A_2562 = arith.cmpi slt, %rem3A_2556, %lt3A_2561 : vector<196x1xi32>
    %lt3A_2563 = arith.constant 0 : i32
    %lt3A_2564 = arith.cmpi slt, %select_n3A_2554, %lt3A_2563 : i32
    %ne3A_2565 = vector.broadcast %lt3A_2564 : i1 to vector<196x1xi1>
    %ne3A_2566 = vector.broadcast %ne3A_2565 : vector<196x1xi1> to vector<196x1xi1>
    %ne3A_2567 = arith.xori %lt3A_2562, %ne3A_2566 : vector<196x1xi1>
    %and3A_2568 = arith.andi %ne3A_2567, %ne3A_2559 : vector<196x1xi1>
    %add3A_2569 = vector.broadcast %select_n3A_2554 : i32 to vector<196x1xi32>
    %add3A_2570 = arith.addi %rem3A_2556, %add3A_2569 : vector<196x1xi32>
    %select_n3A_2571 = arith.select %and3A_2568, %add3A_2570, %rem3A_2556 : vector<196x1xi1>, vector<196x1xi32>
    %convert_element_type3A_2572 = arith.sitofp %select_n3A_2571 : vector<196x1xi32> to vector<196x1xf32>
    %sub3A_2573 = arith.subf %mul3A_2516, %mul3A_2506 : f32
    %mul3A_2574 = arith.constant 0.0769230798 : f32
    %mul3A_2575 = vector.broadcast %mul3A_2574 : f32 to vector<196x1xf32>
    %mul3A_2576 = arith.mulf %convert_element_type3A_2549, %mul3A_2575 : vector<196x1xf32>
    %mul3A_2577 = vector.broadcast %sub3A_2573 : f32 to vector<196x1xf32>
    %mul3A_2578 = arith.mulf %mul3A_2577, %mul3A_2576 : vector<196x1xf32>
    %add3A_2579 = vector.broadcast %mul3A_2506 : f32 to vector<196x1xf32>
    %add3A_2580 = arith.addf %add3A_2579, %mul3A_2578 : vector<196x1xf32>
    %jit3A_2581 = arith.constant 0.000000e+00 : f32
    %jit3A_2582 = arith.constant 1.300000e+01 : f32
    %max3A_2583 = vector.broadcast %jit3A_2581 : f32 to vector<196x1xf32>
    %max3A_2584 = arith.maximumf %max3A_2583, %add3A_2580 : vector<196x1xf32>
    %min3A_2585 = vector.broadcast %jit3A_2582 : f32 to vector<196x1xf32>
    %min3A_2586 = arith.minimumf %min3A_2585, %max3A_2584 : vector<196x1xf32>
    %sub3A_2587 = arith.subf %mul3A_2511, %mul3A_2501 : f32
    %mul3A_2588 = arith.constant 0.0769230798 : f32
    %mul3A_2589 = vector.broadcast %mul3A_2588 : f32 to vector<196x1xf32>
    %mul3A_2590 = arith.mulf %convert_element_type3A_2572, %mul3A_2589 : vector<196x1xf32>
    %mul3A_2591 = vector.broadcast %sub3A_2587 : f32 to vector<196x1xf32>
    %mul3A_2592 = arith.mulf %mul3A_2591, %mul3A_2590 : vector<196x1xf32>
    %add3A_2593 = vector.broadcast %mul3A_2501 : f32 to vector<196x1xf32>
    %add3A_2594 = arith.addf %add3A_2593, %mul3A_2592 : vector<196x1xf32>
    %jit3A_2595 = arith.constant 0.000000e+00 : f32
    %jit3A_2596 = arith.constant 1.300000e+01 : f32
    %max3A_2597 = vector.broadcast %jit3A_2595 : f32 to vector<196x1xf32>
    %max3A_2598 = arith.maximumf %max3A_2597, %add3A_2594 : vector<196x1xf32>
    %min3A_2599 = vector.broadcast %jit3A_2596 : f32 to vector<196x1xf32>
    %min3A_2600 = arith.minimumf %min3A_2599, %max3A_2598 : vector<196x1xf32>
    %iota3A_2601 = tpu.iota {dimensions = array<i32: 1>} : vector<1x196xi32>
    %jit3A_2602 = arith.constant 14 : i32
    %div3A_2603 = vector.broadcast %jit3A_2602 : i32 to vector<1x196xi32>
    %div3A_2604 = arith.divsi %iota3A_2601, %div3A_2603 : vector<1x196xi32>
    %sign3A_2605 = arith.constant 0 : i32
    %sign3A_2606 = vector.broadcast %sign3A_2605 : i32 to vector<1x196xi32>
    %sign3A_2607 = arith.cmpi sgt, %iota3A_2601, %sign3A_2606 : vector<1x196xi32>
    %sign3A_2608 = arith.extui %sign3A_2607 : vector<1x196xi1> to vector<1x196xi32>
    %sign3A_2609 = arith.constant 0 : i32
    %sign3A_2610 = vector.broadcast %sign3A_2609 : i32 to vector<1x196xi32>
    %sign3A_2611 = arith.cmpi slt, %iota3A_2601, %sign3A_2610 : vector<1x196xi32>
    %sign3A_2612 = arith.extui %sign3A_2611 : vector<1x196xi1> to vector<1x196xi32>
    %sign3A_2613 = arith.subi %sign3A_2608, %sign3A_2612 : vector<1x196xi32>
    %sign3A_2614 = arith.constant 0 : i32
    %sign3A_2615 = arith.cmpi sgt, %jit3A_2602, %sign3A_2614 : i32
    %sign3A_2616 = arith.extui %sign3A_2615 : i1 to i32
    %sign3A_2617 = arith.constant 0 : i32
    %sign3A_2618 = arith.cmpi slt, %jit3A_2602, %sign3A_2617 : i32
    %sign3A_2619 = arith.extui %sign3A_2618 : i1 to i32
    %sign3A_2620 = arith.subi %sign3A_2616, %sign3A_2619 : i32
    %ne3A_2621 = vector.broadcast %sign3A_2620 : i32 to vector<1x196xi32>
    %ne3A_2622 = arith.cmpi ne, %sign3A_2613, %ne3A_2621 : vector<1x196xi32>
    %rem3A_2623 = vector.broadcast %jit3A_2602 : i32 to vector<1x196xi32>
    %rem3A_2624 = arith.remsi %iota3A_2601, %rem3A_2623 : vector<1x196xi32>
    %ne3A_2625 = arith.constant 0 : i32
    %ne3A_2626 = vector.broadcast %ne3A_2625 : i32 to vector<1x196xi32>
    %ne3A_2627 = arith.cmpi ne, %rem3A_2624, %ne3A_2626 : vector<1x196xi32>
    %and3A_2628 = arith.andi %ne3A_2622, %ne3A_2627 : vector<1x196xi1>
    %sub3A_2629 = arith.constant 1 : i32
    %sub3A_2630 = vector.broadcast %sub3A_2629 : i32 to vector<1x196xi32>
    %sub3A_2631 = arith.subi %div3A_2604, %sub3A_2630 : vector<1x196xi32>
    %select_n3A_2632 = arith.select %and3A_2628, %sub3A_2631, %div3A_2604 : vector<1x196xi1>, vector<1x196xi32>
    %convert_element_type3A_2633 = arith.sitofp %select_n3A_2632 : vector<1x196xi32> to vector<1x196xf32>
    %jit3A_2634 = arith.constant 14 : i32
    %eq3A_2635 = arith.constant 0 : i32
    %eq3A_2636 = arith.cmpi eq, %jit3A_2634, %eq3A_2635 : i32
    %jit3A_2637 = arith.constant 1 : i32
    %select_n3A_2638 = arith.select %eq3A_2636, %jit3A_2637, %jit3A_2634 : i32
    %rem3A_2639 = vector.broadcast %select_n3A_2638 : i32 to vector<1x196xi32>
    %rem3A_2640 = arith.remsi %iota3A_2601, %rem3A_2639 : vector<1x196xi32>
    %ne3A_2641 = arith.constant 0 : i32
    %ne3A_2642 = vector.broadcast %ne3A_2641 : i32 to vector<1x196xi32>
    %ne3A_2643 = arith.cmpi ne, %rem3A_2640, %ne3A_2642 : vector<1x196xi32>
    %lt3A_2644 = arith.constant 0 : i32
    %lt3A_2645 = vector.broadcast %lt3A_2644 : i32 to vector<1x196xi32>
    %lt3A_2646 = arith.cmpi slt, %rem3A_2640, %lt3A_2645 : vector<1x196xi32>
    %lt3A_2647 = arith.constant 0 : i32
    %lt3A_2648 = arith.cmpi slt, %select_n3A_2638, %lt3A_2647 : i32
    %ne3A_2649 = vector.broadcast %lt3A_2648 : i1 to vector<1x196xi1>
    %ne3A_2650 = vector.broadcast %ne3A_2649 : vector<1x196xi1> to vector<1x196xi1>
    %ne3A_2651 = arith.xori %lt3A_2646, %ne3A_2650 : vector<1x196xi1>
    %and3A_2652 = arith.andi %ne3A_2651, %ne3A_2643 : vector<1x196xi1>
    %add3A_2653 = vector.broadcast %select_n3A_2638 : i32 to vector<1x196xi32>
    %add3A_2654 = arith.addi %rem3A_2640, %add3A_2653 : vector<1x196xi32>
    %select_n3A_2655 = arith.select %and3A_2652, %add3A_2654, %rem3A_2640 : vector<1x196xi1>, vector<1x196xi32>
    %convert_element_type3A_2656 = arith.sitofp %select_n3A_2655 : vector<1x196xi32> to vector<1x196xf32>
    %sub3A_2657 = vector.broadcast %min3A_2586 : vector<196x1xf32> to vector<196x196xf32>
    %sub3A_2658 = vector.broadcast %convert_element_type3A_2633 : vector<1x196xf32> to vector<196x196xf32>
    %sub3A_2659 = arith.subf %sub3A_2657, %sub3A_2658 : vector<196x196xf32>
    %abs3A_2660 = math.absf %sub3A_2659 : vector<196x196xf32>
    %sub3A_2661 = arith.constant 1.000000e+00 : f32
    %sub3A_2662 = vector.broadcast %sub3A_2661 : f32 to vector<196x196xf32>
    %sub3A_2663 = arith.subf %sub3A_2662, %abs3A_2660 : vector<196x196xf32>
    %max3A_2664 = arith.constant 0.000000e+00 : f32
    %max3A_2665 = vector.broadcast %max3A_2664 : f32 to vector<196x196xf32>
    %max3A_2666 = arith.maximumf %sub3A_2663, %max3A_2665 : vector<196x196xf32>
    %sub3A_2667 = vector.broadcast %min3A_2600 : vector<196x1xf32> to vector<196x196xf32>
    %sub3A_2668 = vector.broadcast %convert_element_type3A_2656 : vector<1x196xf32> to vector<196x196xf32>
    %sub3A_2669 = arith.subf %sub3A_2667, %sub3A_2668 : vector<196x196xf32>
    %abs3A_2670 = math.absf %sub3A_2669 : vector<196x196xf32>
    %sub3A_2671 = arith.constant 1.000000e+00 : f32
    %sub3A_2672 = vector.broadcast %sub3A_2671 : f32 to vector<196x196xf32>
    %sub3A_2673 = arith.subf %sub3A_2672, %abs3A_2670 : vector<196x196xf32>
    %max3A_2674 = arith.constant 0.000000e+00 : f32
    %max3A_2675 = vector.broadcast %max3A_2674 : f32 to vector<196x196xf32>
    %max3A_2676 = arith.maximumf %sub3A_2673, %max3A_2675 : vector<196x196xf32>
    %mul3A_2677 = arith.mulf %max3A_2666, %max3A_2676 : vector<196x196xf32>
    %convert_element_type3A_2678 = arith.truncf %mul3A_2677 : vector<196x196xf32> to vector<196x196xbf16>
    %get3A_2679 = arith.index_cast %get3A_2496 : i32 to index
    %get3A_2680 = arith.constant 0 : index
    %get3A_2681 = arith.constant 0 : index
    %get3A_2682 = vector.load %arg7[%get3A_2679, %get3A_2680, %get3A_2681] : memref<512x196x256xbf16, #tpu.memory_space<vmem>>, vector<1x196x256xbf16>
    %get3A_2683 = vector.shape_cast %get3A_2682 : vector<1x196x256xbf16> to vector<196x256xbf16>
    %dot_general3A_2684 = arith.constant dense<0.000000e+00> : vector<256x196xf32>
    %dot_general3A_2685 = tpu.matmul %get3A_2683, %convert_element_type3A_2678, %dot_general3A_2684 {dimension_numbers = #tpu.dot_dimension_numbers<[0], [1], [1], [0], [0, 1, 1, 0], [], []>, transpose_lhs_hint = false} : vector<196x256xbf16>, vector<196x196xbf16>, vector<256x196xf32> -> vector<256x196xf32>
    %swap3A_2686 = arith.constant 12 : index
    %swap3A_2687 = arith.constant 0 : index
    %swap3A_2688 = arith.constant 0 : index
    %swap3A_2689 = vector.load %arg6[%swap3A_2686, %swap3A_2687, %swap3A_2688] : memref<16x256x196xf32, #tpu.memory_space<vmem>>, vector<1x256x196xf32>
    %swap3A_2690 = vector.shape_cast %swap3A_2689 : vector<1x256x196xf32> to vector<256x196xf32>
    %swap3A_2691 = vector.shape_cast %dot_general3A_2685 : vector<256x196xf32> to vector<1x256x196xf32>
    tpu.vector_store %arg6[%swap3A_2686, %swap3A_2687, %swap3A_2688], %swap3A_2691 {strides = array<i32>} : memref<16x256x196xf32, #tpu.memory_space<vmem>>, vector<1x256x196xf32>,
    %mul3A_2692 = arith.constant 16 : i32
    %mul3A_2693 = arith.muli %arg0, %mul3A_2692 : i32
    %add3A_2694 = arith.constant 13 : i32
    %add3A_2695 = arith.addi %mul3A_2693, %add3A_2694 : i32
    %get3A_2696 = arith.index_cast %add3A_2695 : i32 to index
    %get3A_2697 = memref.load %arg1[%get3A_2696] : memref<512xi32, #tpu.memory_space<smem>>
    %get3A_2698 = arith.index_cast %get3A_2697 : i32 to index
    %get3A_2699 = arith.constant 0 : index
    %get3A_2700 = memref.load %arg2[%get3A_2698, %get3A_2699] : memref<512x4xf32, #tpu.memory_space<smem>>
    %mul3A_2701 = arith.constant 1.300000e+01 : f32
    %mul3A_2702 = arith.mulf %get3A_2700, %mul3A_2701 : f32
    %get3A_2703 = arith.index_cast %get3A_2697 : i32 to index
    %get3A_2704 = arith.constant 1 : index
    %get3A_2705 = memref.load %arg2[%get3A_2703, %get3A_2704] : memref<512x4xf32, #tpu.memory_space<smem>>
    %mul3A_2706 = arith.constant 1.300000e+01 : f32
    %mul3A_2707 = arith.mulf %get3A_2705, %mul3A_2706 : f32
    %get3A_2708 = arith.index_cast %get3A_2697 : i32 to index
    %get3A_2709 = arith.constant 2 : index
    %get3A_2710 = memref.load %arg2[%get3A_2708, %get3A_2709] : memref<512x4xf32, #tpu.memory_space<smem>>
    %mul3A_2711 = arith.constant 1.300000e+01 : f32
    %mul3A_2712 = arith.mulf %get3A_2710, %mul3A_2711 : f32
    %get3A_2713 = arith.index_cast %get3A_2697 : i32 to index
    %get3A_2714 = arith.constant 3 : index
    %get3A_2715 = memref.load %arg2[%get3A_2713, %get3A_2714] : memref<512x4xf32, #tpu.memory_space<smem>>
    %mul3A_2716 = arith.constant 1.300000e+01 : f32
    %mul3A_2717 = arith.mulf %get3A_2715, %mul3A_2716 : f32
    %iota3A_2718 = tpu.iota {dimensions = array<i32: 0>} : vector<196x1xi32>
    %jit3A_2719 = arith.constant 14 : i32
    %div3A_2720 = vector.broadcast %jit3A_2719 : i32 to vector<196x1xi32>
    %div3A_2721 = arith.divsi %iota3A_2718, %div3A_2720 : vector<196x1xi32>
    %sign3A_2722 = arith.constant 0 : i32
    %sign3A_2723 = vector.broadcast %sign3A_2722 : i32 to vector<196x1xi32>
    %sign3A_2724 = arith.cmpi sgt, %iota3A_2718, %sign3A_2723 : vector<196x1xi32>
    %sign3A_2725 = arith.extui %sign3A_2724 : vector<196x1xi1> to vector<196x1xi32>
    %sign3A_2726 = arith.constant 0 : i32
    %sign3A_2727 = vector.broadcast %sign3A_2726 : i32 to vector<196x1xi32>
    %sign3A_2728 = arith.cmpi slt, %iota3A_2718, %sign3A_2727 : vector<196x1xi32>
    %sign3A_2729 = arith.extui %sign3A_2728 : vector<196x1xi1> to vector<196x1xi32>
    %sign3A_2730 = arith.subi %sign3A_2725, %sign3A_2729 : vector<196x1xi32>
    %sign3A_2731 = arith.constant 0 : i32
    %sign3A_2732 = arith.cmpi sgt, %jit3A_2719, %sign3A_2731 : i32
    %sign3A_2733 = arith.extui %sign3A_2732 : i1 to i32
    %sign3A_2734 = arith.constant 0 : i32
    %sign3A_2735 = arith.cmpi slt, %jit3A_2719, %sign3A_2734 : i32
    %sign3A_2736 = arith.extui %sign3A_2735 : i1 to i32
    %sign3A_2737 = arith.subi %sign3A_2733, %sign3A_2736 : i32
    %ne3A_2738 = vector.broadcast %sign3A_2737 : i32 to vector<196x1xi32>
    %ne3A_2739 = arith.cmpi ne, %sign3A_2730, %ne3A_2738 : vector<196x1xi32>
    %rem3A_2740 = vector.broadcast %jit3A_2719 : i32 to vector<196x1xi32>
    %rem3A_2741 = arith.remsi %iota3A_2718, %rem3A_2740 : vector<196x1xi32>
    %ne3A_2742 = arith.constant 0 : i32
    %ne3A_2743 = vector.broadcast %ne3A_2742 : i32 to vector<196x1xi32>
    %ne3A_2744 = arith.cmpi ne, %rem3A_2741, %ne3A_2743 : vector<196x1xi32>
    %and3A_2745 = arith.andi %ne3A_2739, %ne3A_2744 : vector<196x1xi1>
    %sub3A_2746 = arith.constant 1 : i32
    %sub3A_2747 = vector.broadcast %sub3A_2746 : i32 to vector<196x1xi32>
    %sub3A_2748 = arith.subi %div3A_2721, %sub3A_2747 : vector<196x1xi32>
    %select_n3A_2749 = arith.select %and3A_2745, %sub3A_2748, %div3A_2721 : vector<196x1xi1>, vector<196x1xi32>
    %convert_element_type3A_2750 = arith.sitofp %select_n3A_2749 : vector<196x1xi32> to vector<196x1xf32>
    %jit3A_2751 = arith.constant 14 : i32
    %eq3A_2752 = arith.constant 0 : i32
    %eq3A_2753 = arith.cmpi eq, %jit3A_2751, %eq3A_2752 : i32
    %jit3A_2754 = arith.constant 1 : i32
    %select_n3A_2755 = arith.select %eq3A_2753, %jit3A_2754, %jit3A_2751 : i32
    %rem3A_2756 = vector.broadcast %select_n3A_2755 : i32 to vector<196x1xi32>
    %rem3A_2757 = arith.remsi %iota3A_2718, %rem3A_2756 : vector<196x1xi32>
    %ne3A_2758 = arith.constant 0 : i32
    %ne3A_2759 = vector.broadcast %ne3A_2758 : i32 to vector<196x1xi32>
    %ne3A_2760 = arith.cmpi ne, %rem3A_2757, %ne3A_2759 : vector<196x1xi32>
    %lt3A_2761 = arith.constant 0 : i32
    %lt3A_2762 = vector.broadcast %lt3A_2761 : i32 to vector<196x1xi32>
    %lt3A_2763 = arith.cmpi slt, %rem3A_2757, %lt3A_2762 : vector<196x1xi32>
    %lt3A_2764 = arith.constant 0 : i32
    %lt3A_2765 = arith.cmpi slt, %select_n3A_2755, %lt3A_2764 : i32
    %ne3A_2766 = vector.broadcast %lt3A_2765 : i1 to vector<196x1xi1>
    %ne3A_2767 = vector.broadcast %ne3A_2766 : vector<196x1xi1> to vector<196x1xi1>
    %ne3A_2768 = arith.xori %lt3A_2763, %ne3A_2767 : vector<196x1xi1>
    %and3A_2769 = arith.andi %ne3A_2768, %ne3A_2760 : vector<196x1xi1>
    %add3A_2770 = vector.broadcast %select_n3A_2755 : i32 to vector<196x1xi32>
    %add3A_2771 = arith.addi %rem3A_2757, %add3A_2770 : vector<196x1xi32>
    %select_n3A_2772 = arith.select %and3A_2769, %add3A_2771, %rem3A_2757 : vector<196x1xi1>, vector<196x1xi32>
    %convert_element_type3A_2773 = arith.sitofp %select_n3A_2772 : vector<196x1xi32> to vector<196x1xf32>
    %sub3A_2774 = arith.subf %mul3A_2717, %mul3A_2707 : f32
    %mul3A_2775 = arith.constant 0.0769230798 : f32
    %mul3A_2776 = vector.broadcast %mul3A_2775 : f32 to vector<196x1xf32>
    %mul3A_2777 = arith.mulf %convert_element_type3A_2750, %mul3A_2776 : vector<196x1xf32>
    %mul3A_2778 = vector.broadcast %sub3A_2774 : f32 to vector<196x1xf32>
    %mul3A_2779 = arith.mulf %mul3A_2778, %mul3A_2777 : vector<196x1xf32>
    %add3A_2780 = vector.broadcast %mul3A_2707 : f32 to vector<196x1xf32>
    %add3A_2781 = arith.addf %add3A_2780, %mul3A_2779 : vector<196x1xf32>
    %jit3A_2782 = arith.constant 0.000000e+00 : f32
    %jit3A_2783 = arith.constant 1.300000e+01 : f32
    %max3A_2784 = vector.broadcast %jit3A_2782 : f32 to vector<196x1xf32>
    %max3A_2785 = arith.maximumf %max3A_2784, %add3A_2781 : vector<196x1xf32>
    %min3A_2786 = vector.broadcast %jit3A_2783 : f32 to vector<196x1xf32>
    %min3A_2787 = arith.minimumf %min3A_2786, %max3A_2785 : vector<196x1xf32>
    %sub3A_2788 = arith.subf %mul3A_2712, %mul3A_2702 : f32
    %mul3A_2789 = arith.constant 0.0769230798 : f32
    %mul3A_2790 = vector.broadcast %mul3A_2789 : f32 to vector<196x1xf32>
    %mul3A_2791 = arith.mulf %convert_element_type3A_2773, %mul3A_2790 : vector<196x1xf32>
    %mul3A_2792 = vector.broadcast %sub3A_2788 : f32 to vector<196x1xf32>
    %mul3A_2793 = arith.mulf %mul3A_2792, %mul3A_2791 : vector<196x1xf32>
    %add3A_2794 = vector.broadcast %mul3A_2702 : f32 to vector<196x1xf32>
    %add3A_2795 = arith.addf %add3A_2794, %mul3A_2793 : vector<196x1xf32>
    %jit3A_2796 = arith.constant 0.000000e+00 : f32
    %jit3A_2797 = arith.constant 1.300000e+01 : f32
    %max3A_2798 = vector.broadcast %jit3A_2796 : f32 to vector<196x1xf32>
    %max3A_2799 = arith.maximumf %max3A_2798, %add3A_2795 : vector<196x1xf32>
    %min3A_2800 = vector.broadcast %jit3A_2797 : f32 to vector<196x1xf32>
    %min3A_2801 = arith.minimumf %min3A_2800, %max3A_2799 : vector<196x1xf32>
    %iota3A_2802 = tpu.iota {dimensions = array<i32: 1>} : vector<1x196xi32>
    %jit3A_2803 = arith.constant 14 : i32
    %div3A_2804 = vector.broadcast %jit3A_2803 : i32 to vector<1x196xi32>
    %div3A_2805 = arith.divsi %iota3A_2802, %div3A_2804 : vector<1x196xi32>
    %sign3A_2806 = arith.constant 0 : i32
    %sign3A_2807 = vector.broadcast %sign3A_2806 : i32 to vector<1x196xi32>
    %sign3A_2808 = arith.cmpi sgt, %iota3A_2802, %sign3A_2807 : vector<1x196xi32>
    %sign3A_2809 = arith.extui %sign3A_2808 : vector<1x196xi1> to vector<1x196xi32>
    %sign3A_2810 = arith.constant 0 : i32
    %sign3A_2811 = vector.broadcast %sign3A_2810 : i32 to vector<1x196xi32>
    %sign3A_2812 = arith.cmpi slt, %iota3A_2802, %sign3A_2811 : vector<1x196xi32>
    %sign3A_2813 = arith.extui %sign3A_2812 : vector<1x196xi1> to vector<1x196xi32>
    %sign3A_2814 = arith.subi %sign3A_2809, %sign3A_2813 : vector<1x196xi32>
    %sign3A_2815 = arith.constant 0 : i32
    %sign3A_2816 = arith.cmpi sgt, %jit3A_2803, %sign3A_2815 : i32
    %sign3A_2817 = arith.extui %sign3A_2816 : i1 to i32
    %sign3A_2818 = arith.constant 0 : i32
    %sign3A_2819 = arith.cmpi slt, %jit3A_2803, %sign3A_2818 : i32
    %sign3A_2820 = arith.extui %sign3A_2819 : i1 to i32
    %sign3A_2821 = arith.subi %sign3A_2817, %sign3A_2820 : i32
    %ne3A_2822 = vector.broadcast %sign3A_2821 : i32 to vector<1x196xi32>
    %ne3A_2823 = arith.cmpi ne, %sign3A_2814, %ne3A_2822 : vector<1x196xi32>
    %rem3A_2824 = vector.broadcast %jit3A_2803 : i32 to vector<1x196xi32>
    %rem3A_2825 = arith.remsi %iota3A_2802, %rem3A_2824 : vector<1x196xi32>
    %ne3A_2826 = arith.constant 0 : i32
    %ne3A_2827 = vector.broadcast %ne3A_2826 : i32 to vector<1x196xi32>
    %ne3A_2828 = arith.cmpi ne, %rem3A_2825, %ne3A_2827 : vector<1x196xi32>
    %and3A_2829 = arith.andi %ne3A_2823, %ne3A_2828 : vector<1x196xi1>
    %sub3A_2830 = arith.constant 1 : i32
    %sub3A_2831 = vector.broadcast %sub3A_2830 : i32 to vector<1x196xi32>
    %sub3A_2832 = arith.subi %div3A_2805, %sub3A_2831 : vector<1x196xi32>
    %select_n3A_2833 = arith.select %and3A_2829, %sub3A_2832, %div3A_2805 : vector<1x196xi1>, vector<1x196xi32>
    %convert_element_type3A_2834 = arith.sitofp %select_n3A_2833 : vector<1x196xi32> to vector<1x196xf32>
    %jit3A_2835 = arith.constant 14 : i32
    %eq3A_2836 = arith.constant 0 : i32
    %eq3A_2837 = arith.cmpi eq, %jit3A_2835, %eq3A_2836 : i32
    %jit3A_2838 = arith.constant 1 : i32
    %select_n3A_2839 = arith.select %eq3A_2837, %jit3A_2838, %jit3A_2835 : i32
    %rem3A_2840 = vector.broadcast %select_n3A_2839 : i32 to vector<1x196xi32>
    %rem3A_2841 = arith.remsi %iota3A_2802, %rem3A_2840 : vector<1x196xi32>
    %ne3A_2842 = arith.constant 0 : i32
    %ne3A_2843 = vector.broadcast %ne3A_2842 : i32 to vector<1x196xi32>
    %ne3A_2844 = arith.cmpi ne, %rem3A_2841, %ne3A_2843 : vector<1x196xi32>
    %lt3A_2845 = arith.constant 0 : i32
    %lt3A_2846 = vector.broadcast %lt3A_2845 : i32 to vector<1x196xi32>
    %lt3A_2847 = arith.cmpi slt, %rem3A_2841, %lt3A_2846 : vector<1x196xi32>
    %lt3A_2848 = arith.constant 0 : i32
    %lt3A_2849 = arith.cmpi slt, %select_n3A_2839, %lt3A_2848 : i32
    %ne3A_2850 = vector.broadcast %lt3A_2849 : i1 to vector<1x196xi1>
    %ne3A_2851 = vector.broadcast %ne3A_2850 : vector<1x196xi1> to vector<1x196xi1>
    %ne3A_2852 = arith.xori %lt3A_2847, %ne3A_2851 : vector<1x196xi1>
    %and3A_2853 = arith.andi %ne3A_2852, %ne3A_2844 : vector<1x196xi1>
    %add3A_2854 = vector.broadcast %select_n3A_2839 : i32 to vector<1x196xi32>
    %add3A_2855 = arith.addi %rem3A_2841, %add3A_2854 : vector<1x196xi32>
    %select_n3A_2856 = arith.select %and3A_2853, %add3A_2855, %rem3A_2841 : vector<1x196xi1>, vector<1x196xi32>
    %convert_element_type3A_2857 = arith.sitofp %select_n3A_2856 : vector<1x196xi32> to vector<1x196xf32>
    %sub3A_2858 = vector.broadcast %min3A_2787 : vector<196x1xf32> to vector<196x196xf32>
    %sub3A_2859 = vector.broadcast %convert_element_type3A_2834 : vector<1x196xf32> to vector<196x196xf32>
    %sub3A_2860 = arith.subf %sub3A_2858, %sub3A_2859 : vector<196x196xf32>
    %abs3A_2861 = math.absf %sub3A_2860 : vector<196x196xf32>
    %sub3A_2862 = arith.constant 1.000000e+00 : f32
    %sub3A_2863 = vector.broadcast %sub3A_2862 : f32 to vector<196x196xf32>
    %sub3A_2864 = arith.subf %sub3A_2863, %abs3A_2861 : vector<196x196xf32>
    %max3A_2865 = arith.constant 0.000000e+00 : f32
    %max3A_2866 = vector.broadcast %max3A_2865 : f32 to vector<196x196xf32>
    %max3A_2867 = arith.maximumf %sub3A_2864, %max3A_2866 : vector<196x196xf32>
    %sub3A_2868 = vector.broadcast %min3A_2801 : vector<196x1xf32> to vector<196x196xf32>
    %sub3A_2869 = vector.broadcast %convert_element_type3A_2857 : vector<1x196xf32> to vector<196x196xf32>
    %sub3A_2870 = arith.subf %sub3A_2868, %sub3A_2869 : vector<196x196xf32>
    %abs3A_2871 = math.absf %sub3A_2870 : vector<196x196xf32>
    %sub3A_2872 = arith.constant 1.000000e+00 : f32
    %sub3A_2873 = vector.broadcast %sub3A_2872 : f32 to vector<196x196xf32>
    %sub3A_2874 = arith.subf %sub3A_2873, %abs3A_2871 : vector<196x196xf32>
    %max3A_2875 = arith.constant 0.000000e+00 : f32
    %max3A_2876 = vector.broadcast %max3A_2875 : f32 to vector<196x196xf32>
    %max3A_2877 = arith.maximumf %sub3A_2874, %max3A_2876 : vector<196x196xf32>
    %mul3A_2878 = arith.mulf %max3A_2867, %max3A_2877 : vector<196x196xf32>
    %convert_element_type3A_2879 = arith.truncf %mul3A_2878 : vector<196x196xf32> to vector<196x196xbf16>
    %get3A_2880 = arith.index_cast %get3A_2697 : i32 to index
    %get3A_2881 = arith.constant 0 : index
    %get3A_2882 = arith.constant 0 : index
    %get3A_2883 = vector.load %arg7[%get3A_2880, %get3A_2881, %get3A_2882] : memref<512x196x256xbf16, #tpu.memory_space<vmem>>, vector<1x196x256xbf16>
    %get3A_2884 = vector.shape_cast %get3A_2883 : vector<1x196x256xbf16> to vector<196x256xbf16>
    %dot_general3A_2885 = arith.constant dense<0.000000e+00> : vector<256x196xf32>
    %dot_general3A_2886 = tpu.matmul %get3A_2884, %convert_element_type3A_2879, %dot_general3A_2885 {dimension_numbers = #tpu.dot_dimension_numbers<[0], [1], [1], [0], [0, 1, 1, 0], [], []>, transpose_lhs_hint = false} : vector<196x256xbf16>, vector<196x196xbf16>, vector<256x196xf32> -> vector<256x196xf32>
    %swap3A_2887 = arith.constant 13 : index
    %swap3A_2888 = arith.constant 0 : index
    %swap3A_2889 = arith.constant 0 : index
    %swap3A_2890 = vector.load %arg6[%swap3A_2887, %swap3A_2888, %swap3A_2889] : memref<16x256x196xf32, #tpu.memory_space<vmem>>, vector<1x256x196xf32>
    %swap3A_2891 = vector.shape_cast %swap3A_2890 : vector<1x256x196xf32> to vector<256x196xf32>
    %swap3A_2892 = vector.shape_cast %dot_general3A_2886 : vector<256x196xf32> to vector<1x256x196xf32>
    tpu.vector_store %arg6[%swap3A_2887, %swap3A_2888, %swap3A_2889], %swap3A_2892 {strides = array<i32>} : memref<16x256x196xf32, #tpu.memory_space<vmem>>, vector<1x256x196xf32>,
    %mul3A_2893 = arith.constant 16 : i32
    %mul3A_2894 = arith.muli %arg0, %mul3A_2893 : i32
    %add3A_2895 = arith.constant 14 : i32
    %add3A_2896 = arith.addi %mul3A_2894, %add3A_2895 : i32
    %get3A_2897 = arith.index_cast %add3A_2896 : i32 to index
    %get3A_2898 = memref.load %arg1[%get3A_2897] : memref<512xi32, #tpu.memory_space<smem>>
    %get3A_2899 = arith.index_cast %get3A_2898 : i32 to index
    %get3A_2900 = arith.constant 0 : index
    %get3A_2901 = memref.load %arg2[%get3A_2899, %get3A_2900] : memref<512x4xf32, #tpu.memory_space<smem>>
    %mul3A_2902 = arith.constant 1.300000e+01 : f32
    %mul3A_2903 = arith.mulf %get3A_2901, %mul3A_2902 : f32
    %get3A_2904 = arith.index_cast %get3A_2898 : i32 to index
    %get3A_2905 = arith.constant 1 : index
    %get3A_2906 = memref.load %arg2[%get3A_2904, %get3A_2905] : memref<512x4xf32, #tpu.memory_space<smem>>
    %mul3A_2907 = arith.constant 1.300000e+01 : f32
    %mul3A_2908 = arith.mulf %get3A_2906, %mul3A_2907 : f32
    %get3A_2909 = arith.index_cast %get3A_2898 : i32 to index
    %get3A_2910 = arith.constant 2 : index
    %get3A_2911 = memref.load %arg2[%get3A_2909, %get3A_2910] : memref<512x4xf32, #tpu.memory_space<smem>>
    %mul3A_2912 = arith.constant 1.300000e+01 : f32
    %mul3A_2913 = arith.mulf %get3A_2911, %mul3A_2912 : f32
    %get3A_2914 = arith.index_cast %get3A_2898 : i32 to index
    %get3A_2915 = arith.constant 3 : index
    %get3A_2916 = memref.load %arg2[%get3A_2914, %get3A_2915] : memref<512x4xf32, #tpu.memory_space<smem>>
    %mul3A_2917 = arith.constant 1.300000e+01 : f32
    %mul3A_2918 = arith.mulf %get3A_2916, %mul3A_2917 : f32
    %iota3A_2919 = tpu.iota {dimensions = array<i32: 0>} : vector<196x1xi32>
    %jit3A_2920 = arith.constant 14 : i32
    %div3A_2921 = vector.broadcast %jit3A_2920 : i32 to vector<196x1xi32>
    %div3A_2922 = arith.divsi %iota3A_2919, %div3A_2921 : vector<196x1xi32>
    %sign3A_2923 = arith.constant 0 : i32
    %sign3A_2924 = vector.broadcast %sign3A_2923 : i32 to vector<196x1xi32>
    %sign3A_2925 = arith.cmpi sgt, %iota3A_2919, %sign3A_2924 : vector<196x1xi32>
    %sign3A_2926 = arith.extui %sign3A_2925 : vector<196x1xi1> to vector<196x1xi32>
    %sign3A_2927 = arith.constant 0 : i32
    %sign3A_2928 = vector.broadcast %sign3A_2927 : i32 to vector<196x1xi32>
    %sign3A_2929 = arith.cmpi slt, %iota3A_2919, %sign3A_2928 : vector<196x1xi32>
    %sign3A_2930 = arith.extui %sign3A_2929 : vector<196x1xi1> to vector<196x1xi32>
    %sign3A_2931 = arith.subi %sign3A_2926, %sign3A_2930 : vector<196x1xi32>
    %sign3A_2932 = arith.constant 0 : i32
    %sign3A_2933 = arith.cmpi sgt, %jit3A_2920, %sign3A_2932 : i32
    %sign3A_2934 = arith.extui %sign3A_2933 : i1 to i32
    %sign3A_2935 = arith.constant 0 : i32
    %sign3A_2936 = arith.cmpi slt, %jit3A_2920, %sign3A_2935 : i32
    %sign3A_2937 = arith.extui %sign3A_2936 : i1 to i32
    %sign3A_2938 = arith.subi %sign3A_2934, %sign3A_2937 : i32
    %ne3A_2939 = vector.broadcast %sign3A_2938 : i32 to vector<196x1xi32>
    %ne3A_2940 = arith.cmpi ne, %sign3A_2931, %ne3A_2939 : vector<196x1xi32>
    %rem3A_2941 = vector.broadcast %jit3A_2920 : i32 to vector<196x1xi32>
    %rem3A_2942 = arith.remsi %iota3A_2919, %rem3A_2941 : vector<196x1xi32>
    %ne3A_2943 = arith.constant 0 : i32
    %ne3A_2944 = vector.broadcast %ne3A_2943 : i32 to vector<196x1xi32>
    %ne3A_2945 = arith.cmpi ne, %rem3A_2942, %ne3A_2944 : vector<196x1xi32>
    %and3A_2946 = arith.andi %ne3A_2940, %ne3A_2945 : vector<196x1xi1>
    %sub3A_2947 = arith.constant 1 : i32
    %sub3A_2948 = vector.broadcast %sub3A_2947 : i32 to vector<196x1xi32>
    %sub3A_2949 = arith.subi %div3A_2922, %sub3A_2948 : vector<196x1xi32>
    %select_n3A_2950 = arith.select %and3A_2946, %sub3A_2949, %div3A_2922 : vector<196x1xi1>, vector<196x1xi32>
    %convert_element_type3A_2951 = arith.sitofp %select_n3A_2950 : vector<196x1xi32> to vector<196x1xf32>
    %jit3A_2952 = arith.constant 14 : i32
    %eq3A_2953 = arith.constant 0 : i32
    %eq3A_2954 = arith.cmpi eq, %jit3A_2952, %eq3A_2953 : i32
    %jit3A_2955 = arith.constant 1 : i32
    %select_n3A_2956 = arith.select %eq3A_2954, %jit3A_2955, %jit3A_2952 : i32
    %rem3A_2957 = vector.broadcast %select_n3A_2956 : i32 to vector<196x1xi32>
    %rem3A_2958 = arith.remsi %iota3A_2919, %rem3A_2957 : vector<196x1xi32>
    %ne3A_2959 = arith.constant 0 : i32
    %ne3A_2960 = vector.broadcast %ne3A_2959 : i32 to vector<196x1xi32>
    %ne3A_2961 = arith.cmpi ne, %rem3A_2958, %ne3A_2960 : vector<196x1xi32>
    %lt3A_2962 = arith.constant 0 : i32
    %lt3A_2963 = vector.broadcast %lt3A_2962 : i32 to vector<196x1xi32>
    %lt3A_2964 = arith.cmpi slt, %rem3A_2958, %lt3A_2963 : vector<196x1xi32>
    %lt3A_2965 = arith.constant 0 : i32
    %lt3A_2966 = arith.cmpi slt, %select_n3A_2956, %lt3A_2965 : i32
    %ne3A_2967 = vector.broadcast %lt3A_2966 : i1 to vector<196x1xi1>
    %ne3A_2968 = vector.broadcast %ne3A_2967 : vector<196x1xi1> to vector<196x1xi1>
    %ne3A_2969 = arith.xori %lt3A_2964, %ne3A_2968 : vector<196x1xi1>
    %and3A_2970 = arith.andi %ne3A_2969, %ne3A_2961 : vector<196x1xi1>
    %add3A_2971 = vector.broadcast %select_n3A_2956 : i32 to vector<196x1xi32>
    %add3A_2972 = arith.addi %rem3A_2958, %add3A_2971 : vector<196x1xi32>
    %select_n3A_2973 = arith.select %and3A_2970, %add3A_2972, %rem3A_2958 : vector<196x1xi1>, vector<196x1xi32>
    %convert_element_type3A_2974 = arith.sitofp %select_n3A_2973 : vector<196x1xi32> to vector<196x1xf32>
    %sub3A_2975 = arith.subf %mul3A_2918, %mul3A_2908 : f32
    %mul3A_2976 = arith.constant 0.0769230798 : f32
    %mul3A_2977 = vector.broadcast %mul3A_2976 : f32 to vector<196x1xf32>
    %mul3A_2978 = arith.mulf %convert_element_type3A_2951, %mul3A_2977 : vector<196x1xf32>
    %mul3A_2979 = vector.broadcast %sub3A_2975 : f32 to vector<196x1xf32>
    %mul3A_2980 = arith.mulf %mul3A_2979, %mul3A_2978 : vector<196x1xf32>
    %add3A_2981 = vector.broadcast %mul3A_2908 : f32 to vector<196x1xf32>
    %add3A_2982 = arith.addf %add3A_2981, %mul3A_2980 : vector<196x1xf32>
    %jit3A_2983 = arith.constant 0.000000e+00 : f32
    %jit3A_2984 = arith.constant 1.300000e+01 : f32
    %max3A_2985 = vector.broadcast %jit3A_2983 : f32 to vector<196x1xf32>
    %max3A_2986 = arith.maximumf %max3A_2985, %add3A_2982 : vector<196x1xf32>
    %min3A_2987 = vector.broadcast %jit3A_2984 : f32 to vector<196x1xf32>
    %min3A_2988 = arith.minimumf %min3A_2987, %max3A_2986 : vector<196x1xf32>
    %sub3A_2989 = arith.subf %mul3A_2913, %mul3A_2903 : f32
    %mul3A_2990 = arith.constant 0.0769230798 : f32
    %mul3A_2991 = vector.broadcast %mul3A_2990 : f32 to vector<196x1xf32>
    %mul3A_2992 = arith.mulf %convert_element_type3A_2974, %mul3A_2991 : vector<196x1xf32>
    %mul3A_2993 = vector.broadcast %sub3A_2989 : f32 to vector<196x1xf32>
    %mul3A_2994 = arith.mulf %mul3A_2993, %mul3A_2992 : vector<196x1xf32>
    %add3A_2995 = vector.broadcast %mul3A_2903 : f32 to vector<196x1xf32>
    %add3A_2996 = arith.addf %add3A_2995, %mul3A_2994 : vector<196x1xf32>
    %jit3A_2997 = arith.constant 0.000000e+00 : f32
    %jit3A_2998 = arith.constant 1.300000e+01 : f32
    %max3A_2999 = vector.broadcast %jit3A_2997 : f32 to vector<196x1xf32>
    %max3A_3000 = arith.maximumf %max3A_2999, %add3A_2996 : vector<196x1xf32>
    %min3A_3001 = vector.broadcast %jit3A_2998 : f32 to vector<196x1xf32>
    %min3A_3002 = arith.minimumf %min3A_3001, %max3A_3000 : vector<196x1xf32>
    %iota3A_3003 = tpu.iota {dimensions = array<i32: 1>} : vector<1x196xi32>
    %jit3A_3004 = arith.constant 14 : i32
    %div3A_3005 = vector.broadcast %jit3A_3004 : i32 to vector<1x196xi32>
    %div3A_3006 = arith.divsi %iota3A_3003, %div3A_3005 : vector<1x196xi32>
    %sign3A_3007 = arith.constant 0 : i32
    %sign3A_3008 = vector.broadcast %sign3A_3007 : i32 to vector<1x196xi32>
    %sign3A_3009 = arith.cmpi sgt, %iota3A_3003, %sign3A_3008 : vector<1x196xi32>
    %sign3A_3010 = arith.extui %sign3A_3009 : vector<1x196xi1> to vector<1x196xi32>
    %sign3A_3011 = arith.constant 0 : i32
    %sign3A_3012 = vector.broadcast %sign3A_3011 : i32 to vector<1x196xi32>
    %sign3A_3013 = arith.cmpi slt, %iota3A_3003, %sign3A_3012 : vector<1x196xi32>
    %sign3A_3014 = arith.extui %sign3A_3013 : vector<1x196xi1> to vector<1x196xi32>
    %sign3A_3015 = arith.subi %sign3A_3010, %sign3A_3014 : vector<1x196xi32>
    %sign3A_3016 = arith.constant 0 : i32
    %sign3A_3017 = arith.cmpi sgt, %jit3A_3004, %sign3A_3016 : i32
    %sign3A_3018 = arith.extui %sign3A_3017 : i1 to i32
    %sign3A_3019 = arith.constant 0 : i32
    %sign3A_3020 = arith.cmpi slt, %jit3A_3004, %sign3A_3019 : i32
    %sign3A_3021 = arith.extui %sign3A_3020 : i1 to i32
    %sign3A_3022 = arith.subi %sign3A_3018, %sign3A_3021 : i32
    %ne3A_3023 = vector.broadcast %sign3A_3022 : i32 to vector<1x196xi32>
    %ne3A_3024 = arith.cmpi ne, %sign3A_3015, %ne3A_3023 : vector<1x196xi32>
    %rem3A_3025 = vector.broadcast %jit3A_3004 : i32 to vector<1x196xi32>
    %rem3A_3026 = arith.remsi %iota3A_3003, %rem3A_3025 : vector<1x196xi32>
    %ne3A_3027 = arith.constant 0 : i32
    %ne3A_3028 = vector.broadcast %ne3A_3027 : i32 to vector<1x196xi32>
    %ne3A_3029 = arith.cmpi ne, %rem3A_3026, %ne3A_3028 : vector<1x196xi32>
    %and3A_3030 = arith.andi %ne3A_3024, %ne3A_3029 : vector<1x196xi1>
    %sub3A_3031 = arith.constant 1 : i32
    %sub3A_3032 = vector.broadcast %sub3A_3031 : i32 to vector<1x196xi32>
    %sub3A_3033 = arith.subi %div3A_3006, %sub3A_3032 : vector<1x196xi32>
    %select_n3A_3034 = arith.select %and3A_3030, %sub3A_3033, %div3A_3006 : vector<1x196xi1>, vector<1x196xi32>
    %convert_element_type3A_3035 = arith.sitofp %select_n3A_3034 : vector<1x196xi32> to vector<1x196xf32>
    %jit3A_3036 = arith.constant 14 : i32
    %eq3A_3037 = arith.constant 0 : i32
    %eq3A_3038 = arith.cmpi eq, %jit3A_3036, %eq3A_3037 : i32
    %jit3A_3039 = arith.constant 1 : i32
    %select_n3A_3040 = arith.select %eq3A_3038, %jit3A_3039, %jit3A_3036 : i32
    %rem3A_3041 = vector.broadcast %select_n3A_3040 : i32 to vector<1x196xi32>
    %rem3A_3042 = arith.remsi %iota3A_3003, %rem3A_3041 : vector<1x196xi32>
    %ne3A_3043 = arith.constant 0 : i32
    %ne3A_3044 = vector.broadcast %ne3A_3043 : i32 to vector<1x196xi32>
    %ne3A_3045 = arith.cmpi ne, %rem3A_3042, %ne3A_3044 : vector<1x196xi32>
    %lt3A_3046 = arith.constant 0 : i32
    %lt3A_3047 = vector.broadcast %lt3A_3046 : i32 to vector<1x196xi32>
    %lt3A_3048 = arith.cmpi slt, %rem3A_3042, %lt3A_3047 : vector<1x196xi32>
    %lt3A_3049 = arith.constant 0 : i32
    %lt3A_3050 = arith.cmpi slt, %select_n3A_3040, %lt3A_3049 : i32
    %ne3A_3051 = vector.broadcast %lt3A_3050 : i1 to vector<1x196xi1>
    %ne3A_3052 = vector.broadcast %ne3A_3051 : vector<1x196xi1> to vector<1x196xi1>
    %ne3A_3053 = arith.xori %lt3A_3048, %ne3A_3052 : vector<1x196xi1>
    %and3A_3054 = arith.andi %ne3A_3053, %ne3A_3045 : vector<1x196xi1>
    %add3A_3055 = vector.broadcast %select_n3A_3040 : i32 to vector<1x196xi32>
    %add3A_3056 = arith.addi %rem3A_3042, %add3A_3055 : vector<1x196xi32>
    %select_n3A_3057 = arith.select %and3A_3054, %add3A_3056, %rem3A_3042 : vector<1x196xi1>, vector<1x196xi32>
    %convert_element_type3A_3058 = arith.sitofp %select_n3A_3057 : vector<1x196xi32> to vector<1x196xf32>
    %sub3A_3059 = vector.broadcast %min3A_2988 : vector<196x1xf32> to vector<196x196xf32>
    %sub3A_3060 = vector.broadcast %convert_element_type3A_3035 : vector<1x196xf32> to vector<196x196xf32>
    %sub3A_3061 = arith.subf %sub3A_3059, %sub3A_3060 : vector<196x196xf32>
    %abs3A_3062 = math.absf %sub3A_3061 : vector<196x196xf32>
    %sub3A_3063 = arith.constant 1.000000e+00 : f32
    %sub3A_3064 = vector.broadcast %sub3A_3063 : f32 to vector<196x196xf32>
    %sub3A_3065 = arith.subf %sub3A_3064, %abs3A_3062 : vector<196x196xf32>
    %max3A_3066 = arith.constant 0.000000e+00 : f32
    %max3A_3067 = vector.broadcast %max3A_3066 : f32 to vector<196x196xf32>
    %max3A_3068 = arith.maximumf %sub3A_3065, %max3A_3067 : vector<196x196xf32>
    %sub3A_3069 = vector.broadcast %min3A_3002 : vector<196x1xf32> to vector<196x196xf32>
    %sub3A_3070 = vector.broadcast %convert_element_type3A_3058 : vector<1x196xf32> to vector<196x196xf32>
    %sub3A_3071 = arith.subf %sub3A_3069, %sub3A_3070 : vector<196x196xf32>
    %abs3A_3072 = math.absf %sub3A_3071 : vector<196x196xf32>
    %sub3A_3073 = arith.constant 1.000000e+00 : f32
    %sub3A_3074 = vector.broadcast %sub3A_3073 : f32 to vector<196x196xf32>
    %sub3A_3075 = arith.subf %sub3A_3074, %abs3A_3072 : vector<196x196xf32>
    %max3A_3076 = arith.constant 0.000000e+00 : f32
    %max3A_3077 = vector.broadcast %max3A_3076 : f32 to vector<196x196xf32>
    %max3A_3078 = arith.maximumf %sub3A_3075, %max3A_3077 : vector<196x196xf32>
    %mul3A_3079 = arith.mulf %max3A_3068, %max3A_3078 : vector<196x196xf32>
    %convert_element_type3A_3080 = arith.truncf %mul3A_3079 : vector<196x196xf32> to vector<196x196xbf16>
    %get3A_3081 = arith.index_cast %get3A_2898 : i32 to index
    %get3A_3082 = arith.constant 0 : index
    %get3A_3083 = arith.constant 0 : index
    %get3A_3084 = vector.load %arg7[%get3A_3081, %get3A_3082, %get3A_3083] : memref<512x196x256xbf16, #tpu.memory_space<vmem>>, vector<1x196x256xbf16>
    %get3A_3085 = vector.shape_cast %get3A_3084 : vector<1x196x256xbf16> to vector<196x256xbf16>
    %dot_general3A_3086 = arith.constant dense<0.000000e+00> : vector<256x196xf32>
    %dot_general3A_3087 = tpu.matmul %get3A_3085, %convert_element_type3A_3080, %dot_general3A_3086 {dimension_numbers = #tpu.dot_dimension_numbers<[0], [1], [1], [0], [0, 1, 1, 0], [], []>, transpose_lhs_hint = false} : vector<196x256xbf16>, vector<196x196xbf16>, vector<256x196xf32> -> vector<256x196xf32>
    %swap3A_3088 = arith.constant 14 : index
    %swap3A_3089 = arith.constant 0 : index
    %swap3A_3090 = arith.constant 0 : index
    %swap3A_3091 = vector.load %arg6[%swap3A_3088, %swap3A_3089, %swap3A_3090] : memref<16x256x196xf32, #tpu.memory_space<vmem>>, vector<1x256x196xf32>
    %swap3A_3092 = vector.shape_cast %swap3A_3091 : vector<1x256x196xf32> to vector<256x196xf32>
    %swap3A_3093 = vector.shape_cast %dot_general3A_3087 : vector<256x196xf32> to vector<1x256x196xf32>
    tpu.vector_store %arg6[%swap3A_3088, %swap3A_3089, %swap3A_3090], %swap3A_3093 {strides = array<i32>} : memref<16x256x196xf32, #tpu.memory_space<vmem>>, vector<1x256x196xf32>,
    %mul3A_3094 = arith.constant 16 : i32
    %mul3A_3095 = arith.muli %arg0, %mul3A_3094 : i32
    %add3A_3096 = arith.constant 15 : i32
    %add3A_3097 = arith.addi %mul3A_3095, %add3A_3096 : i32
    %get3A_3098 = arith.index_cast %add3A_3097 : i32 to index
    %get3A_3099 = memref.load %arg1[%get3A_3098] : memref<512xi32, #tpu.memory_space<smem>>
    %get3A_3100 = arith.index_cast %get3A_3099 : i32 to index
    %get3A_3101 = arith.constant 0 : index
    %get3A_3102 = memref.load %arg2[%get3A_3100, %get3A_3101] : memref<512x4xf32, #tpu.memory_space<smem>>
    %mul3A_3103 = arith.constant 1.300000e+01 : f32
    %mul3A_3104 = arith.mulf %get3A_3102, %mul3A_3103 : f32
    %get3A_3105 = arith.index_cast %get3A_3099 : i32 to index
    %get3A_3106 = arith.constant 1 : index
    %get3A_3107 = memref.load %arg2[%get3A_3105, %get3A_3106] : memref<512x4xf32, #tpu.memory_space<smem>>
    %mul3A_3108 = arith.constant 1.300000e+01 : f32
    %mul3A_3109 = arith.mulf %get3A_3107, %mul3A_3108 : f32
    %get3A_3110 = arith.index_cast %get3A_3099 : i32 to index
    %get3A_3111 = arith.constant 2 : index
    %get3A_3112 = memref.load %arg2[%get3A_3110, %get3A_3111] : memref<512x4xf32, #tpu.memory_space<smem>>
    %mul3A_3113 = arith.constant 1.300000e+01 : f32
    %mul3A_3114 = arith.mulf %get3A_3112, %mul3A_3113 : f32
    %get3A_3115 = arith.index_cast %get3A_3099 : i32 to index
    %get3A_3116 = arith.constant 3 : index
    %get3A_3117 = memref.load %arg2[%get3A_3115, %get3A_3116] : memref<512x4xf32, #tpu.memory_space<smem>>
    %mul3A_3118 = arith.constant 1.300000e+01 : f32
    %mul3A_3119 = arith.mulf %get3A_3117, %mul3A_3118 : f32
    %iota3A_3120 = tpu.iota {dimensions = array<i32: 0>} : vector<196x1xi32>
    %jit3A_3121 = arith.constant 14 : i32
    %div3A_3122 = vector.broadcast %jit3A_3121 : i32 to vector<196x1xi32>
    %div3A_3123 = arith.divsi %iota3A_3120, %div3A_3122 : vector<196x1xi32>
    %sign3A_3124 = arith.constant 0 : i32
    %sign3A_3125 = vector.broadcast %sign3A_3124 : i32 to vector<196x1xi32>
    %sign3A_3126 = arith.cmpi sgt, %iota3A_3120, %sign3A_3125 : vector<196x1xi32>
    %sign3A_3127 = arith.extui %sign3A_3126 : vector<196x1xi1> to vector<196x1xi32>
    %sign3A_3128 = arith.constant 0 : i32
    %sign3A_3129 = vector.broadcast %sign3A_3128 : i32 to vector<196x1xi32>
    %sign3A_3130 = arith.cmpi slt, %iota3A_3120, %sign3A_3129 : vector<196x1xi32>
    %sign3A_3131 = arith.extui %sign3A_3130 : vector<196x1xi1> to vector<196x1xi32>
    %sign3A_3132 = arith.subi %sign3A_3127, %sign3A_3131 : vector<196x1xi32>
    %sign3A_3133 = arith.constant 0 : i32
    %sign3A_3134 = arith.cmpi sgt, %jit3A_3121, %sign3A_3133 : i32
    %sign3A_3135 = arith.extui %sign3A_3134 : i1 to i32
    %sign3A_3136 = arith.constant 0 : i32
    %sign3A_3137 = arith.cmpi slt, %jit3A_3121, %sign3A_3136 : i32
    %sign3A_3138 = arith.extui %sign3A_3137 : i1 to i32
    %sign3A_3139 = arith.subi %sign3A_3135, %sign3A_3138 : i32
    %ne3A_3140 = vector.broadcast %sign3A_3139 : i32 to vector<196x1xi32>
    %ne3A_3141 = arith.cmpi ne, %sign3A_3132, %ne3A_3140 : vector<196x1xi32>
    %rem3A_3142 = vector.broadcast %jit3A_3121 : i32 to vector<196x1xi32>
    %rem3A_3143 = arith.remsi %iota3A_3120, %rem3A_3142 : vector<196x1xi32>
    %ne3A_3144 = arith.constant 0 : i32
    %ne3A_3145 = vector.broadcast %ne3A_3144 : i32 to vector<196x1xi32>
    %ne3A_3146 = arith.cmpi ne, %rem3A_3143, %ne3A_3145 : vector<196x1xi32>
    %and3A_3147 = arith.andi %ne3A_3141, %ne3A_3146 : vector<196x1xi1>
    %sub3A_3148 = arith.constant 1 : i32
    %sub3A_3149 = vector.broadcast %sub3A_3148 : i32 to vector<196x1xi32>
    %sub3A_3150 = arith.subi %div3A_3123, %sub3A_3149 : vector<196x1xi32>
    %select_n3A_3151 = arith.select %and3A_3147, %sub3A_3150, %div3A_3123 : vector<196x1xi1>, vector<196x1xi32>
    %convert_element_type3A_3152 = arith.sitofp %select_n3A_3151 : vector<196x1xi32> to vector<196x1xf32>
    %jit3A_3153 = arith.constant 14 : i32
    %eq3A_3154 = arith.constant 0 : i32
    %eq3A_3155 = arith.cmpi eq, %jit3A_3153, %eq3A_3154 : i32
    %jit3A_3156 = arith.constant 1 : i32
    %select_n3A_3157 = arith.select %eq3A_3155, %jit3A_3156, %jit3A_3153 : i32
    %rem3A_3158 = vector.broadcast %select_n3A_3157 : i32 to vector<196x1xi32>
    %rem3A_3159 = arith.remsi %iota3A_3120, %rem3A_3158 : vector<196x1xi32>
    %ne3A_3160 = arith.constant 0 : i32
    %ne3A_3161 = vector.broadcast %ne3A_3160 : i32 to vector<196x1xi32>
    %ne3A_3162 = arith.cmpi ne, %rem3A_3159, %ne3A_3161 : vector<196x1xi32>
    %lt3A_3163 = arith.constant 0 : i32
    %lt3A_3164 = vector.broadcast %lt3A_3163 : i32 to vector<196x1xi32>
    %lt3A_3165 = arith.cmpi slt, %rem3A_3159, %lt3A_3164 : vector<196x1xi32>
    %lt3A_3166 = arith.constant 0 : i32
    %lt3A_3167 = arith.cmpi slt, %select_n3A_3157, %lt3A_3166 : i32
    %ne3A_3168 = vector.broadcast %lt3A_3167 : i1 to vector<196x1xi1>
    %ne3A_3169 = vector.broadcast %ne3A_3168 : vector<196x1xi1> to vector<196x1xi1>
    %ne3A_3170 = arith.xori %lt3A_3165, %ne3A_3169 : vector<196x1xi1>
    %and3A_3171 = arith.andi %ne3A_3170, %ne3A_3162 : vector<196x1xi1>
    %add3A_3172 = vector.broadcast %select_n3A_3157 : i32 to vector<196x1xi32>
    %add3A_3173 = arith.addi %rem3A_3159, %add3A_3172 : vector<196x1xi32>
    %select_n3A_3174 = arith.select %and3A_3171, %add3A_3173, %rem3A_3159 : vector<196x1xi1>, vector<196x1xi32>
    %convert_element_type3A_3175 = arith.sitofp %select_n3A_3174 : vector<196x1xi32> to vector<196x1xf32>
    %sub3A_3176 = arith.subf %mul3A_3119, %mul3A_3109 : f32
    %mul3A_3177 = arith.constant 0.0769230798 : f32
    %mul3A_3178 = vector.broadcast %mul3A_3177 : f32 to vector<196x1xf32>
    %mul3A_3179 = arith.mulf %convert_element_type3A_3152, %mul3A_3178 : vector<196x1xf32>
    %mul3A_3180 = vector.broadcast %sub3A_3176 : f32 to vector<196x1xf32>
    %mul3A_3181 = arith.mulf %mul3A_3180, %mul3A_3179 : vector<196x1xf32>
    %add3A_3182 = vector.broadcast %mul3A_3109 : f32 to vector<196x1xf32>
    %add3A_3183 = arith.addf %add3A_3182, %mul3A_3181 : vector<196x1xf32>
    %jit3A_3184 = arith.constant 0.000000e+00 : f32
    %jit3A_3185 = arith.constant 1.300000e+01 : f32
    %max3A_3186 = vector.broadcast %jit3A_3184 : f32 to vector<196x1xf32>
    %max3A_3187 = arith.maximumf %max3A_3186, %add3A_3183 : vector<196x1xf32>
    %min3A_3188 = vector.broadcast %jit3A_3185 : f32 to vector<196x1xf32>
    %min3A_3189 = arith.minimumf %min3A_3188, %max3A_3187 : vector<196x1xf32>
    %sub3A_3190 = arith.subf %mul3A_3114, %mul3A_3104 : f32
    %mul3A_3191 = arith.constant 0.0769230798 : f32
    %mul3A_3192 = vector.broadcast %mul3A_3191 : f32 to vector<196x1xf32>
    %mul3A_3193 = arith.mulf %convert_element_type3A_3175, %mul3A_3192 : vector<196x1xf32>
    %mul3A_3194 = vector.broadcast %sub3A_3190 : f32 to vector<196x1xf32>
    %mul3A_3195 = arith.mulf %mul3A_3194, %mul3A_3193 : vector<196x1xf32>
    %add3A_3196 = vector.broadcast %mul3A_3104 : f32 to vector<196x1xf32>
    %add3A_3197 = arith.addf %add3A_3196, %mul3A_3195 : vector<196x1xf32>
    %jit3A_3198 = arith.constant 0.000000e+00 : f32
    %jit3A_3199 = arith.constant 1.300000e+01 : f32
    %max3A_3200 = vector.broadcast %jit3A_3198 : f32 to vector<196x1xf32>
    %max3A_3201 = arith.maximumf %max3A_3200, %add3A_3197 : vector<196x1xf32>
    %min3A_3202 = vector.broadcast %jit3A_3199 : f32 to vector<196x1xf32>
    %min3A_3203 = arith.minimumf %min3A_3202, %max3A_3201 : vector<196x1xf32>
    %iota3A_3204 = tpu.iota {dimensions = array<i32: 1>} : vector<1x196xi32>
    %jit3A_3205 = arith.constant 14 : i32
    %div3A_3206 = vector.broadcast %jit3A_3205 : i32 to vector<1x196xi32>
    %div3A_3207 = arith.divsi %iota3A_3204, %div3A_3206 : vector<1x196xi32>
    %sign3A_3208 = arith.constant 0 : i32
    %sign3A_3209 = vector.broadcast %sign3A_3208 : i32 to vector<1x196xi32>
    %sign3A_3210 = arith.cmpi sgt, %iota3A_3204, %sign3A_3209 : vector<1x196xi32>
    %sign3A_3211 = arith.extui %sign3A_3210 : vector<1x196xi1> to vector<1x196xi32>
    %sign3A_3212 = arith.constant 0 : i32
    %sign3A_3213 = vector.broadcast %sign3A_3212 : i32 to vector<1x196xi32>
    %sign3A_3214 = arith.cmpi slt, %iota3A_3204, %sign3A_3213 : vector<1x196xi32>
    %sign3A_3215 = arith.extui %sign3A_3214 : vector<1x196xi1> to vector<1x196xi32>
    %sign3A_3216 = arith.subi %sign3A_3211, %sign3A_3215 : vector<1x196xi32>
    %sign3A_3217 = arith.constant 0 : i32
    %sign3A_3218 = arith.cmpi sgt, %jit3A_3205, %sign3A_3217 : i32
    %sign3A_3219 = arith.extui %sign3A_3218 : i1 to i32
    %sign3A_3220 = arith.constant 0 : i32
    %sign3A_3221 = arith.cmpi slt, %jit3A_3205, %sign3A_3220 : i32
    %sign3A_3222 = arith.extui %sign3A_3221 : i1 to i32
    %sign3A_3223 = arith.subi %sign3A_3219, %sign3A_3222 : i32
    %ne3A_3224 = vector.broadcast %sign3A_3223 : i32 to vector<1x196xi32>
    %ne3A_3225 = arith.cmpi ne, %sign3A_3216, %ne3A_3224 : vector<1x196xi32>
    %rem3A_3226 = vector.broadcast %jit3A_3205 : i32 to vector<1x196xi32>
    %rem3A_3227 = arith.remsi %iota3A_3204, %rem3A_3226 : vector<1x196xi32>
    %ne3A_3228 = arith.constant 0 : i32
    %ne3A_3229 = vector.broadcast %ne3A_3228 : i32 to vector<1x196xi32>
    %ne3A_3230 = arith.cmpi ne, %rem3A_3227, %ne3A_3229 : vector<1x196xi32>
    %and3A_3231 = arith.andi %ne3A_3225, %ne3A_3230 : vector<1x196xi1>
    %sub3A_3232 = arith.constant 1 : i32
    %sub3A_3233 = vector.broadcast %sub3A_3232 : i32 to vector<1x196xi32>
    %sub3A_3234 = arith.subi %div3A_3207, %sub3A_3233 : vector<1x196xi32>
    %select_n3A_3235 = arith.select %and3A_3231, %sub3A_3234, %div3A_3207 : vector<1x196xi1>, vector<1x196xi32>
    %convert_element_type3A_3236 = arith.sitofp %select_n3A_3235 : vector<1x196xi32> to vector<1x196xf32>
    %jit3A_3237 = arith.constant 14 : i32
    %eq3A_3238 = arith.constant 0 : i32
    %eq3A_3239 = arith.cmpi eq, %jit3A_3237, %eq3A_3238 : i32
    %jit3A_3240 = arith.constant 1 : i32
    %select_n3A_3241 = arith.select %eq3A_3239, %jit3A_3240, %jit3A_3237 : i32
    %rem3A_3242 = vector.broadcast %select_n3A_3241 : i32 to vector<1x196xi32>
    %rem3A_3243 = arith.remsi %iota3A_3204, %rem3A_3242 : vector<1x196xi32>
    %ne3A_3244 = arith.constant 0 : i32
    %ne3A_3245 = vector.broadcast %ne3A_3244 : i32 to vector<1x196xi32>
    %ne3A_3246 = arith.cmpi ne, %rem3A_3243, %ne3A_3245 : vector<1x196xi32>
    %lt3A_3247 = arith.constant 0 : i32
    %lt3A_3248 = vector.broadcast %lt3A_3247 : i32 to vector<1x196xi32>
    %lt3A_3249 = arith.cmpi slt, %rem3A_3243, %lt3A_3248 : vector<1x196xi32>
    %lt3A_3250 = arith.constant 0 : i32
    %lt3A_3251 = arith.cmpi slt, %select_n3A_3241, %lt3A_3250 : i32
    %ne3A_3252 = vector.broadcast %lt3A_3251 : i1 to vector<1x196xi1>
    %ne3A_3253 = vector.broadcast %ne3A_3252 : vector<1x196xi1> to vector<1x196xi1>
    %ne3A_3254 = arith.xori %lt3A_3249, %ne3A_3253 : vector<1x196xi1>
    %and3A_3255 = arith.andi %ne3A_3254, %ne3A_3246 : vector<1x196xi1>
    %add3A_3256 = vector.broadcast %select_n3A_3241 : i32 to vector<1x196xi32>
    %add3A_3257 = arith.addi %rem3A_3243, %add3A_3256 : vector<1x196xi32>
    %select_n3A_3258 = arith.select %and3A_3255, %add3A_3257, %rem3A_3243 : vector<1x196xi1>, vector<1x196xi32>
    %convert_element_type3A_3259 = arith.sitofp %select_n3A_3258 : vector<1x196xi32> to vector<1x196xf32>
    %sub3A_3260 = vector.broadcast %min3A_3189 : vector<196x1xf32> to vector<196x196xf32>
    %sub3A_3261 = vector.broadcast %convert_element_type3A_3236 : vector<1x196xf32> to vector<196x196xf32>
    %sub3A_3262 = arith.subf %sub3A_3260, %sub3A_3261 : vector<196x196xf32>
    %abs3A_3263 = math.absf %sub3A_3262 : vector<196x196xf32>
    %sub3A_3264 = arith.constant 1.000000e+00 : f32
    %sub3A_3265 = vector.broadcast %sub3A_3264 : f32 to vector<196x196xf32>
    %sub3A_3266 = arith.subf %sub3A_3265, %abs3A_3263 : vector<196x196xf32>
    %max3A_3267 = arith.constant 0.000000e+00 : f32
    %max3A_3268 = vector.broadcast %max3A_3267 : f32 to vector<196x196xf32>
    %max3A_3269 = arith.maximumf %sub3A_3266, %max3A_3268 : vector<196x196xf32>
    %sub3A_3270 = vector.broadcast %min3A_3203 : vector<196x1xf32> to vector<196x196xf32>
    %sub3A_3271 = vector.broadcast %convert_element_type3A_3259 : vector<1x196xf32> to vector<196x196xf32>
    %sub3A_3272 = arith.subf %sub3A_3270, %sub3A_3271 : vector<196x196xf32>
    %abs3A_3273 = math.absf %sub3A_3272 : vector<196x196xf32>
    %sub3A_3274 = arith.constant 1.000000e+00 : f32
    %sub3A_3275 = vector.broadcast %sub3A_3274 : f32 to vector<196x196xf32>
    %sub3A_3276 = arith.subf %sub3A_3275, %abs3A_3273 : vector<196x196xf32>
    %max3A_3277 = arith.constant 0.000000e+00 : f32
    %max3A_3278 = vector.broadcast %max3A_3277 : f32 to vector<196x196xf32>
    %max3A_3279 = arith.maximumf %sub3A_3276, %max3A_3278 : vector<196x196xf32>
    %mul3A_3280 = arith.mulf %max3A_3269, %max3A_3279 : vector<196x196xf32>
    %convert_element_type3A_3281 = arith.truncf %mul3A_3280 : vector<196x196xf32> to vector<196x196xbf16>
    %get3A_3282 = arith.index_cast %get3A_3099 : i32 to index
    %get3A_3283 = arith.constant 0 : index
    %get3A_3284 = arith.constant 0 : index
    %get3A_3285 = vector.load %arg7[%get3A_3282, %get3A_3283, %get3A_3284] : memref<512x196x256xbf16, #tpu.memory_space<vmem>>, vector<1x196x256xbf16>
    %get3A_3286 = vector.shape_cast %get3A_3285 : vector<1x196x256xbf16> to vector<196x256xbf16>
    %dot_general3A_3287 = arith.constant dense<0.000000e+00> : vector<256x196xf32>
    %dot_general3A_3288 = tpu.matmul %get3A_3286, %convert_element_type3A_3281, %dot_general3A_3287 {dimension_numbers = #tpu.dot_dimension_numbers<[0], [1], [1], [0], [0, 1, 1, 0], [], []>, transpose_lhs_hint = false} : vector<196x256xbf16>, vector<196x196xbf16>, vector<256x196xf32> -> vector<256x196xf32>
    %swap3A_3289 = arith.constant 15 : index
    %swap3A_3290 = arith.constant 0 : index
    %swap3A_3291 = arith.constant 0 : index
    %swap3A_3292 = vector.load %arg6[%swap3A_3289, %swap3A_3290, %swap3A_3291] : memref<16x256x196xf32, #tpu.memory_space<vmem>>, vector<1x256x196xf32>
    %swap3A_3293 = vector.shape_cast %swap3A_3292 : vector<1x256x196xf32> to vector<256x196xf32>
    %swap3A_3294 = vector.shape_cast %dot_general3A_3288 : vector<256x196xf32> to vector<1x256x196xf32>
    tpu.vector_store %arg6[%swap3A_3289, %swap3A_3290, %swap3A_3291], %swap3A_3294 {strides = array<i32>} : memref<16x256x196xf32, #tpu.memory_space<vmem>>, vector<1x256x196xf32>,
    return
  }
  func.func @transform_1(%arg0: i32, %arg1: memref<512xi32, #tpu.memory_space<smem>>, %arg2: memref<512x4xf32, #tpu.memory_space<smem>>, %arg3: memref<32xi32, #tpu.memory_space<smem>>, %arg4: memref<32xi32, #tpu.memory_space<smem>>) -> (i32, i32, i32) {
    %c0_i32 = arith.constant 0 : i32
    %c0_i32_0 = arith.constant 0 : i32
    %c0_i32_1 = arith.constant 0 : i32
    return %arg0, %c0_i32, %c0_i32_0 : i32, i32, i32
  }
}

</mosaic_0001>

<sc_bundles>
// kernel: kernel.4.cloned.1.call-start
scs
__scs_entry_jumppad:
0x0: {  	(pc) =	sbr.rel $0x88, $3  }
0x1: {  	(tag) =	ssettag $0x0;
	lr =	simm.s32 $0x1  }
0x2: {  	[smem:$0x3F9F] =	sst lr;
	_ =	strace $0xD0000000  }
0x3: {  	_ = 	snop  }
0x4: {  	_ = 	snop  }
0x5: {  	_ = 	snop  }
0x6: {  	_ = 	snop  }
0x7: {  	_ = 	snop  }
__scs_overlays_trampoline_lowered:
0x8: {  	[smem:$0x3FAE] =	sst s0  }
0x9: {  	[smem:$0x3FAF] =	sst s1  }
0xa: {  	[smem:$0x3FB0] =	sst s2  }
0xb: {  	[smem:$0x3FB1] =	sst s3  }
0xc: {  	[smem:$0x3FB2] =	sst s4  }
0xd: {  	[smem:$0x3FB3] =	sst s5  }
0xe: {  	[smem:$0x3FB4] =	sst s6  }
0xf: {  	[smem:$0x3FB5] =	sst s7  }
0x10: {  	[smem:$0x3FB6] =	sst s8  }
0x11: {  	[smem:$0x3FB7] =	sst s9;
	s0 =	simm.s32 @!p0 $0x0  }
0x12: {  	s1 =	sld [smem:$0x3F9D];
	s0 =	simm.s32 @p0 $0x1  }
0x13: {  	[smem:$0x3FB8] =	sst s0;
	s0 =	simm.s32 @!p1 $0x0  }
0x14: {  	s2 =	sld [smem:$0x3F9C];
	s0 =	simm.s32 @p1 $0x1  }
0x15: {  	[smem:$0x3FB9] =	sst s0;
	s0 =	simm.s32 @!p2 $0x0  }
0x16: {  	s3 =	sld [smem:$0x3FDB];
	s0 =	simm.s32 @p2 $0x1  }
0x17: {  	s4 =	simm.s32 $0x1BF5;
	[smem:$0x3FBB] =	sst s0  }
0x18: {  	s0 =	sld [smem:$0x3F9E];
	_ =	swait.ge [sflag:s4], $0x0  }
0x19: {  	s7 =	sld [smem:$0x3F9F]  }
0x1a: {  	s8 =	sadd.s32 $0xFFFFE003, lr  }
0x1b: {  	s9 =	sadd.s32 $0xFFFFFEF7, lr;
	s5 =	simm.s32 $0xFFFFFFFF;
	p2 =	slt.u32 s8, $0xFFFFF086  }
0x1c: {  	p1 =	slt.u32 s9, $0xF7A;
	s5 =	simm.s32 @!p2 $0x0  }
0x1d: {  	s5 =	simm.s32 @p1 $0x1;
	p0 =	seq.s32 s7, s2  }
0x1e: {  	s7 =	smul.u32 @!p0 $0xF7A, s2;
	p2 =	seq.s32 @!p0 s5, $0x0  }
0x1f: {  	s9 =	smul.u32 $0xF7A, s1;
	s8 =	simm.s32 @!p0 $0x1BF5;
	p2 =	por !p2, p0  }
0x20: {  	[sflag:s8] =	ssyncset.s32 @!p0 $0xFFFFF086;
	s6 =	sadd.s32 @!p0 s3, s7;
	s7 =	simm.s32 @!p0 $0x108  }
0x21: {  	s3 =	sadd.s32 s3, s9;
	s6 =	sadd.s32 @!p0 $0x88, s6;
	s7 =	simm.s32 @p2 $0x1082  }
0x22: {  	[simem:s7], [sflag:s8] =	dma.local @!p0 [hbm:s6], $0xF7A  }
0x23: {  	s9 =	sor.u32 $0xD0000000, s2;
	s6 =	simm.s32 $0x108;
	_ =	swait.ge @!p0 [sflag:s8], $0x0  }
0x24: {  	s3 =	sadd.s32 $0x88, s3;
	s6 =	simm.s32 @!p1 $0x1082;
	[sflag:s4] =	ssyncset.s32 $0xFFFFF086  }
0x25: {  	[simem:s6], [sflag:s4] =	dma.local [hbm:s3], $0xF7A  }
0x26: {  	[smem:$0x3F9F] =	sst s1;
	(tag) =	ssettag s2;
	_ =	strace s9  }
0x27: {  	s1 =	sld [smem:$0x3FAF]  }
0x28: {  	s2 =	sld [smem:$0x3FB0]  }
0x29: {  	s4 =	sld [smem:$0x3FB2]  }
0x2a: {  	p0 =	seq.s32 s5, $0x0;
	s5 =	sld [smem:$0x3FB3]  }
0x2b: {  	s6 =	sld [smem:$0x3FB4]  }
0x2c: {  	s7 =	sld [smem:$0x3FB5]  }
0x2d: {  	s3 =	simm.s32 $0x108;
	s8 =	sld [smem:$0x3FB6]  }
0x2e: {  	s3 =	simm.s32 @!p0 $0x1082;
	s9 =	sld [smem:$0x3FB7]  }
0x2f: {  	lr =	sadd.s32 s0, s3;
	s0 =	sld [smem:$0x3FAE]  }
0x30: {  	s3 =	sld [smem:$0x3FB1]  }
0x31: {  	[smem:$0x3FBA] =	sst s10  }
0x32: {  	s10 =	sld [smem:$0x3FB8];
	_ =	sdelay $0x3  }
0x33: {  	p0 =	seq.s32 s10, $0x1;
	s10 =	sld [smem:$0x3FBA];
	_ =	sdelay $0x3  }
0x34: {  	[smem:$0x3FBA] =	sst s10  }
0x35: {  	s10 =	sld [smem:$0x3FB9];
	_ =	sdelay $0x3  }
0x36: {  	p1 =	seq.s32 s10, $0x1;
	s10 =	sld [smem:$0x3FBA];
	_ =	sdelay $0x3  }
0x37: {  	[smem:$0x3FBA] =	sst s10  }
0x38: {  	s10 =	sld [smem:$0x3FBB]  }
0x39: {  	_ = 	snop;
	(pc) =	sbr.ind lr, $3  }
0x3a: {  	_ = 	snop  }
0x3b: {  	_ = 	snop  }
0x3c: {  	p2 =	seq.s32 s10, $0x1;
	s10 =	sld [smem:$0x3FBA]  }
0x3d: {  	_ =	shalt  }
0x3e: {  	_ =	shalt  }
0x3f: {  	_ =	shalt  }
0x40: {  	_ =	shalt  }
0x41: {  	_ =	shalt  }
0x42: {  	_ =	shalt  }
0x43: {  	_ =	shalt  }
0x44: {  	_ =	shalt  }
0x45: {  	_ =	shalt  }
0x46: {  	_ =	shalt  }
0x47: {  	_ =	shalt  }
0x48: {  	_ =	shalt  }
0x49: {  	_ =	shalt  }
0x4a: {  	_ =	shalt  }
0x4b: {  	_ =	shalt  }
0x4c: {  	_ =	shalt  }
0x4d: {  	_ =	shalt  }
0x4e: {  	_ =	shalt  }
0x4f: {  	_ =	shalt  }
0x50: {  	_ =	shalt  }
0x51: {  	_ =	shalt  }
0x52: {  	_ =	shalt  }
0x53: {  	_ =	shalt  }
0x54: {  	_ =	shalt  }
0x55: {  	_ =	shalt  }
0x56: {  	_ =	shalt  }
0x57: {  	_ =	shalt  }
0x58: {  	_ =	shalt  }
0x59: {  	_ =	shalt  }
0x5a: {  	_ =	shalt  }
0x5b: {  	_ =	shalt  }
0x5c: {  	_ =	shalt  }
0x5d: {  	_ =	shalt  }
0x5e: {  	_ =	shalt  }
0x5f: {  	_ =	shalt  }
0x60: {  	_ =	shalt  }
0x61: {  	_ =	shalt  }
0x62: {  	_ =	shalt  }
0x63: {  	_ =	shalt  }
0x64: {  	_ =	shalt  }
0x65: {  	_ =	shalt  }
0x66: {  	_ =	shalt  }
0x67: {  	_ =	shalt  }
0x68: {  	_ =	shalt  }
0x69: {  	_ =	shalt  }
0x6a: {  	_ =	shalt  }
0x6b: {  	_ =	shalt  }
0x6c: {  	_ =	shalt  }
0x6d: {  	_ =	shalt  }
0x6e: {  	_ =	shalt  }
0x6f: {  	_ =	shalt  }
0x70: {  	_ =	shalt  }
0x71: {  	_ =	shalt  }
0x72: {  	_ =	shalt  }
0x73: {  	_ =	shalt  }
0x74: {  	_ =	shalt  }
0x75: {  	_ =	shalt  }
0x76: {  	_ =	shalt  }
0x77: {  	_ =	shalt  }
0x78: {  	_ =	shalt  }
0x79: {  	_ =	shalt  }
0x7a: {  	_ =	shalt  }
0x7b: {  	_ =	shalt  }
0x7c: {  	_ =	shalt  }
0x7d: {  	_ =	shalt  }
0x7e: {  	_ =	shalt  }
0x7f: {  	_ =	shalt  }
0x80: {  	_ =	shalt  }
0x81: {  	_ =	shalt  }
0x82: {  	_ =	shalt  }
0x83: {  	_ =	shalt  }
0x84: {  	_ =	shalt  }
0x85: {  	_ =	shalt  }
0x86: {  	_ =	shalt  }
0x87: {  	_ =	shalt  }
.Lfunc_end0:
.L_simem_size_0:
called_computation.1_lowered:
.L_overlay_start_0:
0x88: {  	s2 =	sld [smem:$0x3FD9]  }
0x89: {  	s3 =	sld [smem:$0x3FFE];
	_ =	sdelay $0x1  }
0x8a: {  	s1 =	srdreg.scid  }
0x8b: {  	s0 =	sand.u32 $0x1, s1  }
0x8c: {  	s28 =	sshll.u32 s0, $0xA;
	s2 =	sadd.s32 s3, s2  }
0x8d: {  	s2 =	sadd.s32 s2, s28  }
0x8e: {  	[smem:$0x3FC6] =	sst s2  }
0x8f: {  	_ = 	snop  }
0x90: {  	(tm) =	ssettm $0x1  }
0x91: {  	s29 =	sld [smem:$0x3FFB];
	_ =	sdelay $0x3  }
0x92: {  	_ =	strace s29  }
0x93: {  	s2 =	sld [smem:$0x3FFC];
	_ =	sdelay $0x3  }
0x94: {  	_ =	strace s2  }
0x95: {  	s2 =	sld [smem:$0x3FFD];
	_ =	sdelay $0x3  }
0x96: {  	_ =	strace s2  }
0x97: {  	s30 =	simm.s32 $0x1B8B;
	_ =	strace $0x8FFFFFFF  }
0x98: {  	p0 =	seq.s32 s0, $0x1;
	_ =	swait.ge [sflag:s30], $0x1  }
.Ltmp0:
0x99: {  	[sflag:s30] =	ssyncset.done $0x0;
	(pc) =	sbr.rel @p0 .LBB1_6-.Ltmp0, $3  }
0x9a: {  	s31 =	simm.s32 $0x1B8E;
	[sflag:s30] =	ssyncadd.s32 $0xFFFFFFFF  }
0x9b: {  	[smem:$0x3FD2] =	sst s31  }
0x9c: {  	s3 =	sld [smem:$0x3FFE];
	_ =	strace $0x80000046  }
0x9d: {  	_ =	sdelay $0x2  }
0x9e: {  	s2 =	simm.s32 $0xA;
	s5 =	simm.s32 $0x10;
	s4 =	sadd.s32 $0x2000, s3  }
0x9f: {  	[smem:s5], [sflag:s2] =	dma.local [hbm:s4], $0x100  }
0xa0: {  	_ =	swait.ge [sflag:s2], $0x100  }
0xa1: {  	s6 =	simm.s32 $0x0;
	s3 =	sadd.s32 $0x2200, s3;
	[sflag:s2] =	ssyncset.done $0x0  }
0xa2: {  	s4 =	simm.s32 $0x0;
	s5 =	simm.s32 $0x4;
	[sflag:s2] =	ssyncadd.s32 $0xFFFFFF00  }
.LBB1_2:
0xa3: {  	p0 =	sne.s32 s5, $0x7FC  }
0xa4: {  	[smem:s6+$0x810] =	sst s4;
	s6 =	smov.u32 s5;
	s5 =	sadd.s32 $0x4, s5  }
.Ltmp1:
0xa5: {  	(pc) =	sbr.rel @p0 .LBB1_2-.Ltmp1, $2  }
0xa6: {  	_ =	sdelay $0x1  }
0xa7: {  	s6 =	sshra.s32 s6, $0x2  }
0xa8: {  	[smem:s6+$0x810] =	sst s4  }
0xa9: {  	s4 =	sld [smem:$0x12]  }
0xaa: {  	s5 =	sld [smem:$0x10];
	_ =	sdelay $0x3  }
0xab: {  	p1 =	sne.f32 s4, $0.0e+00;
	p0 =	sne.f32 s5, $0.0e+00  }
0xac: {  	s7 =	simm.s32 $0x1  }
0xad: {  	s6 =	simm.s32 $0x16;
	s4 =	simm.s32 $0x0;
	p0 =	por p0, p1  }
0xae: {  	s5 =	simm.s32 $0x1;
	[smem:$0x810] =	sst @p0 s4;
	s7 =	simm.s32 @!p0 $0x0  }
.LBB1_4:
0xaf: {  	s8 =	sld [smem:s6+$0x0];
	s4 =	sadd.s32 s7, s4;
	s7 =	smov.u32 s5  }
0xb0: {  	s5 =	sadd.s32 $0x1, s5;
	s9 =	sld [smem:s6+$0xFFFFFFFE]  }
0xb1: {  	p0 =	sne.s32 s5, $0x200;
	_ =	sdelay $0x2  }
0xb2: {  	p2 =	sne.f32 s8, $0.0e+00;
	p1 =	sne.f32 s9, $0.0e+00  }
.Ltmp2:
0xb3: {  	(pc) =	sbr.rel @p0 .LBB1_4-.Ltmp2, $3  }
0xb4: {  	p1 =	por p1, p2  }
0xb5: {  	[smem:s4+$0x810] =	sst @p1 s7;
	s7 =	simm.s32 $0x1  }
0xb6: {  	s6 =	sadd.s32 $0x4, s6;
	s7 =	simm.s32 @!p1 $0x0  }
0xb7: {  	s4 =	simm.s32 $0x810;
	s31 =	simm.s32 $0xA  }
0xb8: {  	[hbm:s3], [sflag:s2] =	dma.local [smem:s4], $0x40  }
0xb9: {  	_ =	swait.ge [sflag:s31], $0x40  }
0xba: {  	[sflag:s31] =	ssyncset.done $0x0  }
0xbb: {  	[sflag:s31] =	ssyncadd.s32 $0xFFFFFFC0  }
.LBB1_6:
0xbc: {  	_ =	strace $0x90000046  }
0xbd: {  	_ =	sfence  }
0xbe: {  	s2 =	sld [smem:$0x0];
	_ =	sdelay $0x2  }
0xbf: {  	s3 =	sshll.u32 s1, $0xD;
	s31 =	sshrl.u32 s1, $0x2  }
0xc0: {  	s3 =	sand.u32 $0x4000, s3;
	s1 =	sadd.s32 s31, s2  }
0xc1: {  	s0 =	sor.u32 s3, s0;
	s1 =	sshll.u32 s1, $0x11  }
0xc2: {  	s0 =	sor.u32 s1, s0  }
0xc3: {  	s0 =	sadd.s32 $0x8F2B, s0;
	(pc) =	sbr.abs _section_cstart, $3  }
0xc4: {  	[sflag:s0] =	ssyncadd.remote.s32 $0x1  }
0xc5: {  	_ =	strace $0x9FFFFFFF  }
0xc6: {  	(tm) =	ssettm $0x7FFFFFFF  }
0xc7: {  	_ =	shalt  }

// kernel: sparse-core-data-format-call.cloned.1.call-start
scs
called_computation_lowered:
.L_overlay_start_0:
0x0: {  	s2 =	sld [smem:$0x3FD9]  }
0x1: {  	s3 =	sld [smem:$0x3FFE];
	_ =	sdelay $0x1  }
0x2: {  	s1 =	srdreg.scid  }
0x3: {  	s0 =	sand.u32 $0x1, s1  }
0x4: {  	s18 =	sshll.u32 s0, $0xA;
	s2 =	sadd.s32 s3, s2  }
0x5: {  	s2 =	sadd.s32 s2, s18  }
0x6: {  	[smem:$0x3FC6] =	sst s2  }
0x7: {  	_ = 	snop  }
0x8: {  	s19 =	sld [smem:$0x3FD0];
	(tm) =	ssettm $0x1  }
0x9: {  	s20 =	sld [smem:$0x3FFB];
	_ =	sdelay $0x3  }
0xa: {  	_ =	strace s20  }
0xb: {  	s2 =	sld [smem:$0x3FFC];
	_ =	sdelay $0x3  }
0xc: {  	_ =	strace s2  }
0xd: {  	s2 =	sld [smem:$0x3FFD];
	_ =	sdelay $0x3  }
0xe: {  	_ =	strace s2  }
0xf: {  	_ =	strace $0x8FFFFFFF  }
0x10: {  	s21 =	sld [smem:$0x3FDB];
	_ =	sdelay $0x1  }
0x11: {  	s4 =	simm.s32 $_scs_section_size  }
0x12: {  	s5 =	simm.s32 $_size__tile_overlayer_lowered;
	s6 =	simm.s32 $_tile_overlayer_lowered  }
0x13: {  	s7 =	simm.s32 $0x1BFF;
	s22 =	sshll.u32 s6, $0x1;
	s4 =	sadd.s32 s4, s21  }
0x14: {  	s23 =	simm.s32 $0x0;
	s5 =	sshll.u32 s5, $0x1;
	s6 =	sadd.s32 s22, s4  }
0x15: {  	[timem:s23], [sflag:s7] =	dma.local [hbm:s6], s5  }
0x16: {  	_ =	swait.ge [sflag:s7], s5  }
0x17: {  	s5 =	ssub.s32 $0x0, s5;
	[sflag:s7] =	ssyncset.done $0x0  }
0x18: {  	[sflag:s7] =	ssyncadd.s32 s5;
	_ =	sdelay $0x1  }
0x19: {  	s24 =	simm.s32 $0x1B8B  }
0x1a: {  	_ =	swait.ge [sflag:s24], $0x1  }
0x1b: {  	[sflag:s24] =	ssyncset.done $0x0  }
0x1c: {  	[sflag:s24] =	ssyncadd.s32 $0xFFFFFFFF  }
0x1d: {  	s5 =	sld [smem:$0x0]  }
0x1e: {  	s6 =	sand.u32 $0xFFFFFFFE, s1  }
0x1f: {  	p0 =	sne.s32 s1, s6  }
0x20: {  	s6 =	sshll.u32 @p0 s6, $0xE  }
0x21: {  	s6 =	sadd.s32 @p0 $0x11B8D, s6;
	s7 =	sshll.u32 @p0 s5, $0x11  }
0x22: {  	s6 =	sor.u32 @p0 s7, s6  }
0x23: {  	[sflag:s6] =	ssyncadd.remote.s32 @p0 $0x1;
	_ =	sdelay $0x1  }
0x24: {  	s6 =	simm.s32 @p0 $0x1B8D  }
0x25: {  	_ =	swait.eq @p0 [sflag:s6], $0x1  }
0x26: {  	[sflag:s6] =	ssyncadd.s32 @p0 $0xFFFFFFFF  }
0x27: {  	s7 =	sshll.u32 @!p0 s1, $0xE  }
0x28: {  	s7 =	sor.u32 @!p0 $0x4000, s7;
	s6 =	simm.s32 @!p0 $0x1B8D  }
0x29: {  	s5 =	sshll.u32 @!p0 s5, $0x11;
	s7 =	sadd.s32 @!p0 $0x11B8D, s7;
	_ =	swait.eq @!p0 [sflag:s6], $0x1  }
0x2a: {  	s5 =	sor.u32 @!p0 s5, s7;
	[sflag:s6] =	ssyncadd.s32 @!p0 $0xFFFFFFFF  }
0x2b: {  	s26 =	simm.s32 $0x1B8E;
	s25 =	sld [smem:$0x3FFE];
	[sflag:s5] =	ssyncadd.remote.s32 @!p0 $0x1  }
0x2c: {  	s27 =	simm.s32 $execute0_lowered;
	[smem:$0x3FD2] =	sst s26  }
0x2d: {  	s6 =	sshll.u32 s27, $0x1;
	_ =	strace $0x80000047;
	[dreg:$0x1] =	wrdreg $0xFFFFFFFF  }
0x2e: {  	s28 =	simm.s32 $_size_execute0_lowered;
	s4 =	sadd.s32 s4, s6;
	[dreg:$0x0] =	wrdreg $0x0  }
0x2f: {  	s6 =	sshll.u32 s28, $0x1;
	[dreg:$0x2] =	wrdreg s4  }
0x30: {  	[dreg:$0x3] =	wrdreg s6  }
0x31: {  	[dreg:$0x4] =	wrdreg $0xC0  }
0x32: {  	_ =	task [dreg:s23], $0x5FFFF  }
0x33: {  	[dreg:$0x1] =	wrdreg $0xFFFFFFFF  }
0x34: {  	[dreg:$0x0] =	wrdreg $0x60  }
0x35: {  	[dreg:$0x2] =	wrdreg s25  }
0x36: {  	[dreg:$0x3] =	wrdreg s19  }
0x37: {  	[dreg:$0x4] =	wrdreg $0x9  }
0x38: {  	_ =	task.clear_ibuf [dreg:s23], $0x5FFFF;
	_ =	strace $0x90000047  }
0x39: {  	s29 =	simm.s32 $0x9;
	_ =	strace $0x80000049  }
0x3a: {  	_ =	swait.ge [sflag:s29], $0x1  }
0x3b: {  	[sflag:s29] =	ssyncadd.s32 $0xFFFFFFFF  }
0x3c: {  	_ =	strace $0x90000049  }
0x3d: {  	_ =	sfence  }
0x3e: {  	s30 =	sld [smem:$0x0];
	_ =	sdelay $0x2  }
0x3f: {  	s31 =	sshll.u32 s1, $0xD;
	s1 =	sshrl.u32 s1, $0x2  }
0x40: {  	s4 =	sand.u32 $0x4000, s31;
	s1 =	sadd.s32 s1, s30  }
0x41: {  	s0 =	sor.u32 s4, s0;
	s1 =	sshll.u32 s1, $0x11  }
0x42: {  	s0 =	sor.u32 s1, s0  }
0x43: {  	s0 =	sadd.s32 $0x8F2B, s0  }
0x44: {  	[sflag:s0] =	ssyncadd.remote.s32 $0x1  }
0x45: {  	_ =	sfence.sel $0xFFFF  }
0x46: {  	[dreg:$0x0] =	wrdreg $0xFFFFFFFF;
	(pc) =	sbr.abs _section_cstart, $3  }
0x47: {  	[dreg:$0x1] =	wrdreg $0xFFFFFFFF  }
0x48: {  	_ =	task.clear_ibuf [dreg:s23], $0x2FFFF;
	_ =	strace $0x9FFFFFFF  }
0x49: {  	(tm) =	ssettm $0x7FFFFFFF  }
tec
execute0_lowered:
.L_overlay_start_1:
0x0: {  	(tag) =	ssettag $0x1  }
0x1: {  	s0 =	srdreg.scid  }
0x2: {  	s1 =	sshll.u32 s0, $0x4  }
0x3: {  	s0 =	stileid.u32;
	s1 =	sand.u32 $0x10, s1  }
0x4: {  	s6 =	rddreg [dreg:$0x0];
	s4 =	sor.u32 s0, s1  }
0x5: {  	s3 =	rddreg [dreg:$0x1];
	s7 =	simm.s32 $0x1;
	s2 =	sshll.u32 s4, $0x4  }
0x6: {  	s31 =	simm.s32 $0x2;
	s12 =	simm.s32 $0x0;
	s5 =	ssub.s32 $0x200, s2  }
0x7: {  	s8 =	simm.s32 $0x400;
	s9 =	simm.s32 $0x6400;
	s29 =	sand.u32 $0x1F0, s5  }
0x8: {  	s13 =	simm.s32 $0x0;
	s10 =	simm.s32 $0x0;
	p0 =	sne.s32 s29, $0x0  }
.Ltmp0:
0x9: {  	s5 =	sshrl.u32 s5, $0x9;
	s7 =	simm.s32 @!p0 $0x0;
	(pc) =	sbr.rel .LBB1_1-.Ltmp0, $4  }
0xa: {  	s1 =	rddreg [dreg:$0x2];
	_ =	strace $0x80000048;
	s5 =	sadd.s32 s7, s5  }
0xb: {  	s30 =	sshll.u32 s4, $0x8;
	s4 =	simm.s32 $0x1;
	s5 =	smul.u32 $0x19, s5  }
0xc: {  	s11 =	simm.s32 $0x0;
	s6 =	sadd.s32 s30, s6;
	[sflag:s4] =	ssyncpa.u1 $0x0  }
0xd: {  	[sflag:s31] =	ssyncpa.u1 $0x0;
	s6 =	sadd.s32 $0x2400, s6;
	s7 =	sadd.s32 $0x1, s5  }
.LBB1_9:
0xe: {  	s14 =	sadd.s32 $0x8, s10  }
0xf: {  	p1 =	sgt.s32 s14, $0xC3  }
0x10: {  	s14 =	simm.s32 @p1 $0x0;
	p1 =	sne.s32 s11, s7  }
.Ltmp1:
0x11: {  	p0 =	slt.u32 s11, $0x2;
	(pc) =	sbr.rel @!p1 .LBB1_10-.Ltmp1, $4  }
0x12: {  	s12 =	simm.s32 @!p0 $0x2  }
0x13: {  	s15 =	sadd.s32 $0x1, s11;
	_ =	swait.ge @!p0 [sflag:s12], $0x4000  }
0x14: {  	s13 =	smov.u32 s10;
	s11 =	smov.u32 s15;
	[sflag:s12] =	ssyncset.done @!p0 $0x0  }
0x15: {  	s10 =	smov.u32 s14;
	[sflag:s12] =	ssyncadd.s32 @!p0 $0xFFFFC000;
	s12 =	smov.u32 s2  }
.LBB1_1:
0x16: {  	p0 =	sge.u32 s11, s5  }
0x17: {  	p1 =	sgt.s32 @!p0 s10, $0xBC  }
0x18: {  	s14 =	smov.u32 s10;
	s15 =	sshra.s32 @!p0 s10, $0x1F;
	p1 =	por !p1, p0  }
0x19: {  	s15 =	sand.u32 @!p0 s15, s10;
	s14 =	simm.s32 @p1 $0xBC  }
0x1a: {  	s14 =	ssub.s32 @!p0 s14, s15  }
0x1b: {  	s31 =	sadd.s32 $0xFFFFFFFF, s11;
	s16 =	sxor.u32 @!p0 $0xFFFFFFFF, s11;
	s14 =	sadd.s32 @!p0 $0xFFFFFF44, s14  }
0x1c: {  	s17 =	simm.s32 @!p0 $0x800;
	s18 =	simm.s32 @!p0 $0x10000;
	s15 =	sshll.u32 @!p0 s14, $0xB  }
0x1d: {  	s16 =	sshll.u32 @!p0 s16, $0xE;
	p1 =	sgt.s32 @!p0 s14, $0x7;
	s14 =	ssub.s32 @!p0 $0x4000, s15  }
0x1e: {  	p1 =	por !p1, p0;
	s15 =	sshll.u32 @!p0 s10, $0xD;
	s14 =	sand.u32 @!p0 $0x3FFFF800, s14  }
0x1f: {  	s16 =	sand.u32 @!p0 $0x4000, s16;
	s15 =	sadd.s32 @!p0 s15, s6;
	s14 =	simm.s32 @!p1 $0x0  }
0x20: {  	[tilespmem:s16], [sflag:$0x1] =	stream.strided.gather @!p0 [hbm4b:s15+s17], s14, s18, s17, $0x38;
	[tilespmem:$0x10000] =	vst v63  }
0x21: {  	p0 =	sge.u32 s31, s5  }
.Ltmp2:
0x22: {  	_ = 	snop;
	(pc) =	sbr.rel @p0 .LBB1_9-.Ltmp2, $1  }
0x23: {  	_ =	sdelay $0x3  }
0x24: {  	p0 =	sgt.s32 s13, $0xBC;
	s14 =	smov.u32 s13;
	s15 =	sshra.s32 s13, $0x1F  }
0x25: {  	s14 =	simm.s32 @!p0 $0xBC;
	s15 =	sand.u32 s15, s13  }
0x26: {  	s14 =	ssub.s32 s14, s15  }
0x27: {  	s14 =	sadd.s32 $0xFFFFFF44, s14  }
0x28: {  	s30 =	sshll.u32 s14, $0xB  }
0x29: {  	s15 =	ssub.s32 $0x4000, s30  }
0x2a: {  	p0 =	sgt.s32 s14, $0x7;
	s14 =	sand.u32 $0x3FFFF800, s15  }
0x2b: {  	s14 =	simm.s32 @p0 $0x0  }
0x2c: {  	s31 =	sshll.u32 s11, $0xE;
	_ =	swait.ge [sflag:s4], s14  }
0x2d: {  	s15 =	sand.u32 $0x4000, s31;
	s14 =	ssub.s32 $0x0, s14;
	[sflag:s4] =	ssyncset.done $0x0  }
0x2e: {  	s16 =	simm.s32 $0x0;
	[sflag:s4] =	ssyncadd.s32 s14;
	s14 =	sor.u32 $0x8000, s15  }
.LBB1_3:
0x2f: {  	s17 =	sshll.u32 s16, $0xB  }
0x30: {  	s17 =	sand.u32 $0x3FFFF800, s17  }
0x31: {  	s18 =	sadd.s32 s17, s15  }
0x32: {  	s19 =	sadd.s32 $0x800, s18;
	v0 =	vmov s18  }
0x33: {  	v1 =	vmov s19  }
0x34: {  	s17 =	sshll.u32 s16, $0x7;
	s18 =	simm.s32 $0x0  }
.LBB1_4:
0x35: {  	s19 =	sshll.u32 s18, $0xA  }
0x36: {  	s19 =	sand.u32 $0x3FFFFC00, s19  }
0x37: {  	s20 =	sshll.u32 s18, $0x8;
	s21 =	sshll.u32 s18, $0x7;
	s22 =	sadd.s32 s19, s14  }
0x38: {  	s29 =	sand.u32 $0x800, s20;
	s30 =	sand.u32 $0x300, s21;
	s31 =	sadd.s32 $0x400, s22  }
0x39: {  	p0 =	por $0x1, $0x1;
	s20 =	simm.s32 $0x0;
	s19 =	sor.u32 s30, s29;
	v2 =	vmov s22;
	v3 =	vmov s31  }
.LBB1_5:
0x3a: {  	s21 =	sor.u32 s20, s19  }
0x3b: {  	s21 =	sshrl.u32 s21, $0x1  }
0x3c: {  	v4 =	vld.idx.msk [tilespmem:v0+s21+$0x0 ss:$0x1], $0xffff  }
0x3d: {  	v5 =	vld.idx.msk [tilespmem:v1+s21+$0x0 ss:$0x1], $0xffff  }
0x3e: {  	v6 =	vld.idx.msk [tilespmem:v0+s21+$0x10 ss:$0x1], $0xffff  }
0x3f: {  	v7 =	vld.idx.msk [tilespmem:v1+s21+$0x10 ss:$0x1], $0xffff  }
0x40: {  	v8 =	vld.idx.msk [tilespmem:v0+s21+$0x20 ss:$0x1], $0xffff  }
0x41: {  	v9 =	vld.idx.msk [tilespmem:v1+s21+$0x20 ss:$0x1], $0xffff  }
0x42: {  	s31 =	sadd.s32 s17, s20;
	v12 =	vld.idx.msk [tilespmem:v0+s21+$0x30 ss:$0x1], $0xffff;
	v10 =	vunpack.i.l.s16.s32 v4;
	v11 =	vunpack.i.l.s16.s32 v5  }
0x43: {  	s20 =	sshra.s32 s31, $0x1;
	v45 =	vld.idx.msk [tilespmem:v1+s21+$0x30 ss:$0x1], $0xffff;
	v4 =	vunpack.i.u.s16.s32 v4;
	v5 =	vunpack.i.u.s16.s32 v5;
	v10 =	vpack.i.b32.b16 v11, v10  }
0x44: {  	v13 =	vld.idx.msk [tilespmem:v0+s21+$0x40 ss:$0x1], $0xffff;
	v46 =	vunpack.i.l.s16.s32 v7;
	v4 =	vpack.i.b32.b16 v5, v4;
	v5 =	vunpack.i.l.s16.s32 v6;
	[tilespmem:v2+s20+$0x0 ss:$0x1] =	vst.idx.msk $0xffff, v10  }
0x45: {  	v48 =	vld.idx.msk [tilespmem:v1+s21+$0x40 ss:$0x1], $0xffff;
	v47 =	vunpack.i.u.s16.s32 v7;
	v5 =	vpack.i.b32.b16 v46, v5;
	[tilespmem:v3+s20+$0x0 ss:$0x1] =	vst.idx.msk $0xffff, v4;
	v4 =	vunpack.i.u.s16.s32 v6  }
0x46: {  	v50 =	vld.idx.msk [tilespmem:v0+s21+$0x50 ss:$0x1], $0xffff;
	v49 =	vunpack.i.l.s16.s32 v9;
	[tilespmem:v2+s20+$0x10 ss:$0x1] =	vst.idx.msk $0xffff, v5;
	v5 =	vunpack.i.l.s16.s32 v8;
	v4 =	vpack.i.b32.b16 v47, v4  }
0x47: {  	v52 =	vld.idx.msk [tilespmem:v1+s21+$0x50 ss:$0x1], $0xffff;
	v51 =	vunpack.i.u.s16.s32 v9;
	v5 =	vpack.i.b32.b16 v49, v5;
	[tilespmem:v3+s20+$0x10 ss:$0x1] =	vst.idx.msk $0xffff, v4;
	v4 =	vunpack.i.u.s16.s32 v8  }
0x48: {  	v54 =	vld.idx.msk [tilespmem:v0+s21+$0x60 ss:$0x1], $0xffff;
	v53 =	vunpack.i.l.s16.s32 v45;
	[tilespmem:v2+s20+$0x20 ss:$0x1] =	vst.idx.msk $0xffff, v5;
	v5 =	vunpack.i.l.s16.s32 v12;
	v4 =	vpack.i.b32.b16 v51, v4  }
0x49: {  	v55 =	vld.idx.msk [tilespmem:v1+s21+$0x60 ss:$0x1], $0xffff;
	v11 =	vunpack.i.u.s16.s32 v45;
	v5 =	vpack.i.b32.b16 v53, v5;
	[tilespmem:v3+s20+$0x20 ss:$0x1] =	vst.idx.msk $0xffff, v4;
	v4 =	vunpack.i.u.s16.s32 v12  }
0x4a: {  	v57 =	vld.idx.msk [tilespmem:v0+s21+$0x70 ss:$0x1], $0xffff;
	v56 =	vunpack.i.l.s16.s32 v48;
	[tilespmem:v2+s20+$0x30 ss:$0x1] =	vst.idx.msk $0xffff, v5;
	v5 =	vunpack.i.l.s16.s32 v13;
	v4 =	vpack.i.b32.b16 v11, v4  }
0x4b: {  	v58 =	vld.idx.msk [tilespmem:v1+s21+$0x70 ss:$0x1], $0xffff;
	v7 =	vunpack.i.u.s16.s32 v48;
	v5 =	vpack.i.b32.b16 v56, v5;
	[tilespmem:v3+s20+$0x30 ss:$0x1] =	vst.idx.msk $0xffff, v4;
	v4 =	vunpack.i.u.s16.s32 v13  }
0x4c: {  	v59 =	vunpack.i.l.s16.s32 v52;
	[tilespmem:v2+s20+$0x40 ss:$0x1] =	vst.idx.msk $0xffff, v5;
	v5 =	vunpack.i.l.s16.s32 v50;
	v4 =	vpack.i.b32.b16 v7, v4  }
0x4d: {  	v6 =	vunpack.i.u.s16.s32 v52;
	[tilespmem:v3+s20+$0x40 ss:$0x1] =	vst.idx.msk $0xffff, v4;
	v4 =	vpack.i.b32.b16 v59, v5;
	v5 =	vunpack.i.u.s16.s32 v50  }
0x4e: {  	p1 =	por p0, p0;
	v60 =	vunpack.i.l.s16.s32 v55;
	[tilespmem:v2+s20+$0x50 ss:$0x1] =	vst.idx.msk $0xffff, v4;
	v4 =	vpack.i.b32.b16 v6, v5;
	v5 =	vunpack.i.l.s16.s32 v54  }
.Ltmp3:
0x4f: {  	v61 =	vunpack.i.u.s16.s32 v55;
	[tilespmem:v3+s20+$0x50 ss:$0x1] =	vst.idx.msk $0xffff, v4;
	v4 =	vpack.i.b32.b16 v60, v5;
	v5 =	vunpack.i.u.s16.s32 v54;
	(pc) =	sbr.rel @p1 .LBB1_5-.Ltmp3, $4  }
0x50: {  	v62 =	vunpack.i.l.s16.s32 v58;
	[tilespmem:v2+s20+$0x60 ss:$0x1] =	vst.idx.msk $0xffff, v4;
	v4 =	vpack.i.b32.b16 v61, v5;
	v5 =	vunpack.i.l.s16.s32 v57  }
0x51: {  	v63 =	vunpack.i.u.s16.s32 v58;
	[tilespmem:v3+s20+$0x60 ss:$0x1] =	vst.idx.msk $0xffff, v4;
	v4 =	vunpack.i.u.s16.s32 v57;
	v5 =	vpack.i.b32.b16 v62, v5  }
0x52: {  	[tilespmem:v2+s20+$0x70 ss:$0x1] =	vst.idx.msk $0xffff, v5;
	v4 =	vpack.i.b32.b16 v63, v4  }
0x53: {  	p0 =	por $0x0, $0x0;
	[tilespmem:v3+s20+$0x70 ss:$0x1] =	vst.idx.msk $0xffff, v4;
	s20 =	simm.s32 $0x400  }
0x54: {  	p0 =	slt.u32 s18, $0xE  }
.Ltmp4:
0x55: {  	_ = 	snop;
	(pc) =	sbr.rel @p0 .LBB1_4-.Ltmp4, $3  }
0x56: {  	_ =	sdelay $0x1  }
0x57: {  	s19 =	sadd.s32 $0x2, s18  }
0x58: {  	s18 =	smov.u32 s19  }
0x59: {  	p0 =	slt.u32 s16, $0x6  }
.Ltmp5:
0x5a: {  	_ = 	snop;
	(pc) =	sbr.rel @p0 .LBB1_3-.Ltmp5, $3  }
0x5b: {  	_ =	sdelay $0x1  }
0x5c: {  	s17 =	sadd.s32 $0x2, s16  }
0x5d: {  	s16 =	smov.u32 s17  }
0x5e: {  	s15 =	sshll.u32 s13, $0x8;
	s30 =	sshll.u32 s13, $0x7  }
0x5f: {  	s15 =	sand.u32 $0xFFFFF800, s15;
	s13 =	sand.u32 $0x300, s30  }
0x60: {  	s13 =	sor.u32 s13, s15  }
0x61: {  	s13 =	sshrl.u32 s13, $0x8  }
0x62: {  	s31 =	smulhi.u32 $0x147AE15, s13  }
0x63: {  	s12 =	smul.u32 $0xC80, s12  }
0x64: {  	s15 =	smul.u32 $0xC8, s31  }
.Ltmp6:
0x65: {  	_ = 	snop;
	(pc) =	sbr.rel .LBB1_9-.Ltmp6, $4  }
0x66: {  	s13 =	ssub.s32 s13, s15  }
0x67: {  	s12 =	sadd.s32 s3, s12;
	s13 =	sshll.u32 s13, $0x4  }
0x68: {  	s12 =	sadd.s32 s13, s12  }
0x69: {  	[hbm4b:s12+s8] =	stream.strided.scatter [tilespmem:s14], [sflag:$0x2], $0x4000, s9, s8, $0x38;
	[tilespmem:$0x10000] =	vst v63  }
.LBB1_10:
0x6a: {  	_ =	sfence.sel $0x180000  }
0x6b: {  	s2 =	simm.s32 $0x1;
	[bflag:$0x0] =	sbarrier.arrive $0xFFFF  }
0x6c: {  	s31 =	simm.s32 $0x2;
	[sflag:s2] =	ssyncpa.u1 $0x1  }
0x6d: {  	[sflag:s31] =	ssyncpa.u1 $0x1  }
0x6e: {  	p0 =	sne.s32 s0, $0x0;
	_ =	strace $0x90000048  }
0x6f: {  	s0 =	sadd.s32 @!p0 $0x100000, s1;
	[bflag:$0x2] =	sbarrier.arrive $0xFFFF  }
0x70: {  	[sflag:s0] =	ssyncadd.tile.s32 @!p0 $0x1;
	_ =	shalt  }
.Lfunc_end1:
_tile_overlayer_lowered:
.L_overlay_start_2:
0x71: {  	(tag) =	ssettag $0x2  }
0x72: {  	s0 =	rddreg [dreg:$0x0];
	s2 =	stileid.u32  }
0x73: {  	s1 =	rddreg [dreg:$0x1];
	p0 =	sne.s32 s2, $0x0  }
0x74: {  	s3 =	rddreg [dreg:$0x2];
	[bflag:$0x3] =	sbarrier.arrive $0xFFFF;
	s2 =	simm.s32 @!p0 $0x1C01  }
0x75: {  	[timem:s3], [sflag:s2] =	dma.local @!p0 [hbm:s0], s1  }
0x76: {  	s0 =	simm.s32 @!p0 $0x1  }
0x77: {  	_ =	swait.ge @!p0 [sflag:s0], s1  }
0x78: {  	s1 =	ssub.s32 @!p0 $0x0, s1;
	[sflag:s0] =	ssyncset.done @!p0 $0x0  }
0x79: {  	[sflag:s0] =	ssyncadd.s32 @!p0 s1  }
0x7a: {  	[bflag:$0x3] =	sbarrier.arrive $0xFFFF  }
0x7b: {  	_ =	shalt  }

</sc_bundles>
